<compile_context>
chip_gen: v7x
topology: tpu7x:2x2x1
jax: 0.10.2.dev20260603
libtpu: 0.0.44.dev20260713+nightly
codegen_flags: <defaults>
</compile_context>

<pallas_src>
import functools

import jax
import jax.numpy as jnp
from jax import lax
from jax.experimental import pallas as pl
from jax.experimental.pallas import tpu as pltpu
from jax.experimental.pallas import tpu_sc as plsc

D = 64
SEQ = 50
NC = 2
NS = 16
NW = NC * NS
CHUNK = 128

TWO_PI = 6.2831853071795864769
INV_TWO_PI = 1.0 / TWO_PI

S0 = 9.9945015e-01
S1 = -1.6583844e-01
S2 = 7.9985755e-03
S3 = -1.4774044e-04
C0 = 9.9997109e-01
C1 = -4.9983761e-01
C2 = 4.1522305e-02
C3 = -1.3441069e-03
C4 = 1.9065215e-05


def _sincos(ph):
    t = ph * INV_TWO_PI
    k = (t + 0.5 * lax.sign(t)).astype(jnp.int32).astype(jnp.float32)
    r = ph - k * TWO_PI
    u = r * r
    s = r * (S0 + u * (S1 + u * (S2 + u * S3)))
    c = C0 + u * (C1 + u * (C2 + u * (C3 + u * C4)))
    return s, c


def _body(rows_per_w, n_chunks,
          x_hbm, label_hbm, freq_hbm, phase_hbm,
          real_hbm, imag_hbm,
          idx_v, amp_v, frq_v, bia_v, re_v, im_v, gsem, osem):
    wid = lax.axis_index("s") * NC + lax.axis_index("c")
    base_w = wid * rows_per_w

    def chunk_base(ci):
        return pl.multiple_of(base_w + ci * CHUNK, CHUNK)

    def start_gathers(ci, slot):
        base = chunk_base(ci)
        pltpu.sync_copy(x_hbm.at[pl.ds(base, CHUNK)], idx_v.at[slot])
        pltpu.async_copy(label_hbm.at[idx_v.at[slot]], amp_v.at[slot], gsem.at[slot])
        pltpu.async_copy(freq_hbm.at[idx_v.at[slot]], frq_v.at[slot], gsem.at[slot])
        pltpu.async_copy(phase_hbm.at[idx_v.at[slot]], bia_v.at[slot], gsem.at[slot])

    def wait_gathers(slot):
        pltpu.make_async_copy(label_hbm.at[idx_v.at[slot]], amp_v.at[slot], gsem.at[slot]).wait()
        pltpu.make_async_copy(freq_hbm.at[idx_v.at[slot]], frq_v.at[slot], gsem.at[slot]).wait()
        pltpu.make_async_copy(phase_hbm.at[idx_v.at[slot]], bia_v.at[slot], gsem.at[slot]).wait()

    def wait_stores(slot):
        base0 = chunk_base(0) * D
        pltpu.make_async_copy(re_v.at[slot], real_hbm.at[pl.ds(base0, CHUNK * D)], osem.at[slot]).wait()
        pltpu.make_async_copy(im_v.at[slot], imag_hbm.at[pl.ds(base0, CHUNK * D)], osem.at[slot]).wait()

    start_gathers(0, 0)

    @pl.loop(0, n_chunks, step=2)
    def chunk_loop(ci0):
        for b in range(2):
            ci = ci0 + b
            slot = b

            @pl.when(ci + 1 < n_chunks)
            def _prefetch():
                start_gathers(ci + 1, 1 - slot)

            wait_gathers(slot)

            @pl.when(ci >= 2)
            def _drain():
                wait_stores(slot)

            base = chunk_base(ci)
            pos0 = (lax.rem(base, SEQ) + 1).astype(jnp.float32)

            @pl.loop(0, CHUNK, init_carry=pos0)
            def row_loop(r, pos):
                for q in range(D // 16):
                    sl = pl.ds(q * 16, 16)
                    slo = pl.ds(r * D + q * 16, 16)
                    f = frq_v[slot, r, sl]
                    bb = bia_v[slot, r, sl]
                    a = amp_v[slot, r, sl]
                    s, c = _sincos(pos * f + bb)
                    re_v[slot, slo] = a * c
                    im_v[slot, slo] = a * s
                return lax.select(pos >= float(SEQ), 1.0, pos + 1.0)

            pltpu.async_copy(re_v.at[slot], real_hbm.at[pl.ds(base * D, CHUNK * D)], osem.at[slot])
            pltpu.async_copy(im_v.at[slot], imag_hbm.at[pl.ds(base * D, CHUNK * D)], osem.at[slot])

    wait_stores(0)
    wait_stores(1)


def kernel(x, label_w, freq_w, phase_w):
    bsz, seq = x.shape
    n_rows = bsz * seq
    rows_per_w = n_rows // NW
    n_chunks = rows_per_w // CHUNK
    xf = x.reshape(n_rows)

    out_sds = jax.ShapeDtypeStruct((n_rows * D,), jnp.float32)
    run = pl.kernel(
        functools.partial(_body, rows_per_w, n_chunks),
        out_type=[out_sds, out_sds],
        mesh=plsc.VectorSubcoreMesh(core_axis_name="c", subcore_axis_name="s"),
        scratch_types=[
            pltpu.VMEM((2, CHUNK), jnp.int32),
            pltpu.VMEM((2, CHUNK, D), jnp.float32),
            pltpu.VMEM((2, CHUNK, D), jnp.float32),
            pltpu.VMEM((2, CHUNK, D), jnp.float32),
            pltpu.VMEM((2, CHUNK * D), jnp.float32),
            pltpu.VMEM((2, CHUNK * D), jnp.float32),
            pltpu.SemaphoreType.DMA((2,)),
            pltpu.SemaphoreType.DMA((2,)),
        ],
        compiler_params=pltpu.CompilerParams(use_tc_tiling_on_sc=False),
    )
    real, imag = run(xf, label_w, freq_w, phase_w)
    return real.reshape(bsz, seq, D), imag.reshape(bsz, seq, D)

# --- scband reference (transcript-rebuilt; emitter-appended) ---
"""Pipeline reference for scband-complex-nn-77979426226621 (READ-ONLY COPY).

The authoritative reference and input builder live on the scoring server;
editing this copy changes nothing except your own understanding.
"""

import jax, jax.numpy as jnp
import numpy as np
import math

N_TOKEN = 100000
HDIM = 64
B = 4096
L = 50

def setup_inputs(seed: int = 0) -> dict:
    key = jax.random.key(seed)
    k1, k2, k3, k4 = jax.random.split(key, 4)
    x = jax.random.randint(k1, (B, L), 0, N_TOKEN, dtype=jnp.int32)
    label_w = jax.random.normal(k2, (N_TOKEN, HDIM), dtype=jnp.float32)
    freq_w = jax.random.normal(k3, (N_TOKEN, HDIM), dtype=jnp.float32)
    phase_w = jax.random.normal(k4, (N_TOKEN, HDIM), dtype=jnp.float32)
    return {"x": x, "label_w": label_w, "freq_w": freq_w, "phase_w": phase_w}

def reference(x, label_w, freq_w, phase_w):
    # amplitude / frequency lookups (gather)
    amplitude = jnp.take(label_w, x, axis=0)
    frequency = jnp.take(freq_w, x, axis=0)
    # torch code re-parameterizes phase weight mod 2*pi before the bias lookup
    phase_w_mod = phase_w % (2.0 * math.pi)
    dimension_bias = jnp.take(phase_w_mod, x, axis=0)
    sentence_len = x.shape[-1]
    pos_seq = jnp.arange(1, sentence_len + 1, dtype=jnp.float32)
    pos_seq = pos_seq[None, :, None]  # broadcast over batch and hdim (matches repeat)
    enc_output_phase = pos_seq * frequency + dimension_bias
    enc_output_real = amplitude * jnp.cos(enc_output_phase)
    enc_output_image = amplitude * jnp.sin(enc_output_phase)
    return (enc_output_real, enc_output_image)

if __name__ == "__main__":
    import jax
    _d = setup_inputs()
    print(jax.jit(kernel)(*tuple(_d.values())))

</pallas_src>

<mosaic_0001>
#map = affine_map<(d0, d1) -> (0)>
#map1 = affine_map<(d0, d1) -> (0, 0)>
module attributes {stable_mosaic.version = 14 : i64} {
  func.func @_body(%arg0: i32, %arg1: i32, %arg2: memref<204800xi32, #tpu.memory_space<hbm>>, %arg3: memref<100000x64xf32, #tpu.memory_space<hbm>>, %arg4: memref<100000x64xf32, #tpu.memory_space<hbm>>, %arg5: memref<100000x64xf32, #tpu.memory_space<hbm>>, %arg6: memref<13107200xf32, #tpu.memory_space<hbm>>, %arg7: memref<13107200xf32, #tpu.memory_space<hbm>>, %arg8: memref<2x128xi32, #tpu.memory_space<vmem>>, %arg9: memref<2x128x64xf32, #tpu.memory_space<vmem>>, %arg10: memref<2x128x64xf32, #tpu.memory_space<vmem>>, %arg11: memref<2x128x64xf32, #tpu.memory_space<vmem>>, %arg12: memref<2x8192xf32, #tpu.memory_space<vmem>>, %arg13: memref<2x8192xf32, #tpu.memory_space<vmem>>, %arg14: memref<2x!tpu.dma_semaphore, #tpu.memory_space<semaphore_mem>>, %arg15: memref<2x!tpu.dma_semaphore, #tpu.memory_space<semaphore_mem>>) attributes {dimension_semantics = [#tpu.dimension_semantics<core_parallel>, #tpu.dimension_semantics<subcore_parallel>], iteration_bounds = array<i64: 2, 16>, scalar_prefetch = 0 : i64, scratch_operands = 8 : i64, tpu.core_type = #tpu.core_type<sc_vector_subcore>, window_params = [{transform_indices = #map}, {transform_indices = #map1}, {transform_indices = #map1}, {transform_indices = #map1}, {transform_indices = #map}, {transform_indices = #map}]} {
    %mul3A = arith.constant 2 : i32
    %mul3A_0 = arith.muli %arg1, %mul3A : i32
    %add3A = arith.addi %mul3A_0, %arg0 : i32
    %mul3A_1 = arith.constant 6400 : i32
    %mul3A_2 = arith.muli %add3A, %mul3A_1 : i32
    %add3A_3 = arith.constant 0 : i32
    %add3A_4 = arith.addi %mul3A_2, %add3A_3 : i32
    %multiple_of3A = tpu.assume_multiple %add3A_4, 128 : i32
    %run_scoped3A = arith.constant 0 : i32
    "tpu.region"() ({
      %run_scoped3A_110 = tpu.sem_alloc : memref<!tpu.dma_semaphore, #tpu.memory_space<semaphore_mem>>
      %dma_start3A_111 = arith.constant 0 : i32
      %dma_start3A_112 = tpu.memref_slice %arg8[%run_scoped3A, %dma_start3A_111] : memref<2x128xi32, #tpu.memory_space<vmem>> -> memref<1x128xi32, #tpu.memory_space<vmem>>
      %dma_start3A_113 = tpu.memref_squeeze %dma_start3A_112 : memref<1x128xi32, #tpu.memory_space<vmem>> -> memref<128xi32, #tpu.memory_space<vmem>>
      %dma_start3A_114 = tpu.memref_slice %arg2[%multiple_of3A] : memref<204800xi32, #tpu.memory_space<hbm>> -> memref<128xi32, #tpu.memory_space<hbm>>
      %dma_start3A_115 = arith.constant 0 : i32
      %dma_start3A_116 = tpu.memref_slice %arg8[%run_scoped3A, %dma_start3A_115] : memref<2x128xi32, #tpu.memory_space<vmem>> -> memref<1x128xi32, #tpu.memory_space<vmem>>
      %dma_start3A_117 = tpu.memref_squeeze %dma_start3A_116 : memref<1x128xi32, #tpu.memory_space<vmem>> -> memref<128xi32, #tpu.memory_space<vmem>>
      %dma_start3A_118 = tpu.memref_slice %arg2[%multiple_of3A] : memref<204800xi32, #tpu.memory_space<hbm>> -> memref<128xi32, #tpu.memory_space<hbm>>
      tpu.enqueue_dma source(%dma_start3A_118 : memref<128xi32, #tpu.memory_space<hbm>>) target(%dma_start3A_117 : memref<128xi32, #tpu.memory_space<vmem>>) target_semaphore(%run_scoped3A_110 : memref<!tpu.dma_semaphore, #tpu.memory_space<semaphore_mem>>)
      %dma_wait3A_119 = arith.constant 0 : i32
      %dma_wait3A_120 = tpu.memref_slice %arg8[%run_scoped3A, %dma_wait3A_119] : memref<2x128xi32, #tpu.memory_space<vmem>> -> memref<1x128xi32, #tpu.memory_space<vmem>>
      %dma_wait3A_121 = tpu.memref_squeeze %dma_wait3A_120 : memref<1x128xi32, #tpu.memory_space<vmem>> -> memref<128xi32, #tpu.memory_space<vmem>>
      %dma_wait3A_122 = tpu.memref_slice %arg2[%multiple_of3A] : memref<204800xi32, #tpu.memory_space<hbm>> -> memref<128xi32, #tpu.memory_space<hbm>>
      %dma_wait3A_123 = arith.constant 0 : i32
      %dma_wait3A_124 = tpu.memref_slice %arg8[%run_scoped3A, %dma_wait3A_123] : memref<2x128xi32, #tpu.memory_space<vmem>> -> memref<1x128xi32, #tpu.memory_space<vmem>>
      %dma_wait3A_125 = tpu.memref_squeeze %dma_wait3A_124 : memref<1x128xi32, #tpu.memory_space<vmem>> -> memref<128xi32, #tpu.memory_space<vmem>>
      %dma_wait3A_126 = tpu.memref_slice %arg2[%multiple_of3A] : memref<204800xi32, #tpu.memory_space<hbm>> -> memref<128xi32, #tpu.memory_space<hbm>>
      tpu.wait_dma2 semaphore(%run_scoped3A_110 : memref<!tpu.dma_semaphore, #tpu.memory_space<semaphore_mem>>) src(%dma_wait3A_126 : memref<128xi32, #tpu.memory_space<hbm>>) dst(%dma_wait3A_125 : memref<128xi32, #tpu.memory_space<vmem>>)
      tpu.yield
    }) : () -> ()
    %dma_start3A = arith.constant 0 : i32
    %dma_start3A_5 = arith.constant 0 : i32
    %dma_start3A_6 = arith.constant 0 : i32
    %dma_start3A_7 = arith.constant 0 : i32
    %dma_start3A_8 = arith.constant 0 : i32
    %dma_start3A_9 = tpu.memref_slice %arg9[%dma_start3A_5, %dma_start3A_7, %dma_start3A_8] : memref<2x128x64xf32, #tpu.memory_space<vmem>> -> memref<1x128x64xf32, #tpu.memory_space<vmem>>
    %dma_start3A_10 = tpu.memref_squeeze %dma_start3A_9 : memref<1x128x64xf32, #tpu.memory_space<vmem>> -> memref<128x64xf32, #tpu.memory_space<vmem>>
    %dma_start3A_11 = arith.constant 0 : i32
    %dma_start3A_12 = tpu.memref_slice %arg8[%dma_start3A, %dma_start3A_11] : memref<2x128xi32, #tpu.memory_space<vmem>> -> memref<1x128xi32, #tpu.memory_space<vmem>>
    %dma_start3A_13 = tpu.memref_squeeze %dma_start3A_12 : memref<1x128xi32, #tpu.memory_space<vmem>> -> memref<128xi32, #tpu.memory_space<vmem>>
    %dma_start3A_14 = arith.constant 0 : i32
    %dma_start3A_15 = arith.constant 0 : i32
    %dma_start3A_16 = tpu.memref_slice %arg3[%dma_start3A_14, %dma_start3A_15] : memref<100000x64xf32, #tpu.memory_space<hbm>> -> memref<100000x64xf32, #tpu.memory_space<hbm>>
    %dma_start3A_17 = tpu.memref_slice %arg14[%dma_start3A_6] : memref<2x!tpu.dma_semaphore, #tpu.memory_space<semaphore_mem>> -> memref<1x!tpu.dma_semaphore, #tpu.memory_space<semaphore_mem>>
    %dma_start3A_18 = tpu.memref_squeeze %dma_start3A_17 : memref<1x!tpu.dma_semaphore, #tpu.memory_space<semaphore_mem>> -> memref<!tpu.dma_semaphore, #tpu.memory_space<semaphore_mem>>
    tpu.enqueue_indirect_dma source(%dma_start3A_16 : memref<100000x64xf32, #tpu.memory_space<hbm>>) target(%dma_start3A_10 : memref<128x64xf32, #tpu.memory_space<vmem>>) offsets(%dma_start3A_13 : memref<128xi32, #tpu.memory_space<vmem>>) semaphore(%dma_start3A_18 : memref<!tpu.dma_semaphore, #tpu.memory_space<semaphore_mem>>)
    %dma_start3A_19 = arith.constant 0 : i32
    %dma_start3A_20 = arith.constant 0 : i32
    %dma_start3A_21 = arith.constant 0 : i32
    %dma_start3A_22 = arith.constant 0 : i32
    %dma_start3A_23 = arith.constant 0 : i32
    %dma_start3A_24 = tpu.memref_slice %arg10[%dma_start3A_20, %dma_start3A_22, %dma_start3A_23] : memref<2x128x64xf32, #tpu.memory_space<vmem>> -> memref<1x128x64xf32, #tpu.memory_space<vmem>>
    %dma_start3A_25 = tpu.memref_squeeze %dma_start3A_24 : memref<1x128x64xf32, #tpu.memory_space<vmem>> -> memref<128x64xf32, #tpu.memory_space<vmem>>
    %dma_start3A_26 = arith.constant 0 : i32
    %dma_start3A_27 = tpu.memref_slice %arg8[%dma_start3A_19, %dma_start3A_26] : memref<2x128xi32, #tpu.memory_space<vmem>> -> memref<1x128xi32, #tpu.memory_space<vmem>>
    %dma_start3A_28 = tpu.memref_squeeze %dma_start3A_27 : memref<1x128xi32, #tpu.memory_space<vmem>> -> memref<128xi32, #tpu.memory_space<vmem>>
    %dma_start3A_29 = arith.constant 0 : i32
    %dma_start3A_30 = arith.constant 0 : i32
    %dma_start3A_31 = tpu.memref_slice %arg4[%dma_start3A_29, %dma_start3A_30] : memref<100000x64xf32, #tpu.memory_space<hbm>> -> memref<100000x64xf32, #tpu.memory_space<hbm>>
    %dma_start3A_32 = tpu.memref_slice %arg14[%dma_start3A_21] : memref<2x!tpu.dma_semaphore, #tpu.memory_space<semaphore_mem>> -> memref<1x!tpu.dma_semaphore, #tpu.memory_space<semaphore_mem>>
    %dma_start3A_33 = tpu.memref_squeeze %dma_start3A_32 : memref<1x!tpu.dma_semaphore, #tpu.memory_space<semaphore_mem>> -> memref<!tpu.dma_semaphore, #tpu.memory_space<semaphore_mem>>
    tpu.enqueue_indirect_dma source(%dma_start3A_31 : memref<100000x64xf32, #tpu.memory_space<hbm>>) target(%dma_start3A_25 : memref<128x64xf32, #tpu.memory_space<vmem>>) offsets(%dma_start3A_28 : memref<128xi32, #tpu.memory_space<vmem>>) semaphore(%dma_start3A_33 : memref<!tpu.dma_semaphore, #tpu.memory_space<semaphore_mem>>)
    %dma_start3A_34 = arith.constant 0 : i32
    %dma_start3A_35 = arith.constant 0 : i32
    %dma_start3A_36 = arith.constant 0 : i32
    %dma_start3A_37 = arith.constant 0 : i32
    %dma_start3A_38 = arith.constant 0 : i32
    %dma_start3A_39 = tpu.memref_slice %arg11[%dma_start3A_35, %dma_start3A_37, %dma_start3A_38] : memref<2x128x64xf32, #tpu.memory_space<vmem>> -> memref<1x128x64xf32, #tpu.memory_space<vmem>>
    %dma_start3A_40 = tpu.memref_squeeze %dma_start3A_39 : memref<1x128x64xf32, #tpu.memory_space<vmem>> -> memref<128x64xf32, #tpu.memory_space<vmem>>
    %dma_start3A_41 = arith.constant 0 : i32
    %dma_start3A_42 = tpu.memref_slice %arg8[%dma_start3A_34, %dma_start3A_41] : memref<2x128xi32, #tpu.memory_space<vmem>> -> memref<1x128xi32, #tpu.memory_space<vmem>>
    %dma_start3A_43 = tpu.memref_squeeze %dma_start3A_42 : memref<1x128xi32, #tpu.memory_space<vmem>> -> memref<128xi32, #tpu.memory_space<vmem>>
    %dma_start3A_44 = arith.constant 0 : i32
    %dma_start3A_45 = arith.constant 0 : i32
    %dma_start3A_46 = tpu.memref_slice %arg5[%dma_start3A_44, %dma_start3A_45] : memref<100000x64xf32, #tpu.memory_space<hbm>> -> memref<100000x64xf32, #tpu.memory_space<hbm>>
    %dma_start3A_47 = tpu.memref_slice %arg14[%dma_start3A_36] : memref<2x!tpu.dma_semaphore, #tpu.memory_space<semaphore_mem>> -> memref<1x!tpu.dma_semaphore, #tpu.memory_space<semaphore_mem>>
    %dma_start3A_48 = tpu.memref_squeeze %dma_start3A_47 : memref<1x!tpu.dma_semaphore, #tpu.memory_space<semaphore_mem>> -> memref<!tpu.dma_semaphore, #tpu.memory_space<semaphore_mem>>
    tpu.enqueue_indirect_dma source(%dma_start3A_46 : memref<100000x64xf32, #tpu.memory_space<hbm>>) target(%dma_start3A_40 : memref<128x64xf32, #tpu.memory_space<vmem>>) offsets(%dma_start3A_43 : memref<128xi32, #tpu.memory_space<vmem>>) semaphore(%dma_start3A_48 : memref<!tpu.dma_semaphore, #tpu.memory_space<semaphore_mem>>)
    %scan3A = arith.constant 0 : i32
    %scan3A_49 = arith.constant 25 : i32
    %scan3A_50 = arith.addi %scan3A, %scan3A_49 : i32
    %scan3A_51 = arith.constant 1 : i32
    scf.for %scan3A_110 = %scan3A to %scan3A_50 step %scan3A_51  : i32 {
      %mul3A_111 = arith.constant 2 : i32
      %mul3A_112 = arith.muli %scan3A_110, %mul3A_111 : i32
      %add3A_113 = arith.constant 0 : i32
      %add3A_114 = arith.addi %add3A_113, %mul3A_112 : i32
      %add3A_115 = arith.constant 0 : i32
      %add3A_116 = arith.addi %add3A_114, %add3A_115 : i32
      %add3A_117 = arith.constant 1 : i32
      %add3A_118 = arith.addi %add3A_116, %add3A_117 : i32
      %lt3A = arith.constant 50 : i32
      %lt3A_119 = arith.cmpi slt, %add3A_118, %lt3A : i32
      %convert_element_type3A = arith.extui %lt3A_119 : i1 to i32
      %cond3A = arith.constant 0 : i32
      %cond3A_120 = arith.cmpi ne, %convert_element_type3A, %cond3A : i32
      scf.if %cond3A_120 {
        %add3A_314 = arith.constant 1 : i32
        %add3A_315 = arith.addi %add3A_116, %add3A_314 : i32
        %mul3A_316 = arith.constant 128 : i32
        %mul3A_317 = arith.muli %add3A_315, %mul3A_316 : i32
        %add3A_318 = arith.addi %mul3A_2, %mul3A_317 : i32
        %multiple_of3A_319 = tpu.assume_multiple %add3A_318, 128 : i32
        %run_scoped3A_320 = arith.constant 1 : i32
        "tpu.region"() ({
          %run_scoped3A_366 = tpu.sem_alloc : memref<!tpu.dma_semaphore, #tpu.memory_space<semaphore_mem>>
          %dma_start3A_367 = arith.constant 0 : i32
          %dma_start3A_368 = tpu.memref_slice %arg8[%run_scoped3A_320, %dma_start3A_367] : memref<2x128xi32, #tpu.memory_space<vmem>> -> memref<1x128xi32, #tpu.memory_space<vmem>>
          %dma_start3A_369 = tpu.memref_squeeze %dma_start3A_368 : memref<1x128xi32, #tpu.memory_space<vmem>> -> memref<128xi32, #tpu.memory_space<vmem>>
          %dma_start3A_370 = tpu.memref_slice %arg2[%multiple_of3A_319] : memref<204800xi32, #tpu.memory_space<hbm>> -> memref<128xi32, #tpu.memory_space<hbm>>
          %dma_start3A_371 = arith.constant 0 : i32
          %dma_start3A_372 = tpu.memref_slice %arg8[%run_scoped3A_320, %dma_start3A_371] : memref<2x128xi32, #tpu.memory_space<vmem>> -> memref<1x128xi32, #tpu.memory_space<vmem>>
          %dma_start3A_373 = tpu.memref_squeeze %dma_start3A_372 : memref<1x128xi32, #tpu.memory_space<vmem>> -> memref<128xi32, #tpu.memory_space<vmem>>
          %dma_start3A_374 = tpu.memref_slice %arg2[%multiple_of3A_319] : memref<204800xi32, #tpu.memory_space<hbm>> -> memref<128xi32, #tpu.memory_space<hbm>>
          tpu.enqueue_dma source(%dma_start3A_374 : memref<128xi32, #tpu.memory_space<hbm>>) target(%dma_start3A_373 : memref<128xi32, #tpu.memory_space<vmem>>) target_semaphore(%run_scoped3A_366 : memref<!tpu.dma_semaphore, #tpu.memory_space<semaphore_mem>>)
          %dma_wait3A_375 = arith.constant 0 : i32
          %dma_wait3A_376 = tpu.memref_slice %arg8[%run_scoped3A_320, %dma_wait3A_375] : memref<2x128xi32, #tpu.memory_space<vmem>> -> memref<1x128xi32, #tpu.memory_space<vmem>>
          %dma_wait3A_377 = tpu.memref_squeeze %dma_wait3A_376 : memref<1x128xi32, #tpu.memory_space<vmem>> -> memref<128xi32, #tpu.memory_space<vmem>>
          %dma_wait3A_378 = tpu.memref_slice %arg2[%multiple_of3A_319] : memref<204800xi32, #tpu.memory_space<hbm>> -> memref<128xi32, #tpu.memory_space<hbm>>
          %dma_wait3A_379 = arith.constant 0 : i32
          %dma_wait3A_380 = tpu.memref_slice %arg8[%run_scoped3A_320, %dma_wait3A_379] : memref<2x128xi32, #tpu.memory_space<vmem>> -> memref<1x128xi32, #tpu.memory_space<vmem>>
          %dma_wait3A_381 = tpu.memref_squeeze %dma_wait3A_380 : memref<1x128xi32, #tpu.memory_space<vmem>> -> memref<128xi32, #tpu.memory_space<vmem>>
          %dma_wait3A_382 = tpu.memref_slice %arg2[%multiple_of3A_319] : memref<204800xi32, #tpu.memory_space<hbm>> -> memref<128xi32, #tpu.memory_space<hbm>>
          tpu.wait_dma2 semaphore(%run_scoped3A_366 : memref<!tpu.dma_semaphore, #tpu.memory_space<semaphore_mem>>) src(%dma_wait3A_382 : memref<128xi32, #tpu.memory_space<hbm>>) dst(%dma_wait3A_381 : memref<128xi32, #tpu.memory_space<vmem>>)
          tpu.yield
        }) : () -> ()
        %dma_start3A_321 = arith.constant 1 : i32
        %dma_start3A_322 = arith.constant 1 : i32
        %dma_start3A_323 = arith.constant 1 : i32
        %dma_start3A_324 = arith.constant 0 : i32
        %dma_start3A_325 = arith.constant 0 : i32
        %dma_start3A_326 = tpu.memref_slice %arg9[%dma_start3A_322, %dma_start3A_324, %dma_start3A_325] : memref<2x128x64xf32, #tpu.memory_space<vmem>> -> memref<1x128x64xf32, #tpu.memory_space<vmem>>
        %dma_start3A_327 = tpu.memref_squeeze %dma_start3A_326 : memref<1x128x64xf32, #tpu.memory_space<vmem>> -> memref<128x64xf32, #tpu.memory_space<vmem>>
        %dma_start3A_328 = arith.constant 0 : i32
        %dma_start3A_329 = tpu.memref_slice %arg8[%dma_start3A_321, %dma_start3A_328] : memref<2x128xi32, #tpu.memory_space<vmem>> -> memref<1x128xi32, #tpu.memory_space<vmem>>
        %dma_start3A_330 = tpu.memref_squeeze %dma_start3A_329 : memref<1x128xi32, #tpu.memory_space<vmem>> -> memref<128xi32, #tpu.memory_space<vmem>>
        %dma_start3A_331 = arith.constant 0 : i32
        %dma_start3A_332 = arith.constant 0 : i32
        %dma_start3A_333 = tpu.memref_slice %arg3[%dma_start3A_331, %dma_start3A_332] : memref<100000x64xf32, #tpu.memory_space<hbm>> -> memref<100000x64xf32, #tpu.memory_space<hbm>>
        %dma_start3A_334 = tpu.memref_slice %arg14[%dma_start3A_323] : memref<2x!tpu.dma_semaphore, #tpu.memory_space<semaphore_mem>> -> memref<1x!tpu.dma_semaphore, #tpu.memory_space<semaphore_mem>>
        %dma_start3A_335 = tpu.memref_squeeze %dma_start3A_334 : memref<1x!tpu.dma_semaphore, #tpu.memory_space<semaphore_mem>> -> memref<!tpu.dma_semaphore, #tpu.memory_space<semaphore_mem>>
        tpu.enqueue_indirect_dma source(%dma_start3A_333 : memref<100000x64xf32, #tpu.memory_space<hbm>>) target(%dma_start3A_327 : memref<128x64xf32, #tpu.memory_space<vmem>>) offsets(%dma_start3A_330 : memref<128xi32, #tpu.memory_space<vmem>>) semaphore(%dma_start3A_335 : memref<!tpu.dma_semaphore, #tpu.memory_space<semaphore_mem>>)
        %dma_start3A_336 = arith.constant 1 : i32
        %dma_start3A_337 = arith.constant 1 : i32
        %dma_start3A_338 = arith.constant 1 : i32
        %dma_start3A_339 = arith.constant 0 : i32
        %dma_start3A_340 = arith.constant 0 : i32
        %dma_start3A_341 = tpu.memref_slice %arg10[%dma_start3A_337, %dma_start3A_339, %dma_start3A_340] : memref<2x128x64xf32, #tpu.memory_space<vmem>> -> memref<1x128x64xf32, #tpu.memory_space<vmem>>
        %dma_start3A_342 = tpu.memref_squeeze %dma_start3A_341 : memref<1x128x64xf32, #tpu.memory_space<vmem>> -> memref<128x64xf32, #tpu.memory_space<vmem>>
        %dma_start3A_343 = arith.constant 0 : i32
        %dma_start3A_344 = tpu.memref_slice %arg8[%dma_start3A_336, %dma_start3A_343] : memref<2x128xi32, #tpu.memory_space<vmem>> -> memref<1x128xi32, #tpu.memory_space<vmem>>
        %dma_start3A_345 = tpu.memref_squeeze %dma_start3A_344 : memref<1x128xi32, #tpu.memory_space<vmem>> -> memref<128xi32, #tpu.memory_space<vmem>>
        %dma_start3A_346 = arith.constant 0 : i32
        %dma_start3A_347 = arith.constant 0 : i32
        %dma_start3A_348 = tpu.memref_slice %arg4[%dma_start3A_346, %dma_start3A_347] : memref<100000x64xf32, #tpu.memory_space<hbm>> -> memref<100000x64xf32, #tpu.memory_space<hbm>>
        %dma_start3A_349 = tpu.memref_slice %arg14[%dma_start3A_338] : memref<2x!tpu.dma_semaphore, #tpu.memory_space<semaphore_mem>> -> memref<1x!tpu.dma_semaphore, #tpu.memory_space<semaphore_mem>>
        %dma_start3A_350 = tpu.memref_squeeze %dma_start3A_349 : memref<1x!tpu.dma_semaphore, #tpu.memory_space<semaphore_mem>> -> memref<!tpu.dma_semaphore, #tpu.memory_space<semaphore_mem>>
        tpu.enqueue_indirect_dma source(%dma_start3A_348 : memref<100000x64xf32, #tpu.memory_space<hbm>>) target(%dma_start3A_342 : memref<128x64xf32, #tpu.memory_space<vmem>>) offsets(%dma_start3A_345 : memref<128xi32, #tpu.memory_space<vmem>>) semaphore(%dma_start3A_350 : memref<!tpu.dma_semaphore, #tpu.memory_space<semaphore_mem>>)
        %dma_start3A_351 = arith.constant 1 : i32
        %dma_start3A_352 = arith.constant 1 : i32
        %dma_start3A_353 = arith.constant 1 : i32
        %dma_start3A_354 = arith.constant 0 : i32
        %dma_start3A_355 = arith.constant 0 : i32
        %dma_start3A_356 = tpu.memref_slice %arg11[%dma_start3A_352, %dma_start3A_354, %dma_start3A_355] : memref<2x128x64xf32, #tpu.memory_space<vmem>> -> memref<1x128x64xf32, #tpu.memory_space<vmem>>
        %dma_start3A_357 = tpu.memref_squeeze %dma_start3A_356 : memref<1x128x64xf32, #tpu.memory_space<vmem>> -> memref<128x64xf32, #tpu.memory_space<vmem>>
        %dma_start3A_358 = arith.constant 0 : i32
        %dma_start3A_359 = tpu.memref_slice %arg8[%dma_start3A_351, %dma_start3A_358] : memref<2x128xi32, #tpu.memory_space<vmem>> -> memref<1x128xi32, #tpu.memory_space<vmem>>
        %dma_start3A_360 = tpu.memref_squeeze %dma_start3A_359 : memref<1x128xi32, #tpu.memory_space<vmem>> -> memref<128xi32, #tpu.memory_space<vmem>>
        %dma_start3A_361 = arith.constant 0 : i32
        %dma_start3A_362 = arith.constant 0 : i32
        %dma_start3A_363 = tpu.memref_slice %arg5[%dma_start3A_361, %dma_start3A_362] : memref<100000x64xf32, #tpu.memory_space<hbm>> -> memref<100000x64xf32, #tpu.memory_space<hbm>>
        %dma_start3A_364 = tpu.memref_slice %arg14[%dma_start3A_353] : memref<2x!tpu.dma_semaphore, #tpu.memory_space<semaphore_mem>> -> memref<1x!tpu.dma_semaphore, #tpu.memory_space<semaphore_mem>>
        %dma_start3A_365 = tpu.memref_squeeze %dma_start3A_364 : memref<1x!tpu.dma_semaphore, #tpu.memory_space<semaphore_mem>> -> memref<!tpu.dma_semaphore, #tpu.memory_space<semaphore_mem>>
        tpu.enqueue_indirect_dma source(%dma_start3A_363 : memref<100000x64xf32, #tpu.memory_space<hbm>>) target(%dma_start3A_357 : memref<128x64xf32, #tpu.memory_space<vmem>>) offsets(%dma_start3A_360 : memref<128xi32, #tpu.memory_space<vmem>>) semaphore(%dma_start3A_365 : memref<!tpu.dma_semaphore, #tpu.memory_space<semaphore_mem>>)
      } else {
      }
      %dma_wait3A_121 = arith.constant 0 : i32
      %dma_wait3A_122 = arith.constant 0 : i32
      %dma_wait3A_123 = arith.constant 0 : i32
      %dma_wait3A_124 = arith.constant 0 : i32
      %dma_wait3A_125 = arith.constant 0 : i32
      %dma_wait3A_126 = tpu.memref_slice %arg9[%dma_wait3A_122, %dma_wait3A_124, %dma_wait3A_125] : memref<2x128x64xf32, #tpu.memory_space<vmem>> -> memref<1x128x64xf32, #tpu.memory_space<vmem>>
      %dma_wait3A_127 = tpu.memref_squeeze %dma_wait3A_126 : memref<1x128x64xf32, #tpu.memory_space<vmem>> -> memref<128x64xf32, #tpu.memory_space<vmem>>
      %dma_wait3A_128 = arith.constant 0 : i32
      %dma_wait3A_129 = tpu.memref_slice %arg8[%dma_wait3A_121, %dma_wait3A_128] : memref<2x128xi32, #tpu.memory_space<vmem>> -> memref<1x128xi32, #tpu.memory_space<vmem>>
      %dma_wait3A_130 = tpu.memref_squeeze %dma_wait3A_129 : memref<1x128xi32, #tpu.memory_space<vmem>> -> memref<128xi32, #tpu.memory_space<vmem>>
      %dma_wait3A_131 = arith.constant 0 : i32
      %dma_wait3A_132 = arith.constant 0 : i32
      %dma_wait3A_133 = tpu.memref_slice %arg3[%dma_wait3A_131, %dma_wait3A_132] : memref<100000x64xf32, #tpu.memory_space<hbm>> -> memref<100000x64xf32, #tpu.memory_space<hbm>>
      %dma_wait3A_134 = tpu.memref_slice %arg14[%dma_wait3A_123] : memref<2x!tpu.dma_semaphore, #tpu.memory_space<semaphore_mem>> -> memref<1x!tpu.dma_semaphore, #tpu.memory_space<semaphore_mem>>
      %dma_wait3A_135 = tpu.memref_squeeze %dma_wait3A_134 : memref<1x!tpu.dma_semaphore, #tpu.memory_space<semaphore_mem>> -> memref<!tpu.dma_semaphore, #tpu.memory_space<semaphore_mem>>
      tpu.wait_indirect_dma semaphore(%dma_wait3A_135 : memref<!tpu.dma_semaphore, #tpu.memory_space<semaphore_mem>>) src(%dma_wait3A_133 : memref<100000x64xf32, #tpu.memory_space<hbm>>) dst(%dma_wait3A_127 : memref<128x64xf32, #tpu.memory_space<vmem>>)
      %dma_wait3A_136 = arith.constant 0 : i32
      %dma_wait3A_137 = arith.constant 0 : i32
      %dma_wait3A_138 = arith.constant 0 : i32
      %dma_wait3A_139 = arith.constant 0 : i32
      %dma_wait3A_140 = arith.constant 0 : i32
      %dma_wait3A_141 = tpu.memref_slice %arg10[%dma_wait3A_137, %dma_wait3A_139, %dma_wait3A_140] : memref<2x128x64xf32, #tpu.memory_space<vmem>> -> memref<1x128x64xf32, #tpu.memory_space<vmem>>
      %dma_wait3A_142 = tpu.memref_squeeze %dma_wait3A_141 : memref<1x128x64xf32, #tpu.memory_space<vmem>> -> memref<128x64xf32, #tpu.memory_space<vmem>>
      %dma_wait3A_143 = arith.constant 0 : i32
      %dma_wait3A_144 = tpu.memref_slice %arg8[%dma_wait3A_136, %dma_wait3A_143] : memref<2x128xi32, #tpu.memory_space<vmem>> -> memref<1x128xi32, #tpu.memory_space<vmem>>
      %dma_wait3A_145 = tpu.memref_squeeze %dma_wait3A_144 : memref<1x128xi32, #tpu.memory_space<vmem>> -> memref<128xi32, #tpu.memory_space<vmem>>
      %dma_wait3A_146 = arith.constant 0 : i32
      %dma_wait3A_147 = arith.constant 0 : i32
      %dma_wait3A_148 = tpu.memref_slice %arg4[%dma_wait3A_146, %dma_wait3A_147] : memref<100000x64xf32, #tpu.memory_space<hbm>> -> memref<100000x64xf32, #tpu.memory_space<hbm>>
      %dma_wait3A_149 = tpu.memref_slice %arg14[%dma_wait3A_138] : memref<2x!tpu.dma_semaphore, #tpu.memory_space<semaphore_mem>> -> memref<1x!tpu.dma_semaphore, #tpu.memory_space<semaphore_mem>>
      %dma_wait3A_150 = tpu.memref_squeeze %dma_wait3A_149 : memref<1x!tpu.dma_semaphore, #tpu.memory_space<semaphore_mem>> -> memref<!tpu.dma_semaphore, #tpu.memory_space<semaphore_mem>>
      tpu.wait_indirect_dma semaphore(%dma_wait3A_150 : memref<!tpu.dma_semaphore, #tpu.memory_space<semaphore_mem>>) src(%dma_wait3A_148 : memref<100000x64xf32, #tpu.memory_space<hbm>>) dst(%dma_wait3A_142 : memref<128x64xf32, #tpu.memory_space<vmem>>)
      %dma_wait3A_151 = arith.constant 0 : i32
      %dma_wait3A_152 = arith.constant 0 : i32
      %dma_wait3A_153 = arith.constant 0 : i32
      %dma_wait3A_154 = arith.constant 0 : i32
      %dma_wait3A_155 = arith.constant 0 : i32
      %dma_wait3A_156 = tpu.memref_slice %arg11[%dma_wait3A_152, %dma_wait3A_154, %dma_wait3A_155] : memref<2x128x64xf32, #tpu.memory_space<vmem>> -> memref<1x128x64xf32, #tpu.memory_space<vmem>>
      %dma_wait3A_157 = tpu.memref_squeeze %dma_wait3A_156 : memref<1x128x64xf32, #tpu.memory_space<vmem>> -> memref<128x64xf32, #tpu.memory_space<vmem>>
      %dma_wait3A_158 = arith.constant 0 : i32
      %dma_wait3A_159 = tpu.memref_slice %arg8[%dma_wait3A_151, %dma_wait3A_158] : memref<2x128xi32, #tpu.memory_space<vmem>> -> memref<1x128xi32, #tpu.memory_space<vmem>>
      %dma_wait3A_160 = tpu.memref_squeeze %dma_wait3A_159 : memref<1x128xi32, #tpu.memory_space<vmem>> -> memref<128xi32, #tpu.memory_space<vmem>>
      %dma_wait3A_161 = arith.constant 0 : i32
      %dma_wait3A_162 = arith.constant 0 : i32
      %dma_wait3A_163 = tpu.memref_slice %arg5[%dma_wait3A_161, %dma_wait3A_162] : memref<100000x64xf32, #tpu.memory_space<hbm>> -> memref<100000x64xf32, #tpu.memory_space<hbm>>
      %dma_wait3A_164 = tpu.memref_slice %arg14[%dma_wait3A_153] : memref<2x!tpu.dma_semaphore, #tpu.memory_space<semaphore_mem>> -> memref<1x!tpu.dma_semaphore, #tpu.memory_space<semaphore_mem>>
      %dma_wait3A_165 = tpu.memref_squeeze %dma_wait3A_164 : memref<1x!tpu.dma_semaphore, #tpu.memory_space<semaphore_mem>> -> memref<!tpu.dma_semaphore, #tpu.memory_space<semaphore_mem>>
      tpu.wait_indirect_dma semaphore(%dma_wait3A_165 : memref<!tpu.dma_semaphore, #tpu.memory_space<semaphore_mem>>) src(%dma_wait3A_163 : memref<100000x64xf32, #tpu.memory_space<hbm>>) dst(%dma_wait3A_157 : memref<128x64xf32, #tpu.memory_space<vmem>>)
      %ge3A = arith.constant 2 : i32
      %ge3A_166 = arith.cmpi sge, %add3A_116, %ge3A : i32
      %convert_element_type3A_167 = arith.extui %ge3A_166 : i1 to i32
      %cond3A_168 = arith.constant 0 : i32
      %cond3A_169 = arith.cmpi ne, %convert_element_type3A_167, %cond3A_168 : i32
      scf.if %cond3A_169 {
        %add3A_314 = arith.constant 0 : i32
        %add3A_315 = arith.addi %mul3A_2, %add3A_314 : i32
        %multiple_of3A_316 = tpu.assume_multiple %add3A_315, 128 : i32
        %mul3A_317 = arith.constant 64 : i32
        %mul3A_318 = arith.muli %multiple_of3A_316, %mul3A_317 : i32
        %dma_wait3A_319 = arith.constant 0 : i32
        %dma_wait3A_320 = arith.constant 0 : i32
        %dma_wait3A_321 = arith.constant 0 : i32
        %dma_wait3A_322 = tpu.memref_slice %arg12[%dma_wait3A_319, %dma_wait3A_321] : memref<2x8192xf32, #tpu.memory_space<vmem>> -> memref<1x8192xf32, #tpu.memory_space<vmem>>
        %dma_wait3A_323 = tpu.memref_squeeze %dma_wait3A_322 : memref<1x8192xf32, #tpu.memory_space<vmem>> -> memref<8192xf32, #tpu.memory_space<vmem>>
        %dma_wait3A_324 = tpu.memref_slice %arg6[%mul3A_318] : memref<13107200xf32, #tpu.memory_space<hbm>> -> memref<8192xf32, #tpu.memory_space<hbm>>
        %dma_wait3A_325 = tpu.memref_slice %arg15[%dma_wait3A_320] : memref<2x!tpu.dma_semaphore, #tpu.memory_space<semaphore_mem>> -> memref<1x!tpu.dma_semaphore, #tpu.memory_space<semaphore_mem>>
        %dma_wait3A_326 = tpu.memref_squeeze %dma_wait3A_325 : memref<1x!tpu.dma_semaphore, #tpu.memory_space<semaphore_mem>> -> memref<!tpu.dma_semaphore, #tpu.memory_space<semaphore_mem>>
        %dma_wait3A_327 = tpu.memref_slice %arg6[%mul3A_318] : memref<13107200xf32, #tpu.memory_space<hbm>> -> memref<8192xf32, #tpu.memory_space<hbm>>
        %dma_wait3A_328 = arith.constant 0 : i32
        %dma_wait3A_329 = tpu.memref_slice %arg12[%dma_wait3A_319, %dma_wait3A_328] : memref<2x8192xf32, #tpu.memory_space<vmem>> -> memref<1x8192xf32, #tpu.memory_space<vmem>>
        %dma_wait3A_330 = tpu.memref_squeeze %dma_wait3A_329 : memref<1x8192xf32, #tpu.memory_space<vmem>> -> memref<8192xf32, #tpu.memory_space<vmem>>
        tpu.wait_dma2 semaphore(%dma_wait3A_326 : memref<!tpu.dma_semaphore, #tpu.memory_space<semaphore_mem>>) src(%dma_wait3A_330 : memref<8192xf32, #tpu.memory_space<vmem>>) dst(%dma_wait3A_327 : memref<8192xf32, #tpu.memory_space<hbm>>)
        %dma_wait3A_331 = arith.constant 0 : i32
        %dma_wait3A_332 = arith.constant 0 : i32
        %dma_wait3A_333 = arith.constant 0 : i32
        %dma_wait3A_334 = tpu.memref_slice %arg13[%dma_wait3A_331, %dma_wait3A_333] : memref<2x8192xf32, #tpu.memory_space<vmem>> -> memref<1x8192xf32, #tpu.memory_space<vmem>>
        %dma_wait3A_335 = tpu.memref_squeeze %dma_wait3A_334 : memref<1x8192xf32, #tpu.memory_space<vmem>> -> memref<8192xf32, #tpu.memory_space<vmem>>
        %dma_wait3A_336 = tpu.memref_slice %arg7[%mul3A_318] : memref<13107200xf32, #tpu.memory_space<hbm>> -> memref<8192xf32, #tpu.memory_space<hbm>>
        %dma_wait3A_337 = tpu.memref_slice %arg15[%dma_wait3A_332] : memref<2x!tpu.dma_semaphore, #tpu.memory_space<semaphore_mem>> -> memref<1x!tpu.dma_semaphore, #tpu.memory_space<semaphore_mem>>
        %dma_wait3A_338 = tpu.memref_squeeze %dma_wait3A_337 : memref<1x!tpu.dma_semaphore, #tpu.memory_space<semaphore_mem>> -> memref<!tpu.dma_semaphore, #tpu.memory_space<semaphore_mem>>
        %dma_wait3A_339 = tpu.memref_slice %arg7[%mul3A_318] : memref<13107200xf32, #tpu.memory_space<hbm>> -> memref<8192xf32, #tpu.memory_space<hbm>>
        %dma_wait3A_340 = arith.constant 0 : i32
        %dma_wait3A_341 = tpu.memref_slice %arg13[%dma_wait3A_331, %dma_wait3A_340] : memref<2x8192xf32, #tpu.memory_space<vmem>> -> memref<1x8192xf32, #tpu.memory_space<vmem>>
        %dma_wait3A_342 = tpu.memref_squeeze %dma_wait3A_341 : memref<1x8192xf32, #tpu.memory_space<vmem>> -> memref<8192xf32, #tpu.memory_space<vmem>>
        tpu.wait_dma2 semaphore(%dma_wait3A_338 : memref<!tpu.dma_semaphore, #tpu.memory_space<semaphore_mem>>) src(%dma_wait3A_342 : memref<8192xf32, #tpu.memory_space<vmem>>) dst(%dma_wait3A_339 : memref<8192xf32, #tpu.memory_space<hbm>>)
      } else {
      }
      %mul3A_170 = arith.constant 128 : i32
      %mul3A_171 = arith.muli %add3A_116, %mul3A_170 : i32
      %add3A_172 = arith.addi %mul3A_2, %mul3A_171 : i32
      %multiple_of3A_173 = tpu.assume_multiple %add3A_172, 128 : i32
      %rem3A = arith.constant 50 : i32
      %rem3A_174 = arith.remsi %multiple_of3A_173, %rem3A : i32
      %add3A_175 = arith.constant 1 : i32
      %add3A_176 = arith.addi %rem3A_174, %add3A_175 : i32
      %convert_element_type3A_177 = arith.sitofp %add3A_176 : i32 to f32
      %scan3A_178 = arith.constant 0 : i32
      %scan3A_179 = arith.constant 128 : i32
      %scan3A_180 = arith.addi %scan3A_178, %scan3A_179 : i32
      %scan3A_181 = arith.constant 1 : i32
      %scan3A_182 = scf.for %scan3A_314 = %scan3A_178 to %scan3A_180 step %scan3A_181 iter_args(%scan3A_315 = %convert_element_type3A_177) -> (f32)  : i32 {
        %mul3A_316 = arith.constant 1 : i32
        %mul3A_317 = arith.muli %scan3A_314, %mul3A_316 : i32
        %add3A_318 = arith.constant 0 : i32
        %add3A_319 = arith.addi %add3A_318, %mul3A_317 : i32
        %mul3A_320 = arith.constant 64 : i32
        %mul3A_321 = arith.muli %add3A_319, %mul3A_320 : i32
        %add3A_322 = arith.constant 0 : i32
        %add3A_323 = arith.addi %mul3A_321, %add3A_322 : i32
        %get3A = arith.constant 0 : i32
        %get3A_324 = arith.index_cast %get3A : i32 to index
        %get3A_325 = arith.index_cast %add3A_319 : i32 to index
        %get3A_326 = arith.constant 0 : index
        %get3A_327 = tpu.vector_load %arg10[%get3A_324, %get3A_325, %get3A_326] {strides = array<i32>} : memref<2x128x64xf32, #tpu.memory_space<vmem>>, vector<1x1x16xf32>,
        %get3A_328 = vector.shape_cast %get3A_327 : vector<1x1x16xf32> to vector<16xf32>
        %get3A_329 = arith.constant 0 : i32
        %get3A_330 = arith.index_cast %get3A_329 : i32 to index
        %get3A_331 = arith.index_cast %add3A_319 : i32 to index
        %get3A_332 = arith.constant 0 : index
        %get3A_333 = tpu.vector_load %arg11[%get3A_330, %get3A_331, %get3A_332] {strides = array<i32>} : memref<2x128x64xf32, #tpu.memory_space<vmem>>, vector<1x1x16xf32>,
        %get3A_334 = vector.shape_cast %get3A_333 : vector<1x1x16xf32> to vector<16xf32>
        %get3A_335 = arith.constant 0 : i32
        %get3A_336 = arith.index_cast %get3A_335 : i32 to index
        %get3A_337 = arith.index_cast %add3A_319 : i32 to index
        %get3A_338 = arith.constant 0 : index
        %get3A_339 = tpu.vector_load %arg9[%get3A_336, %get3A_337, %get3A_338] {strides = array<i32>} : memref<2x128x64xf32, #tpu.memory_space<vmem>>, vector<1x1x16xf32>,
        %get3A_340 = vector.shape_cast %get3A_339 : vector<1x1x16xf32> to vector<16xf32>
        %mul3A_341 = vector.broadcast %scan3A_315 : f32 to vector<16xf32>
        %mul3A_342 = arith.mulf %mul3A_341, %get3A_328 : vector<16xf32>
        %add3A_343 = arith.addf %mul3A_342, %get3A_334 : vector<16xf32>
        %mul3A_344 = arith.constant 0.159154937 : f32
        %mul3A_345 = vector.broadcast %mul3A_344 : f32 to vector<16xf32>
        %mul3A_346 = arith.mulf %add3A_343, %mul3A_345 : vector<16xf32>
        %sign3A = tpu.bitcast %mul3A_346 : vector<16xf32> -> vector<16xi32>
        %sign3A_347 = arith.constant -2147483648 : i32
        %sign3A_348 = vector.broadcast %sign3A_347 : i32 to vector<16xi32>
        %sign3A_349 = arith.andi %sign3A, %sign3A_348 : vector<16xi32>
        %sign3A_350 = arith.constant 1065353216 : i32
        %sign3A_351 = vector.broadcast %sign3A_350 : i32 to vector<16xi32>
        %sign3A_352 = arith.ori %sign3A_351, %sign3A_349 : vector<16xi32>
        %sign3A_353 = tpu.bitcast %sign3A_352 : vector<16xi32> -> vector<16xf32>
        %sign3A_354 = math.absf %mul3A_346 : vector<16xf32>
        %sign3A_355 = arith.constant 0.000000e+00 : f32
        %sign3A_356 = vector.broadcast %sign3A_355 : f32 to vector<16xf32>
        %sign3A_357 = arith.cmpf ogt, %sign3A_354, %sign3A_356 : vector<16xf32>
        %sign3A_358 = arith.select %sign3A_357, %sign3A_353, %mul3A_346 : vector<16xi1>, vector<16xf32>
        %mul3A_359 = arith.constant 5.000000e-01 : f32
        %mul3A_360 = vector.broadcast %mul3A_359 : f32 to vector<16xf32>
        %mul3A_361 = arith.mulf %mul3A_360, %sign3A_358 : vector<16xf32>
        %add3A_362 = arith.addf %mul3A_346, %mul3A_361 : vector<16xf32>
        %convert_element_type3A_363 = arith.fptosi %add3A_362 : vector<16xf32> to vector<16xi32>
        %convert_element_type3A_364 = arith.sitofp %convert_element_type3A_363 : vector<16xi32> to vector<16xf32>
        %mul3A_365 = arith.constant 6.28318548 : f32
        %mul3A_366 = vector.broadcast %mul3A_365 : f32 to vector<16xf32>
        %mul3A_367 = arith.mulf %convert_element_type3A_364, %mul3A_366 : vector<16xf32>
        %sub3A = arith.subf %add3A_343, %mul3A_367 : vector<16xf32>
        %mul3A_368 = arith.mulf %sub3A, %sub3A : vector<16xf32>
        %mul3A_369 = arith.constant -1.47740444E-4 : f32
        %mul3A_370 = vector.broadcast %mul3A_369 : f32 to vector<16xf32>
        %mul3A_371 = arith.mulf %mul3A_368, %mul3A_370 : vector<16xf32>
        %add3A_372 = arith.constant 0.00799857546 : f32
        %add3A_373 = vector.broadcast %add3A_372 : f32 to vector<16xf32>
        %add3A_374 = arith.addf %add3A_373, %mul3A_371 : vector<16xf32>
        %mul3A_375 = arith.mulf %mul3A_368, %add3A_374 : vector<16xf32>
        %add3A_376 = arith.constant -0.165838435 : f32
        %add3A_377 = vector.broadcast %add3A_376 : f32 to vector<16xf32>
        %add3A_378 = arith.addf %add3A_377, %mul3A_375 : vector<16xf32>
        %mul3A_379 = arith.mulf %mul3A_368, %add3A_378 : vector<16xf32>
        %add3A_380 = arith.constant 0.999450147 : f32
        %add3A_381 = vector.broadcast %add3A_380 : f32 to vector<16xf32>
        %add3A_382 = arith.addf %add3A_381, %mul3A_379 : vector<16xf32>
        %mul3A_383 = arith.mulf %sub3A, %add3A_382 : vector<16xf32>
        %mul3A_384 = arith.constant 1.90652154E-5 : f32
        %mul3A_385 = vector.broadcast %mul3A_384 : f32 to vector<16xf32>
        %mul3A_386 = arith.mulf %mul3A_368, %mul3A_385 : vector<16xf32>
        %add3A_387 = arith.constant -0.00134410686 : f32
        %add3A_388 = vector.broadcast %add3A_387 : f32 to vector<16xf32>
        %add3A_389 = arith.addf %add3A_388, %mul3A_386 : vector<16xf32>
        %mul3A_390 = arith.mulf %mul3A_368, %add3A_389 : vector<16xf32>
        %add3A_391 = arith.constant 0.0415223055 : f32
        %add3A_392 = vector.broadcast %add3A_391 : f32 to vector<16xf32>
        %add3A_393 = arith.addf %add3A_392, %mul3A_390 : vector<16xf32>
        %mul3A_394 = arith.mulf %mul3A_368, %add3A_393 : vector<16xf32>
        %add3A_395 = arith.constant -0.499837607 : f32
        %add3A_396 = vector.broadcast %add3A_395 : f32 to vector<16xf32>
        %add3A_397 = arith.addf %add3A_396, %mul3A_394 : vector<16xf32>
        %mul3A_398 = arith.mulf %mul3A_368, %add3A_397 : vector<16xf32>
        %add3A_399 = arith.constant 0.999971091 : f32
        %add3A_400 = vector.broadcast %add3A_399 : f32 to vector<16xf32>
        %add3A_401 = arith.addf %add3A_400, %mul3A_398 : vector<16xf32>
        %mul3A_402 = arith.mulf %get3A_340, %add3A_401 : vector<16xf32>
        %swap3A = arith.constant 0 : i32
        %swap3A_403 = arith.index_cast %swap3A : i32 to index
        %swap3A_404 = arith.index_cast %add3A_323 : i32 to index
        %swap3A_405 = tpu.vector_load %arg12[%swap3A_403, %swap3A_404] {strides = array<i32>} : memref<2x8192xf32, #tpu.memory_space<vmem>>, vector<1x16xf32>,
        %swap3A_406 = vector.shape_cast %swap3A_405 : vector<1x16xf32> to vector<16xf32>
        %swap3A_407 = vector.shape_cast %mul3A_402 : vector<16xf32> to vector<1x16xf32>
        tpu.vector_store %arg12[%swap3A_403, %swap3A_404], %swap3A_407 {strides = array<i32>} : memref<2x8192xf32, #tpu.memory_space<vmem>>, vector<1x16xf32>,
        %mul3A_408 = arith.mulf %get3A_340, %mul3A_383 : vector<16xf32>
        %swap3A_409 = arith.constant 0 : i32
        %swap3A_410 = arith.index_cast %swap3A_409 : i32 to index
        %swap3A_411 = arith.index_cast %add3A_323 : i32 to index
        %swap3A_412 = tpu.vector_load %arg13[%swap3A_410, %swap3A_411] {strides = array<i32>} : memref<2x8192xf32, #tpu.memory_space<vmem>>, vector<1x16xf32>,
        %swap3A_413 = vector.shape_cast %swap3A_412 : vector<1x16xf32> to vector<16xf32>
        %swap3A_414 = vector.shape_cast %mul3A_408 : vector<16xf32> to vector<1x16xf32>
        tpu.vector_store %arg13[%swap3A_410, %swap3A_411], %swap3A_414 {strides = array<i32>} : memref<2x8192xf32, #tpu.memory_space<vmem>>, vector<1x16xf32>,
        %mul3A_415 = arith.constant 64 : i32
        %mul3A_416 = arith.muli %add3A_319, %mul3A_415 : i32
        %add3A_417 = arith.constant 16 : i32
        %add3A_418 = arith.addi %mul3A_416, %add3A_417 : i32
        %get3A_419 = arith.constant 0 : i32
        %get3A_420 = arith.index_cast %get3A_419 : i32 to index
        %get3A_421 = arith.index_cast %add3A_319 : i32 to index
        %get3A_422 = arith.constant 16 : index
        %get3A_423 = tpu.vector_load %arg10[%get3A_420, %get3A_421, %get3A_422] {strides = array<i32>} : memref<2x128x64xf32, #tpu.memory_space<vmem>>, vector<1x1x16xf32>,
        %get3A_424 = vector.shape_cast %get3A_423 : vector<1x1x16xf32> to vector<16xf32>
        %get3A_425 = arith.constant 0 : i32
        %get3A_426 = arith.index_cast %get3A_425 : i32 to index
        %get3A_427 = arith.index_cast %add3A_319 : i32 to index
        %get3A_428 = arith.constant 16 : index
        %get3A_429 = tpu.vector_load %arg11[%get3A_426, %get3A_427, %get3A_428] {strides = array<i32>} : memref<2x128x64xf32, #tpu.memory_space<vmem>>, vector<1x1x16xf32>,
        %get3A_430 = vector.shape_cast %get3A_429 : vector<1x1x16xf32> to vector<16xf32>
        %get3A_431 = arith.constant 0 : i32
        %get3A_432 = arith.index_cast %get3A_431 : i32 to index
        %get3A_433 = arith.index_cast %add3A_319 : i32 to index
        %get3A_434 = arith.constant 16 : index
        %get3A_435 = tpu.vector_load %arg9[%get3A_432, %get3A_433, %get3A_434] {strides = array<i32>} : memref<2x128x64xf32, #tpu.memory_space<vmem>>, vector<1x1x16xf32>,
        %get3A_436 = vector.shape_cast %get3A_435 : vector<1x1x16xf32> to vector<16xf32>
        %mul3A_437 = vector.broadcast %scan3A_315 : f32 to vector<16xf32>
        %mul3A_438 = arith.mulf %mul3A_437, %get3A_424 : vector<16xf32>
        %add3A_439 = arith.addf %mul3A_438, %get3A_430 : vector<16xf32>
        %mul3A_440 = arith.constant 0.159154937 : f32
        %mul3A_441 = vector.broadcast %mul3A_440 : f32 to vector<16xf32>
        %mul3A_442 = arith.mulf %add3A_439, %mul3A_441 : vector<16xf32>
        %sign3A_443 = tpu.bitcast %mul3A_442 : vector<16xf32> -> vector<16xi32>
        %sign3A_444 = arith.constant -2147483648 : i32
        %sign3A_445 = vector.broadcast %sign3A_444 : i32 to vector<16xi32>
        %sign3A_446 = arith.andi %sign3A_443, %sign3A_445 : vector<16xi32>
        %sign3A_447 = arith.constant 1065353216 : i32
        %sign3A_448 = vector.broadcast %sign3A_447 : i32 to vector<16xi32>
        %sign3A_449 = arith.ori %sign3A_448, %sign3A_446 : vector<16xi32>
        %sign3A_450 = tpu.bitcast %sign3A_449 : vector<16xi32> -> vector<16xf32>
        %sign3A_451 = math.absf %mul3A_442 : vector<16xf32>
        %sign3A_452 = arith.constant 0.000000e+00 : f32
        %sign3A_453 = vector.broadcast %sign3A_452 : f32 to vector<16xf32>
        %sign3A_454 = arith.cmpf ogt, %sign3A_451, %sign3A_453 : vector<16xf32>
        %sign3A_455 = arith.select %sign3A_454, %sign3A_450, %mul3A_442 : vector<16xi1>, vector<16xf32>
        %mul3A_456 = arith.constant 5.000000e-01 : f32
        %mul3A_457 = vector.broadcast %mul3A_456 : f32 to vector<16xf32>
        %mul3A_458 = arith.mulf %mul3A_457, %sign3A_455 : vector<16xf32>
        %add3A_459 = arith.addf %mul3A_442, %mul3A_458 : vector<16xf32>
        %convert_element_type3A_460 = arith.fptosi %add3A_459 : vector<16xf32> to vector<16xi32>
        %convert_element_type3A_461 = arith.sitofp %convert_element_type3A_460 : vector<16xi32> to vector<16xf32>
        %mul3A_462 = arith.constant 6.28318548 : f32
        %mul3A_463 = vector.broadcast %mul3A_462 : f32 to vector<16xf32>
        %mul3A_464 = arith.mulf %convert_element_type3A_461, %mul3A_463 : vector<16xf32>
        %sub3A_465 = arith.subf %add3A_439, %mul3A_464 : vector<16xf32>
        %mul3A_466 = arith.mulf %sub3A_465, %sub3A_465 : vector<16xf32>
        %mul3A_467 = arith.constant -1.47740444E-4 : f32
        %mul3A_468 = vector.broadcast %mul3A_467 : f32 to vector<16xf32>
        %mul3A_469 = arith.mulf %mul3A_466, %mul3A_468 : vector<16xf32>
        %add3A_470 = arith.constant 0.00799857546 : f32
        %add3A_471 = vector.broadcast %add3A_470 : f32 to vector<16xf32>
        %add3A_472 = arith.addf %add3A_471, %mul3A_469 : vector<16xf32>
        %mul3A_473 = arith.mulf %mul3A_466, %add3A_472 : vector<16xf32>
        %add3A_474 = arith.constant -0.165838435 : f32
        %add3A_475 = vector.broadcast %add3A_474 : f32 to vector<16xf32>
        %add3A_476 = arith.addf %add3A_475, %mul3A_473 : vector<16xf32>
        %mul3A_477 = arith.mulf %mul3A_466, %add3A_476 : vector<16xf32>
        %add3A_478 = arith.constant 0.999450147 : f32
        %add3A_479 = vector.broadcast %add3A_478 : f32 to vector<16xf32>
        %add3A_480 = arith.addf %add3A_479, %mul3A_477 : vector<16xf32>
        %mul3A_481 = arith.mulf %sub3A_465, %add3A_480 : vector<16xf32>
        %mul3A_482 = arith.constant 1.90652154E-5 : f32
        %mul3A_483 = vector.broadcast %mul3A_482 : f32 to vector<16xf32>
        %mul3A_484 = arith.mulf %mul3A_466, %mul3A_483 : vector<16xf32>
        %add3A_485 = arith.constant -0.00134410686 : f32
        %add3A_486 = vector.broadcast %add3A_485 : f32 to vector<16xf32>
        %add3A_487 = arith.addf %add3A_486, %mul3A_484 : vector<16xf32>
        %mul3A_488 = arith.mulf %mul3A_466, %add3A_487 : vector<16xf32>
        %add3A_489 = arith.constant 0.0415223055 : f32
        %add3A_490 = vector.broadcast %add3A_489 : f32 to vector<16xf32>
        %add3A_491 = arith.addf %add3A_490, %mul3A_488 : vector<16xf32>
        %mul3A_492 = arith.mulf %mul3A_466, %add3A_491 : vector<16xf32>
        %add3A_493 = arith.constant -0.499837607 : f32
        %add3A_494 = vector.broadcast %add3A_493 : f32 to vector<16xf32>
        %add3A_495 = arith.addf %add3A_494, %mul3A_492 : vector<16xf32>
        %mul3A_496 = arith.mulf %mul3A_466, %add3A_495 : vector<16xf32>
        %add3A_497 = arith.constant 0.999971091 : f32
        %add3A_498 = vector.broadcast %add3A_497 : f32 to vector<16xf32>
        %add3A_499 = arith.addf %add3A_498, %mul3A_496 : vector<16xf32>
        %mul3A_500 = arith.mulf %get3A_436, %add3A_499 : vector<16xf32>
        %swap3A_501 = arith.constant 0 : i32
        %swap3A_502 = arith.index_cast %swap3A_501 : i32 to index
        %swap3A_503 = arith.index_cast %add3A_418 : i32 to index
        %swap3A_504 = tpu.vector_load %arg12[%swap3A_502, %swap3A_503] {strides = array<i32>} : memref<2x8192xf32, #tpu.memory_space<vmem>>, vector<1x16xf32>,
        %swap3A_505 = vector.shape_cast %swap3A_504 : vector<1x16xf32> to vector<16xf32>
        %swap3A_506 = vector.shape_cast %mul3A_500 : vector<16xf32> to vector<1x16xf32>
        tpu.vector_store %arg12[%swap3A_502, %swap3A_503], %swap3A_506 {strides = array<i32>} : memref<2x8192xf32, #tpu.memory_space<vmem>>, vector<1x16xf32>,
        %mul3A_507 = arith.mulf %get3A_436, %mul3A_481 : vector<16xf32>
        %swap3A_508 = arith.constant 0 : i32
        %swap3A_509 = arith.index_cast %swap3A_508 : i32 to index
        %swap3A_510 = arith.index_cast %add3A_418 : i32 to index
        %swap3A_511 = tpu.vector_load %arg13[%swap3A_509, %swap3A_510] {strides = array<i32>} : memref<2x8192xf32, #tpu.memory_space<vmem>>, vector<1x16xf32>,
        %swap3A_512 = vector.shape_cast %swap3A_511 : vector<1x16xf32> to vector<16xf32>
        %swap3A_513 = vector.shape_cast %mul3A_507 : vector<16xf32> to vector<1x16xf32>
        tpu.vector_store %arg13[%swap3A_509, %swap3A_510], %swap3A_513 {strides = array<i32>} : memref<2x8192xf32, #tpu.memory_space<vmem>>, vector<1x16xf32>,
        %mul3A_514 = arith.constant 64 : i32
        %mul3A_515 = arith.muli %add3A_319, %mul3A_514 : i32
        %add3A_516 = arith.constant 32 : i32
        %add3A_517 = arith.addi %mul3A_515, %add3A_516 : i32
        %get3A_518 = arith.constant 0 : i32
        %get3A_519 = arith.index_cast %get3A_518 : i32 to index
        %get3A_520 = arith.index_cast %add3A_319 : i32 to index
        %get3A_521 = arith.constant 32 : index
        %get3A_522 = tpu.vector_load %arg10[%get3A_519, %get3A_520, %get3A_521] {strides = array<i32>} : memref<2x128x64xf32, #tpu.memory_space<vmem>>, vector<1x1x16xf32>,
        %get3A_523 = vector.shape_cast %get3A_522 : vector<1x1x16xf32> to vector<16xf32>
        %get3A_524 = arith.constant 0 : i32
        %get3A_525 = arith.index_cast %get3A_524 : i32 to index
        %get3A_526 = arith.index_cast %add3A_319 : i32 to index
        %get3A_527 = arith.constant 32 : index
        %get3A_528 = tpu.vector_load %arg11[%get3A_525, %get3A_526, %get3A_527] {strides = array<i32>} : memref<2x128x64xf32, #tpu.memory_space<vmem>>, vector<1x1x16xf32>,
        %get3A_529 = vector.shape_cast %get3A_528 : vector<1x1x16xf32> to vector<16xf32>
        %get3A_530 = arith.constant 0 : i32
        %get3A_531 = arith.index_cast %get3A_530 : i32 to index
        %get3A_532 = arith.index_cast %add3A_319 : i32 to index
        %get3A_533 = arith.constant 32 : index
        %get3A_534 = tpu.vector_load %arg9[%get3A_531, %get3A_532, %get3A_533] {strides = array<i32>} : memref<2x128x64xf32, #tpu.memory_space<vmem>>, vector<1x1x16xf32>,
        %get3A_535 = vector.shape_cast %get3A_534 : vector<1x1x16xf32> to vector<16xf32>
        %mul3A_536 = vector.broadcast %scan3A_315 : f32 to vector<16xf32>
        %mul3A_537 = arith.mulf %mul3A_536, %get3A_523 : vector<16xf32>
        %add3A_538 = arith.addf %mul3A_537, %get3A_529 : vector<16xf32>
        %mul3A_539 = arith.constant 0.159154937 : f32
        %mul3A_540 = vector.broadcast %mul3A_539 : f32 to vector<16xf32>
        %mul3A_541 = arith.mulf %add3A_538, %mul3A_540 : vector<16xf32>
        %sign3A_542 = tpu.bitcast %mul3A_541 : vector<16xf32> -> vector<16xi32>
        %sign3A_543 = arith.constant -2147483648 : i32
        %sign3A_544 = vector.broadcast %sign3A_543 : i32 to vector<16xi32>
        %sign3A_545 = arith.andi %sign3A_542, %sign3A_544 : vector<16xi32>
        %sign3A_546 = arith.constant 1065353216 : i32
        %sign3A_547 = vector.broadcast %sign3A_546 : i32 to vector<16xi32>
        %sign3A_548 = arith.ori %sign3A_547, %sign3A_545 : vector<16xi32>
        %sign3A_549 = tpu.bitcast %sign3A_548 : vector<16xi32> -> vector<16xf32>
        %sign3A_550 = math.absf %mul3A_541 : vector<16xf32>
        %sign3A_551 = arith.constant 0.000000e+00 : f32
        %sign3A_552 = vector.broadcast %sign3A_551 : f32 to vector<16xf32>
        %sign3A_553 = arith.cmpf ogt, %sign3A_550, %sign3A_552 : vector<16xf32>
        %sign3A_554 = arith.select %sign3A_553, %sign3A_549, %mul3A_541 : vector<16xi1>, vector<16xf32>
        %mul3A_555 = arith.constant 5.000000e-01 : f32
        %mul3A_556 = vector.broadcast %mul3A_555 : f32 to vector<16xf32>
        %mul3A_557 = arith.mulf %mul3A_556, %sign3A_554 : vector<16xf32>
        %add3A_558 = arith.addf %mul3A_541, %mul3A_557 : vector<16xf32>
        %convert_element_type3A_559 = arith.fptosi %add3A_558 : vector<16xf32> to vector<16xi32>
        %convert_element_type3A_560 = arith.sitofp %convert_element_type3A_559 : vector<16xi32> to vector<16xf32>
        %mul3A_561 = arith.constant 6.28318548 : f32
        %mul3A_562 = vector.broadcast %mul3A_561 : f32 to vector<16xf32>
        %mul3A_563 = arith.mulf %convert_element_type3A_560, %mul3A_562 : vector<16xf32>
        %sub3A_564 = arith.subf %add3A_538, %mul3A_563 : vector<16xf32>
        %mul3A_565 = arith.mulf %sub3A_564, %sub3A_564 : vector<16xf32>
        %mul3A_566 = arith.constant -1.47740444E-4 : f32
        %mul3A_567 = vector.broadcast %mul3A_566 : f32 to vector<16xf32>
        %mul3A_568 = arith.mulf %mul3A_565, %mul3A_567 : vector<16xf32>
        %add3A_569 = arith.constant 0.00799857546 : f32
        %add3A_570 = vector.broadcast %add3A_569 : f32 to vector<16xf32>
        %add3A_571 = arith.addf %add3A_570, %mul3A_568 : vector<16xf32>
        %mul3A_572 = arith.mulf %mul3A_565, %add3A_571 : vector<16xf32>
        %add3A_573 = arith.constant -0.165838435 : f32
        %add3A_574 = vector.broadcast %add3A_573 : f32 to vector<16xf32>
        %add3A_575 = arith.addf %add3A_574, %mul3A_572 : vector<16xf32>
        %mul3A_576 = arith.mulf %mul3A_565, %add3A_575 : vector<16xf32>
        %add3A_577 = arith.constant 0.999450147 : f32
        %add3A_578 = vector.broadcast %add3A_577 : f32 to vector<16xf32>
        %add3A_579 = arith.addf %add3A_578, %mul3A_576 : vector<16xf32>
        %mul3A_580 = arith.mulf %sub3A_564, %add3A_579 : vector<16xf32>
        %mul3A_581 = arith.constant 1.90652154E-5 : f32
        %mul3A_582 = vector.broadcast %mul3A_581 : f32 to vector<16xf32>
        %mul3A_583 = arith.mulf %mul3A_565, %mul3A_582 : vector<16xf32>
        %add3A_584 = arith.constant -0.00134410686 : f32
        %add3A_585 = vector.broadcast %add3A_584 : f32 to vector<16xf32>
        %add3A_586 = arith.addf %add3A_585, %mul3A_583 : vector<16xf32>
        %mul3A_587 = arith.mulf %mul3A_565, %add3A_586 : vector<16xf32>
        %add3A_588 = arith.constant 0.0415223055 : f32
        %add3A_589 = vector.broadcast %add3A_588 : f32 to vector<16xf32>
        %add3A_590 = arith.addf %add3A_589, %mul3A_587 : vector<16xf32>
        %mul3A_591 = arith.mulf %mul3A_565, %add3A_590 : vector<16xf32>
        %add3A_592 = arith.constant -0.499837607 : f32
        %add3A_593 = vector.broadcast %add3A_592 : f32 to vector<16xf32>
        %add3A_594 = arith.addf %add3A_593, %mul3A_591 : vector<16xf32>
        %mul3A_595 = arith.mulf %mul3A_565, %add3A_594 : vector<16xf32>
        %add3A_596 = arith.constant 0.999971091 : f32
        %add3A_597 = vector.broadcast %add3A_596 : f32 to vector<16xf32>
        %add3A_598 = arith.addf %add3A_597, %mul3A_595 : vector<16xf32>
        %mul3A_599 = arith.mulf %get3A_535, %add3A_598 : vector<16xf32>
        %swap3A_600 = arith.constant 0 : i32
        %swap3A_601 = arith.index_cast %swap3A_600 : i32 to index
        %swap3A_602 = arith.index_cast %add3A_517 : i32 to index
        %swap3A_603 = tpu.vector_load %arg12[%swap3A_601, %swap3A_602] {strides = array<i32>} : memref<2x8192xf32, #tpu.memory_space<vmem>>, vector<1x16xf32>,
        %swap3A_604 = vector.shape_cast %swap3A_603 : vector<1x16xf32> to vector<16xf32>
        %swap3A_605 = vector.shape_cast %mul3A_599 : vector<16xf32> to vector<1x16xf32>
        tpu.vector_store %arg12[%swap3A_601, %swap3A_602], %swap3A_605 {strides = array<i32>} : memref<2x8192xf32, #tpu.memory_space<vmem>>, vector<1x16xf32>,
        %mul3A_606 = arith.mulf %get3A_535, %mul3A_580 : vector<16xf32>
        %swap3A_607 = arith.constant 0 : i32
        %swap3A_608 = arith.index_cast %swap3A_607 : i32 to index
        %swap3A_609 = arith.index_cast %add3A_517 : i32 to index
        %swap3A_610 = tpu.vector_load %arg13[%swap3A_608, %swap3A_609] {strides = array<i32>} : memref<2x8192xf32, #tpu.memory_space<vmem>>, vector<1x16xf32>,
        %swap3A_611 = vector.shape_cast %swap3A_610 : vector<1x16xf32> to vector<16xf32>
        %swap3A_612 = vector.shape_cast %mul3A_606 : vector<16xf32> to vector<1x16xf32>
        tpu.vector_store %arg13[%swap3A_608, %swap3A_609], %swap3A_612 {strides = array<i32>} : memref<2x8192xf32, #tpu.memory_space<vmem>>, vector<1x16xf32>,
        %mul3A_613 = arith.constant 64 : i32
        %mul3A_614 = arith.muli %add3A_319, %mul3A_613 : i32
        %add3A_615 = arith.constant 48 : i32
        %add3A_616 = arith.addi %mul3A_614, %add3A_615 : i32
        %get3A_617 = arith.constant 0 : i32
        %get3A_618 = arith.index_cast %get3A_617 : i32 to index
        %get3A_619 = arith.index_cast %add3A_319 : i32 to index
        %get3A_620 = arith.constant 48 : index
        %get3A_621 = tpu.vector_load %arg10[%get3A_618, %get3A_619, %get3A_620] {strides = array<i32>} : memref<2x128x64xf32, #tpu.memory_space<vmem>>, vector<1x1x16xf32>,
        %get3A_622 = vector.shape_cast %get3A_621 : vector<1x1x16xf32> to vector<16xf32>
        %get3A_623 = arith.constant 0 : i32
        %get3A_624 = arith.index_cast %get3A_623 : i32 to index
        %get3A_625 = arith.index_cast %add3A_319 : i32 to index
        %get3A_626 = arith.constant 48 : index
        %get3A_627 = tpu.vector_load %arg11[%get3A_624, %get3A_625, %get3A_626] {strides = array<i32>} : memref<2x128x64xf32, #tpu.memory_space<vmem>>, vector<1x1x16xf32>,
        %get3A_628 = vector.shape_cast %get3A_627 : vector<1x1x16xf32> to vector<16xf32>
        %get3A_629 = arith.constant 0 : i32
        %get3A_630 = arith.index_cast %get3A_629 : i32 to index
        %get3A_631 = arith.index_cast %add3A_319 : i32 to index
        %get3A_632 = arith.constant 48 : index
        %get3A_633 = tpu.vector_load %arg9[%get3A_630, %get3A_631, %get3A_632] {strides = array<i32>} : memref<2x128x64xf32, #tpu.memory_space<vmem>>, vector<1x1x16xf32>,
        %get3A_634 = vector.shape_cast %get3A_633 : vector<1x1x16xf32> to vector<16xf32>
        %mul3A_635 = vector.broadcast %scan3A_315 : f32 to vector<16xf32>
        %mul3A_636 = arith.mulf %mul3A_635, %get3A_622 : vector<16xf32>
        %add3A_637 = arith.addf %mul3A_636, %get3A_628 : vector<16xf32>
        %mul3A_638 = arith.constant 0.159154937 : f32
        %mul3A_639 = vector.broadcast %mul3A_638 : f32 to vector<16xf32>
        %mul3A_640 = arith.mulf %add3A_637, %mul3A_639 : vector<16xf32>
        %sign3A_641 = tpu.bitcast %mul3A_640 : vector<16xf32> -> vector<16xi32>
        %sign3A_642 = arith.constant -2147483648 : i32
        %sign3A_643 = vector.broadcast %sign3A_642 : i32 to vector<16xi32>
        %sign3A_644 = arith.andi %sign3A_641, %sign3A_643 : vector<16xi32>
        %sign3A_645 = arith.constant 1065353216 : i32
        %sign3A_646 = vector.broadcast %sign3A_645 : i32 to vector<16xi32>
        %sign3A_647 = arith.ori %sign3A_646, %sign3A_644 : vector<16xi32>
        %sign3A_648 = tpu.bitcast %sign3A_647 : vector<16xi32> -> vector<16xf32>
        %sign3A_649 = math.absf %mul3A_640 : vector<16xf32>
        %sign3A_650 = arith.constant 0.000000e+00 : f32
        %sign3A_651 = vector.broadcast %sign3A_650 : f32 to vector<16xf32>
        %sign3A_652 = arith.cmpf ogt, %sign3A_649, %sign3A_651 : vector<16xf32>
        %sign3A_653 = arith.select %sign3A_652, %sign3A_648, %mul3A_640 : vector<16xi1>, vector<16xf32>
        %mul3A_654 = arith.constant 5.000000e-01 : f32
        %mul3A_655 = vector.broadcast %mul3A_654 : f32 to vector<16xf32>
        %mul3A_656 = arith.mulf %mul3A_655, %sign3A_653 : vector<16xf32>
        %add3A_657 = arith.addf %mul3A_640, %mul3A_656 : vector<16xf32>
        %convert_element_type3A_658 = arith.fptosi %add3A_657 : vector<16xf32> to vector<16xi32>
        %convert_element_type3A_659 = arith.sitofp %convert_element_type3A_658 : vector<16xi32> to vector<16xf32>
        %mul3A_660 = arith.constant 6.28318548 : f32
        %mul3A_661 = vector.broadcast %mul3A_660 : f32 to vector<16xf32>
        %mul3A_662 = arith.mulf %convert_element_type3A_659, %mul3A_661 : vector<16xf32>
        %sub3A_663 = arith.subf %add3A_637, %mul3A_662 : vector<16xf32>
        %mul3A_664 = arith.mulf %sub3A_663, %sub3A_663 : vector<16xf32>
        %mul3A_665 = arith.constant -1.47740444E-4 : f32
        %mul3A_666 = vector.broadcast %mul3A_665 : f32 to vector<16xf32>
        %mul3A_667 = arith.mulf %mul3A_664, %mul3A_666 : vector<16xf32>
        %add3A_668 = arith.constant 0.00799857546 : f32
        %add3A_669 = vector.broadcast %add3A_668 : f32 to vector<16xf32>
        %add3A_670 = arith.addf %add3A_669, %mul3A_667 : vector<16xf32>
        %mul3A_671 = arith.mulf %mul3A_664, %add3A_670 : vector<16xf32>
        %add3A_672 = arith.constant -0.165838435 : f32
        %add3A_673 = vector.broadcast %add3A_672 : f32 to vector<16xf32>
        %add3A_674 = arith.addf %add3A_673, %mul3A_671 : vector<16xf32>
        %mul3A_675 = arith.mulf %mul3A_664, %add3A_674 : vector<16xf32>
        %add3A_676 = arith.constant 0.999450147 : f32
        %add3A_677 = vector.broadcast %add3A_676 : f32 to vector<16xf32>
        %add3A_678 = arith.addf %add3A_677, %mul3A_675 : vector<16xf32>
        %mul3A_679 = arith.mulf %sub3A_663, %add3A_678 : vector<16xf32>
        %mul3A_680 = arith.constant 1.90652154E-5 : f32
        %mul3A_681 = vector.broadcast %mul3A_680 : f32 to vector<16xf32>
        %mul3A_682 = arith.mulf %mul3A_664, %mul3A_681 : vector<16xf32>
        %add3A_683 = arith.constant -0.00134410686 : f32
        %add3A_684 = vector.broadcast %add3A_683 : f32 to vector<16xf32>
        %add3A_685 = arith.addf %add3A_684, %mul3A_682 : vector<16xf32>
        %mul3A_686 = arith.mulf %mul3A_664, %add3A_685 : vector<16xf32>
        %add3A_687 = arith.constant 0.0415223055 : f32
        %add3A_688 = vector.broadcast %add3A_687 : f32 to vector<16xf32>
        %add3A_689 = arith.addf %add3A_688, %mul3A_686 : vector<16xf32>
        %mul3A_690 = arith.mulf %mul3A_664, %add3A_689 : vector<16xf32>
        %add3A_691 = arith.constant -0.499837607 : f32
        %add3A_692 = vector.broadcast %add3A_691 : f32 to vector<16xf32>
        %add3A_693 = arith.addf %add3A_692, %mul3A_690 : vector<16xf32>
        %mul3A_694 = arith.mulf %mul3A_664, %add3A_693 : vector<16xf32>
        %add3A_695 = arith.constant 0.999971091 : f32
        %add3A_696 = vector.broadcast %add3A_695 : f32 to vector<16xf32>
        %add3A_697 = arith.addf %add3A_696, %mul3A_694 : vector<16xf32>
        %mul3A_698 = arith.mulf %get3A_634, %add3A_697 : vector<16xf32>
        %swap3A_699 = arith.constant 0 : i32
        %swap3A_700 = arith.index_cast %swap3A_699 : i32 to index
        %swap3A_701 = arith.index_cast %add3A_616 : i32 to index
        %swap3A_702 = tpu.vector_load %arg12[%swap3A_700, %swap3A_701] {strides = array<i32>} : memref<2x8192xf32, #tpu.memory_space<vmem>>, vector<1x16xf32>,
        %swap3A_703 = vector.shape_cast %swap3A_702 : vector<1x16xf32> to vector<16xf32>
        %swap3A_704 = vector.shape_cast %mul3A_698 : vector<16xf32> to vector<1x16xf32>
        tpu.vector_store %arg12[%swap3A_700, %swap3A_701], %swap3A_704 {strides = array<i32>} : memref<2x8192xf32, #tpu.memory_space<vmem>>, vector<1x16xf32>,
        %mul3A_705 = arith.mulf %get3A_634, %mul3A_679 : vector<16xf32>
        %swap3A_706 = arith.constant 0 : i32
        %swap3A_707 = arith.index_cast %swap3A_706 : i32 to index
        %swap3A_708 = arith.index_cast %add3A_616 : i32 to index
        %swap3A_709 = tpu.vector_load %arg13[%swap3A_707, %swap3A_708] {strides = array<i32>} : memref<2x8192xf32, #tpu.memory_space<vmem>>, vector<1x16xf32>,
        %swap3A_710 = vector.shape_cast %swap3A_709 : vector<1x16xf32> to vector<16xf32>
        %swap3A_711 = vector.shape_cast %mul3A_705 : vector<16xf32> to vector<1x16xf32>
        tpu.vector_store %arg13[%swap3A_707, %swap3A_708], %swap3A_711 {strides = array<i32>} : memref<2x8192xf32, #tpu.memory_space<vmem>>, vector<1x16xf32>,
        %ge3A_712 = arith.constant 5.000000e+01 : f32
        %ge3A_713 = arith.cmpf oge, %scan3A_315, %ge3A_712 : f32
        %add3A_714 = arith.constant 1.000000e+00 : f32
        %add3A_715 = arith.addf %scan3A_315, %add3A_714 : f32
        %select_n3A = arith.constant 1.000000e+00 : f32
        %select_n3A_716 = arith.select %ge3A_713, %select_n3A, %add3A_715 : f32
        scf.yield %select_n3A_716 : f32
      }
      %scan3A_183 = arith.constant 128 : i32
      %mul3A_184 = arith.constant 64 : i32
      %mul3A_185 = arith.muli %multiple_of3A_173, %mul3A_184 : i32
      %dma_start3A_186 = arith.constant 0 : i32
      %dma_start3A_187 = arith.constant 0 : i32
      %dma_start3A_188 = arith.constant 0 : i32
      %dma_start3A_189 = tpu.memref_slice %arg12[%dma_start3A_186, %dma_start3A_188] : memref<2x8192xf32, #tpu.memory_space<vmem>> -> memref<1x8192xf32, #tpu.memory_space<vmem>>
      %dma_start3A_190 = tpu.memref_squeeze %dma_start3A_189 : memref<1x8192xf32, #tpu.memory_space<vmem>> -> memref<8192xf32, #tpu.memory_space<vmem>>
      %dma_start3A_191 = tpu.memref_slice %arg6[%mul3A_185] : memref<13107200xf32, #tpu.memory_space<hbm>> -> memref<8192xf32, #tpu.memory_space<hbm>>
      %dma_start3A_192 = tpu.memref_slice %arg15[%dma_start3A_187] : memref<2x!tpu.dma_semaphore, #tpu.memory_space<semaphore_mem>> -> memref<1x!tpu.dma_semaphore, #tpu.memory_space<semaphore_mem>>
      %dma_start3A_193 = tpu.memref_squeeze %dma_start3A_192 : memref<1x!tpu.dma_semaphore, #tpu.memory_space<semaphore_mem>> -> memref<!tpu.dma_semaphore, #tpu.memory_space<semaphore_mem>>
      %dma_start3A_194 = tpu.memref_slice %arg6[%mul3A_185] : memref<13107200xf32, #tpu.memory_space<hbm>> -> memref<8192xf32, #tpu.memory_space<hbm>>
      %dma_start3A_195 = arith.constant 0 : i32
      %dma_start3A_196 = tpu.memref_slice %arg12[%dma_start3A_186, %dma_start3A_195] : memref<2x8192xf32, #tpu.memory_space<vmem>> -> memref<1x8192xf32, #tpu.memory_space<vmem>>
      %dma_start3A_197 = tpu.memref_squeeze %dma_start3A_196 : memref<1x8192xf32, #tpu.memory_space<vmem>> -> memref<8192xf32, #tpu.memory_space<vmem>>
      tpu.enqueue_dma source(%dma_start3A_197 : memref<8192xf32, #tpu.memory_space<vmem>>) target(%dma_start3A_194 : memref<8192xf32, #tpu.memory_space<hbm>>) target_semaphore(%dma_start3A_193 : memref<!tpu.dma_semaphore, #tpu.memory_space<semaphore_mem>>)
      %mul3A_198 = arith.constant 64 : i32
      %mul3A_199 = arith.muli %multiple_of3A_173, %mul3A_198 : i32
      %dma_start3A_200 = arith.constant 0 : i32
      %dma_start3A_201 = arith.constant 0 : i32
      %dma_start3A_202 = arith.constant 0 : i32
      %dma_start3A_203 = tpu.memref_slice %arg13[%dma_start3A_200, %dma_start3A_202] : memref<2x8192xf32, #tpu.memory_space<vmem>> -> memref<1x8192xf32, #tpu.memory_space<vmem>>
      %dma_start3A_204 = tpu.memref_squeeze %dma_start3A_203 : memref<1x8192xf32, #tpu.memory_space<vmem>> -> memref<8192xf32, #tpu.memory_space<vmem>>
      %dma_start3A_205 = tpu.memref_slice %arg7[%mul3A_199] : memref<13107200xf32, #tpu.memory_space<hbm>> -> memref<8192xf32, #tpu.memory_space<hbm>>
      %dma_start3A_206 = tpu.memref_slice %arg15[%dma_start3A_201] : memref<2x!tpu.dma_semaphore, #tpu.memory_space<semaphore_mem>> -> memref<1x!tpu.dma_semaphore, #tpu.memory_space<semaphore_mem>>
      %dma_start3A_207 = tpu.memref_squeeze %dma_start3A_206 : memref<1x!tpu.dma_semaphore, #tpu.memory_space<semaphore_mem>> -> memref<!tpu.dma_semaphore, #tpu.memory_space<semaphore_mem>>
      %dma_start3A_208 = tpu.memref_slice %arg7[%mul3A_199] : memref<13107200xf32, #tpu.memory_space<hbm>> -> memref<8192xf32, #tpu.memory_space<hbm>>
      %dma_start3A_209 = arith.constant 0 : i32
      %dma_start3A_210 = tpu.memref_slice %arg13[%dma_start3A_200, %dma_start3A_209] : memref<2x8192xf32, #tpu.memory_space<vmem>> -> memref<1x8192xf32, #tpu.memory_space<vmem>>
      %dma_start3A_211 = tpu.memref_squeeze %dma_start3A_210 : memref<1x8192xf32, #tpu.memory_space<vmem>> -> memref<8192xf32, #tpu.memory_space<vmem>>
      tpu.enqueue_dma source(%dma_start3A_211 : memref<8192xf32, #tpu.memory_space<vmem>>) target(%dma_start3A_208 : memref<8192xf32, #tpu.memory_space<hbm>>) target_semaphore(%dma_start3A_207 : memref<!tpu.dma_semaphore, #tpu.memory_space<semaphore_mem>>)
      %add3A_212 = arith.constant 1 : i32
      %add3A_213 = arith.addi %add3A_114, %add3A_212 : i32
      %add3A_214 = arith.constant 1 : i32
      %add3A_215 = arith.addi %add3A_213, %add3A_214 : i32
      %lt3A_216 = arith.constant 50 : i32
      %lt3A_217 = arith.cmpi slt, %add3A_215, %lt3A_216 : i32
      %convert_element_type3A_218 = arith.extui %lt3A_217 : i1 to i32
      %cond3A_219 = arith.constant 0 : i32
      %cond3A_220 = arith.cmpi ne, %convert_element_type3A_218, %cond3A_219 : i32
      scf.if %cond3A_220 {
        %add3A_314 = arith.constant 1 : i32
        %add3A_315 = arith.addi %add3A_213, %add3A_314 : i32
        %mul3A_316 = arith.constant 128 : i32
        %mul3A_317 = arith.muli %add3A_315, %mul3A_316 : i32
        %add3A_318 = arith.addi %mul3A_2, %mul3A_317 : i32
        %multiple_of3A_319 = tpu.assume_multiple %add3A_318, 128 : i32
        %run_scoped3A_320 = arith.constant 0 : i32
        "tpu.region"() ({
          %run_scoped3A_366 = tpu.sem_alloc : memref<!tpu.dma_semaphore, #tpu.memory_space<semaphore_mem>>
          %dma_start3A_367 = arith.constant 0 : i32
          %dma_start3A_368 = tpu.memref_slice %arg8[%run_scoped3A_320, %dma_start3A_367] : memref<2x128xi32, #tpu.memory_space<vmem>> -> memref<1x128xi32, #tpu.memory_space<vmem>>
          %dma_start3A_369 = tpu.memref_squeeze %dma_start3A_368 : memref<1x128xi32, #tpu.memory_space<vmem>> -> memref<128xi32, #tpu.memory_space<vmem>>
          %dma_start3A_370 = tpu.memref_slice %arg2[%multiple_of3A_319] : memref<204800xi32, #tpu.memory_space<hbm>> -> memref<128xi32, #tpu.memory_space<hbm>>
          %dma_start3A_371 = arith.constant 0 : i32
          %dma_start3A_372 = tpu.memref_slice %arg8[%run_scoped3A_320, %dma_start3A_371] : memref<2x128xi32, #tpu.memory_space<vmem>> -> memref<1x128xi32, #tpu.memory_space<vmem>>
          %dma_start3A_373 = tpu.memref_squeeze %dma_start3A_372 : memref<1x128xi32, #tpu.memory_space<vmem>> -> memref<128xi32, #tpu.memory_space<vmem>>
          %dma_start3A_374 = tpu.memref_slice %arg2[%multiple_of3A_319] : memref<204800xi32, #tpu.memory_space<hbm>> -> memref<128xi32, #tpu.memory_space<hbm>>
          tpu.enqueue_dma source(%dma_start3A_374 : memref<128xi32, #tpu.memory_space<hbm>>) target(%dma_start3A_373 : memref<128xi32, #tpu.memory_space<vmem>>) target_semaphore(%run_scoped3A_366 : memref<!tpu.dma_semaphore, #tpu.memory_space<semaphore_mem>>)
          %dma_wait3A_375 = arith.constant 0 : i32
          %dma_wait3A_376 = tpu.memref_slice %arg8[%run_scoped3A_320, %dma_wait3A_375] : memref<2x128xi32, #tpu.memory_space<vmem>> -> memref<1x128xi32, #tpu.memory_space<vmem>>
          %dma_wait3A_377 = tpu.memref_squeeze %dma_wait3A_376 : memref<1x128xi32, #tpu.memory_space<vmem>> -> memref<128xi32, #tpu.memory_space<vmem>>
          %dma_wait3A_378 = tpu.memref_slice %arg2[%multiple_of3A_319] : memref<204800xi32, #tpu.memory_space<hbm>> -> memref<128xi32, #tpu.memory_space<hbm>>
          %dma_wait3A_379 = arith.constant 0 : i32
          %dma_wait3A_380 = tpu.memref_slice %arg8[%run_scoped3A_320, %dma_wait3A_379] : memref<2x128xi32, #tpu.memory_space<vmem>> -> memref<1x128xi32, #tpu.memory_space<vmem>>
          %dma_wait3A_381 = tpu.memref_squeeze %dma_wait3A_380 : memref<1x128xi32, #tpu.memory_space<vmem>> -> memref<128xi32, #tpu.memory_space<vmem>>
          %dma_wait3A_382 = tpu.memref_slice %arg2[%multiple_of3A_319] : memref<204800xi32, #tpu.memory_space<hbm>> -> memref<128xi32, #tpu.memory_space<hbm>>
          tpu.wait_dma2 semaphore(%run_scoped3A_366 : memref<!tpu.dma_semaphore, #tpu.memory_space<semaphore_mem>>) src(%dma_wait3A_382 : memref<128xi32, #tpu.memory_space<hbm>>) dst(%dma_wait3A_381 : memref<128xi32, #tpu.memory_space<vmem>>)
          tpu.yield
        }) : () -> ()
        %dma_start3A_321 = arith.constant 0 : i32
        %dma_start3A_322 = arith.constant 0 : i32
        %dma_start3A_323 = arith.constant 0 : i32
        %dma_start3A_324 = arith.constant 0 : i32
        %dma_start3A_325 = arith.constant 0 : i32
        %dma_start3A_326 = tpu.memref_slice %arg9[%dma_start3A_322, %dma_start3A_324, %dma_start3A_325] : memref<2x128x64xf32, #tpu.memory_space<vmem>> -> memref<1x128x64xf32, #tpu.memory_space<vmem>>
        %dma_start3A_327 = tpu.memref_squeeze %dma_start3A_326 : memref<1x128x64xf32, #tpu.memory_space<vmem>> -> memref<128x64xf32, #tpu.memory_space<vmem>>
        %dma_start3A_328 = arith.constant 0 : i32
        %dma_start3A_329 = tpu.memref_slice %arg8[%dma_start3A_321, %dma_start3A_328] : memref<2x128xi32, #tpu.memory_space<vmem>> -> memref<1x128xi32, #tpu.memory_space<vmem>>
        %dma_start3A_330 = tpu.memref_squeeze %dma_start3A_329 : memref<1x128xi32, #tpu.memory_space<vmem>> -> memref<128xi32, #tpu.memory_space<vmem>>
        %dma_start3A_331 = arith.constant 0 : i32
        %dma_start3A_332 = arith.constant 0 : i32
        %dma_start3A_333 = tpu.memref_slice %arg3[%dma_start3A_331, %dma_start3A_332] : memref<100000x64xf32, #tpu.memory_space<hbm>> -> memref<100000x64xf32, #tpu.memory_space<hbm>>
        %dma_start3A_334 = tpu.memref_slice %arg14[%dma_start3A_323] : memref<2x!tpu.dma_semaphore, #tpu.memory_space<semaphore_mem>> -> memref<1x!tpu.dma_semaphore, #tpu.memory_space<semaphore_mem>>
        %dma_start3A_335 = tpu.memref_squeeze %dma_start3A_334 : memref<1x!tpu.dma_semaphore, #tpu.memory_space<semaphore_mem>> -> memref<!tpu.dma_semaphore, #tpu.memory_space<semaphore_mem>>
        tpu.enqueue_indirect_dma source(%dma_start3A_333 : memref<100000x64xf32, #tpu.memory_space<hbm>>) target(%dma_start3A_327 : memref<128x64xf32, #tpu.memory_space<vmem>>) offsets(%dma_start3A_330 : memref<128xi32, #tpu.memory_space<vmem>>) semaphore(%dma_start3A_335 : memref<!tpu.dma_semaphore, #tpu.memory_space<semaphore_mem>>)
        %dma_start3A_336 = arith.constant 0 : i32
        %dma_start3A_337 = arith.constant 0 : i32
        %dma_start3A_338 = arith.constant 0 : i32
        %dma_start3A_339 = arith.constant 0 : i32
        %dma_start3A_340 = arith.constant 0 : i32
        %dma_start3A_341 = tpu.memref_slice %arg10[%dma_start3A_337, %dma_start3A_339, %dma_start3A_340] : memref<2x128x64xf32, #tpu.memory_space<vmem>> -> memref<1x128x64xf32, #tpu.memory_space<vmem>>
        %dma_start3A_342 = tpu.memref_squeeze %dma_start3A_341 : memref<1x128x64xf32, #tpu.memory_space<vmem>> -> memref<128x64xf32, #tpu.memory_space<vmem>>
        %dma_start3A_343 = arith.constant 0 : i32
        %dma_start3A_344 = tpu.memref_slice %arg8[%dma_start3A_336, %dma_start3A_343] : memref<2x128xi32, #tpu.memory_space<vmem>> -> memref<1x128xi32, #tpu.memory_space<vmem>>
        %dma_start3A_345 = tpu.memref_squeeze %dma_start3A_344 : memref<1x128xi32, #tpu.memory_space<vmem>> -> memref<128xi32, #tpu.memory_space<vmem>>
        %dma_start3A_346 = arith.constant 0 : i32
        %dma_start3A_347 = arith.constant 0 : i32
        %dma_start3A_348 = tpu.memref_slice %arg4[%dma_start3A_346, %dma_start3A_347] : memref<100000x64xf32, #tpu.memory_space<hbm>> -> memref<100000x64xf32, #tpu.memory_space<hbm>>
        %dma_start3A_349 = tpu.memref_slice %arg14[%dma_start3A_338] : memref<2x!tpu.dma_semaphore, #tpu.memory_space<semaphore_mem>> -> memref<1x!tpu.dma_semaphore, #tpu.memory_space<semaphore_mem>>
        %dma_start3A_350 = tpu.memref_squeeze %dma_start3A_349 : memref<1x!tpu.dma_semaphore, #tpu.memory_space<semaphore_mem>> -> memref<!tpu.dma_semaphore, #tpu.memory_space<semaphore_mem>>
        tpu.enqueue_indirect_dma source(%dma_start3A_348 : memref<100000x64xf32, #tpu.memory_space<hbm>>) target(%dma_start3A_342 : memref<128x64xf32, #tpu.memory_space<vmem>>) offsets(%dma_start3A_345 : memref<128xi32, #tpu.memory_space<vmem>>) semaphore(%dma_start3A_350 : memref<!tpu.dma_semaphore, #tpu.memory_space<semaphore_mem>>)
        %dma_start3A_351 = arith.constant 0 : i32
        %dma_start3A_352 = arith.constant 0 : i32
        %dma_start3A_353 = arith.constant 0 : i32
        %dma_start3A_354 = arith.constant 0 : i32
        %dma_start3A_355 = arith.constant 0 : i32
        %dma_start3A_356 = tpu.memref_slice %arg11[%dma_start3A_352, %dma_start3A_354, %dma_start3A_355] : memref<2x128x64xf32, #tpu.memory_space<vmem>> -> memref<1x128x64xf32, #tpu.memory_space<vmem>>
        %dma_start3A_357 = tpu.memref_squeeze %dma_start3A_356 : memref<1x128x64xf32, #tpu.memory_space<vmem>> -> memref<128x64xf32, #tpu.memory_space<vmem>>
        %dma_start3A_358 = arith.constant 0 : i32
        %dma_start3A_359 = tpu.memref_slice %arg8[%dma_start3A_351, %dma_start3A_358] : memref<2x128xi32, #tpu.memory_space<vmem>> -> memref<1x128xi32, #tpu.memory_space<vmem>>
        %dma_start3A_360 = tpu.memref_squeeze %dma_start3A_359 : memref<1x128xi32, #tpu.memory_space<vmem>> -> memref<128xi32, #tpu.memory_space<vmem>>
        %dma_start3A_361 = arith.constant 0 : i32
        %dma_start3A_362 = arith.constant 0 : i32
        %dma_start3A_363 = tpu.memref_slice %arg5[%dma_start3A_361, %dma_start3A_362] : memref<100000x64xf32, #tpu.memory_space<hbm>> -> memref<100000x64xf32, #tpu.memory_space<hbm>>
        %dma_start3A_364 = tpu.memref_slice %arg14[%dma_start3A_353] : memref<2x!tpu.dma_semaphore, #tpu.memory_space<semaphore_mem>> -> memref<1x!tpu.dma_semaphore, #tpu.memory_space<semaphore_mem>>
        %dma_start3A_365 = tpu.memref_squeeze %dma_start3A_364 : memref<1x!tpu.dma_semaphore, #tpu.memory_space<semaphore_mem>> -> memref<!tpu.dma_semaphore, #tpu.memory_space<semaphore_mem>>
        tpu.enqueue_indirect_dma source(%dma_start3A_363 : memref<100000x64xf32, #tpu.memory_space<hbm>>) target(%dma_start3A_357 : memref<128x64xf32, #tpu.memory_space<vmem>>) offsets(%dma_start3A_360 : memref<128xi32, #tpu.memory_space<vmem>>) semaphore(%dma_start3A_365 : memref<!tpu.dma_semaphore, #tpu.memory_space<semaphore_mem>>)
      } else {
      }
      %dma_wait3A_221 = arith.constant 1 : i32
      %dma_wait3A_222 = arith.constant 1 : i32
      %dma_wait3A_223 = arith.constant 1 : i32
      %dma_wait3A_224 = arith.constant 0 : i32
      %dma_wait3A_225 = arith.constant 0 : i32
      %dma_wait3A_226 = tpu.memref_slice %arg9[%dma_wait3A_222, %dma_wait3A_224, %dma_wait3A_225] : memref<2x128x64xf32, #tpu.memory_space<vmem>> -> memref<1x128x64xf32, #tpu.memory_space<vmem>>
      %dma_wait3A_227 = tpu.memref_squeeze %dma_wait3A_226 : memref<1x128x64xf32, #tpu.memory_space<vmem>> -> memref<128x64xf32, #tpu.memory_space<vmem>>
      %dma_wait3A_228 = arith.constant 0 : i32
      %dma_wait3A_229 = tpu.memref_slice %arg8[%dma_wait3A_221, %dma_wait3A_228] : memref<2x128xi32, #tpu.memory_space<vmem>> -> memref<1x128xi32, #tpu.memory_space<vmem>>
      %dma_wait3A_230 = tpu.memref_squeeze %dma_wait3A_229 : memref<1x128xi32, #tpu.memory_space<vmem>> -> memref<128xi32, #tpu.memory_space<vmem>>
      %dma_wait3A_231 = arith.constant 0 : i32
      %dma_wait3A_232 = arith.constant 0 : i32
      %dma_wait3A_233 = tpu.memref_slice %arg3[%dma_wait3A_231, %dma_wait3A_232] : memref<100000x64xf32, #tpu.memory_space<hbm>> -> memref<100000x64xf32, #tpu.memory_space<hbm>>
      %dma_wait3A_234 = tpu.memref_slice %arg14[%dma_wait3A_223] : memref<2x!tpu.dma_semaphore, #tpu.memory_space<semaphore_mem>> -> memref<1x!tpu.dma_semaphore, #tpu.memory_space<semaphore_mem>>
      %dma_wait3A_235 = tpu.memref_squeeze %dma_wait3A_234 : memref<1x!tpu.dma_semaphore, #tpu.memory_space<semaphore_mem>> -> memref<!tpu.dma_semaphore, #tpu.memory_space<semaphore_mem>>
      tpu.wait_indirect_dma semaphore(%dma_wait3A_235 : memref<!tpu.dma_semaphore, #tpu.memory_space<semaphore_mem>>) src(%dma_wait3A_233 : memref<100000x64xf32, #tpu.memory_space<hbm>>) dst(%dma_wait3A_227 : memref<128x64xf32, #tpu.memory_space<vmem>>)
      %dma_wait3A_236 = arith.constant 1 : i32
      %dma_wait3A_237 = arith.constant 1 : i32
      %dma_wait3A_238 = arith.constant 1 : i32
      %dma_wait3A_239 = arith.constant 0 : i32
      %dma_wait3A_240 = arith.constant 0 : i32
      %dma_wait3A_241 = tpu.memref_slice %arg10[%dma_wait3A_237, %dma_wait3A_239, %dma_wait3A_240] : memref<2x128x64xf32, #tpu.memory_space<vmem>> -> memref<1x128x64xf32, #tpu.memory_space<vmem>>
      %dma_wait3A_242 = tpu.memref_squeeze %dma_wait3A_241 : memref<1x128x64xf32, #tpu.memory_space<vmem>> -> memref<128x64xf32, #tpu.memory_space<vmem>>
      %dma_wait3A_243 = arith.constant 0 : i32
      %dma_wait3A_244 = tpu.memref_slice %arg8[%dma_wait3A_236, %dma_wait3A_243] : memref<2x128xi32, #tpu.memory_space<vmem>> -> memref<1x128xi32, #tpu.memory_space<vmem>>
      %dma_wait3A_245 = tpu.memref_squeeze %dma_wait3A_244 : memref<1x128xi32, #tpu.memory_space<vmem>> -> memref<128xi32, #tpu.memory_space<vmem>>
      %dma_wait3A_246 = arith.constant 0 : i32
      %dma_wait3A_247 = arith.constant 0 : i32
      %dma_wait3A_248 = tpu.memref_slice %arg4[%dma_wait3A_246, %dma_wait3A_247] : memref<100000x64xf32, #tpu.memory_space<hbm>> -> memref<100000x64xf32, #tpu.memory_space<hbm>>
      %dma_wait3A_249 = tpu.memref_slice %arg14[%dma_wait3A_238] : memref<2x!tpu.dma_semaphore, #tpu.memory_space<semaphore_mem>> -> memref<1x!tpu.dma_semaphore, #tpu.memory_space<semaphore_mem>>
      %dma_wait3A_250 = tpu.memref_squeeze %dma_wait3A_249 : memref<1x!tpu.dma_semaphore, #tpu.memory_space<semaphore_mem>> -> memref<!tpu.dma_semaphore, #tpu.memory_space<semaphore_mem>>
      tpu.wait_indirect_dma semaphore(%dma_wait3A_250 : memref<!tpu.dma_semaphore, #tpu.memory_space<semaphore_mem>>) src(%dma_wait3A_248 : memref<100000x64xf32, #tpu.memory_space<hbm>>) dst(%dma_wait3A_242 : memref<128x64xf32, #tpu.memory_space<vmem>>)
      %dma_wait3A_251 = arith.constant 1 : i32
      %dma_wait3A_252 = arith.constant 1 : i32
      %dma_wait3A_253 = arith.constant 1 : i32
      %dma_wait3A_254 = arith.constant 0 : i32
      %dma_wait3A_255 = arith.constant 0 : i32
      %dma_wait3A_256 = tpu.memref_slice %arg11[%dma_wait3A_252, %dma_wait3A_254, %dma_wait3A_255] : memref<2x128x64xf32, #tpu.memory_space<vmem>> -> memref<1x128x64xf32, #tpu.memory_space<vmem>>
      %dma_wait3A_257 = tpu.memref_squeeze %dma_wait3A_256 : memref<1x128x64xf32, #tpu.memory_space<vmem>> -> memref<128x64xf32, #tpu.memory_space<vmem>>
      %dma_wait3A_258 = arith.constant 0 : i32
      %dma_wait3A_259 = tpu.memref_slice %arg8[%dma_wait3A_251, %dma_wait3A_258] : memref<2x128xi32, #tpu.memory_space<vmem>> -> memref<1x128xi32, #tpu.memory_space<vmem>>
      %dma_wait3A_260 = tpu.memref_squeeze %dma_wait3A_259 : memref<1x128xi32, #tpu.memory_space<vmem>> -> memref<128xi32, #tpu.memory_space<vmem>>
      %dma_wait3A_261 = arith.constant 0 : i32
      %dma_wait3A_262 = arith.constant 0 : i32
      %dma_wait3A_263 = tpu.memref_slice %arg5[%dma_wait3A_261, %dma_wait3A_262] : memref<100000x64xf32, #tpu.memory_space<hbm>> -> memref<100000x64xf32, #tpu.memory_space<hbm>>
      %dma_wait3A_264 = tpu.memref_slice %arg14[%dma_wait3A_253] : memref<2x!tpu.dma_semaphore, #tpu.memory_space<semaphore_mem>> -> memref<1x!tpu.dma_semaphore, #tpu.memory_space<semaphore_mem>>
      %dma_wait3A_265 = tpu.memref_squeeze %dma_wait3A_264 : memref<1x!tpu.dma_semaphore, #tpu.memory_space<semaphore_mem>> -> memref<!tpu.dma_semaphore, #tpu.memory_space<semaphore_mem>>
      tpu.wait_indirect_dma semaphore(%dma_wait3A_265 : memref<!tpu.dma_semaphore, #tpu.memory_space<semaphore_mem>>) src(%dma_wait3A_263 : memref<100000x64xf32, #tpu.memory_space<hbm>>) dst(%dma_wait3A_257 : memref<128x64xf32, #tpu.memory_space<vmem>>)
      %ge3A_266 = arith.constant 2 : i32
      %ge3A_267 = arith.cmpi sge, %add3A_213, %ge3A_266 : i32
      %convert_element_type3A_268 = arith.extui %ge3A_267 : i1 to i32
      %cond3A_269 = arith.constant 0 : i32
      %cond3A_270 = arith.cmpi ne, %convert_element_type3A_268, %cond3A_269 : i32
      scf.if %cond3A_270 {
        %add3A_314 = arith.constant 0 : i32
        %add3A_315 = arith.addi %mul3A_2, %add3A_314 : i32
        %multiple_of3A_316 = tpu.assume_multiple %add3A_315, 128 : i32
        %mul3A_317 = arith.constant 64 : i32
        %mul3A_318 = arith.muli %multiple_of3A_316, %mul3A_317 : i32
        %dma_wait3A_319 = arith.constant 1 : i32
        %dma_wait3A_320 = arith.constant 1 : i32
        %dma_wait3A_321 = arith.constant 0 : i32
        %dma_wait3A_322 = tpu.memref_slice %arg12[%dma_wait3A_319, %dma_wait3A_321] : memref<2x8192xf32, #tpu.memory_space<vmem>> -> memref<1x8192xf32, #tpu.memory_space<vmem>>
        %dma_wait3A_323 = tpu.memref_squeeze %dma_wait3A_322 : memref<1x8192xf32, #tpu.memory_space<vmem>> -> memref<8192xf32, #tpu.memory_space<vmem>>
        %dma_wait3A_324 = tpu.memref_slice %arg6[%mul3A_318] : memref<13107200xf32, #tpu.memory_space<hbm>> -> memref<8192xf32, #tpu.memory_space<hbm>>
        %dma_wait3A_325 = tpu.memref_slice %arg15[%dma_wait3A_320] : memref<2x!tpu.dma_semaphore, #tpu.memory_space<semaphore_mem>> -> memref<1x!tpu.dma_semaphore, #tpu.memory_space<semaphore_mem>>
        %dma_wait3A_326 = tpu.memref_squeeze %dma_wait3A_325 : memref<1x!tpu.dma_semaphore, #tpu.memory_space<semaphore_mem>> -> memref<!tpu.dma_semaphore, #tpu.memory_space<semaphore_mem>>
        %dma_wait3A_327 = tpu.memref_slice %arg6[%mul3A_318] : memref<13107200xf32, #tpu.memory_space<hbm>> -> memref<8192xf32, #tpu.memory_space<hbm>>
        %dma_wait3A_328 = arith.constant 0 : i32
        %dma_wait3A_329 = tpu.memref_slice %arg12[%dma_wait3A_319, %dma_wait3A_328] : memref<2x8192xf32, #tpu.memory_space<vmem>> -> memref<1x8192xf32, #tpu.memory_space<vmem>>
        %dma_wait3A_330 = tpu.memref_squeeze %dma_wait3A_329 : memref<1x8192xf32, #tpu.memory_space<vmem>> -> memref<8192xf32, #tpu.memory_space<vmem>>
        tpu.wait_dma2 semaphore(%dma_wait3A_326 : memref<!tpu.dma_semaphore, #tpu.memory_space<semaphore_mem>>) src(%dma_wait3A_330 : memref<8192xf32, #tpu.memory_space<vmem>>) dst(%dma_wait3A_327 : memref<8192xf32, #tpu.memory_space<hbm>>)
        %dma_wait3A_331 = arith.constant 1 : i32
        %dma_wait3A_332 = arith.constant 1 : i32
        %dma_wait3A_333 = arith.constant 0 : i32
        %dma_wait3A_334 = tpu.memref_slice %arg13[%dma_wait3A_331, %dma_wait3A_333] : memref<2x8192xf32, #tpu.memory_space<vmem>> -> memref<1x8192xf32, #tpu.memory_space<vmem>>
        %dma_wait3A_335 = tpu.memref_squeeze %dma_wait3A_334 : memref<1x8192xf32, #tpu.memory_space<vmem>> -> memref<8192xf32, #tpu.memory_space<vmem>>
        %dma_wait3A_336 = tpu.memref_slice %arg7[%mul3A_318] : memref<13107200xf32, #tpu.memory_space<hbm>> -> memref<8192xf32, #tpu.memory_space<hbm>>
        %dma_wait3A_337 = tpu.memref_slice %arg15[%dma_wait3A_332] : memref<2x!tpu.dma_semaphore, #tpu.memory_space<semaphore_mem>> -> memref<1x!tpu.dma_semaphore, #tpu.memory_space<semaphore_mem>>
        %dma_wait3A_338 = tpu.memref_squeeze %dma_wait3A_337 : memref<1x!tpu.dma_semaphore, #tpu.memory_space<semaphore_mem>> -> memref<!tpu.dma_semaphore, #tpu.memory_space<semaphore_mem>>
        %dma_wait3A_339 = tpu.memref_slice %arg7[%mul3A_318] : memref<13107200xf32, #tpu.memory_space<hbm>> -> memref<8192xf32, #tpu.memory_space<hbm>>
        %dma_wait3A_340 = arith.constant 0 : i32
        %dma_wait3A_341 = tpu.memref_slice %arg13[%dma_wait3A_331, %dma_wait3A_340] : memref<2x8192xf32, #tpu.memory_space<vmem>> -> memref<1x8192xf32, #tpu.memory_space<vmem>>
        %dma_wait3A_342 = tpu.memref_squeeze %dma_wait3A_341 : memref<1x8192xf32, #tpu.memory_space<vmem>> -> memref<8192xf32, #tpu.memory_space<vmem>>
        tpu.wait_dma2 semaphore(%dma_wait3A_338 : memref<!tpu.dma_semaphore, #tpu.memory_space<semaphore_mem>>) src(%dma_wait3A_342 : memref<8192xf32, #tpu.memory_space<vmem>>) dst(%dma_wait3A_339 : memref<8192xf32, #tpu.memory_space<hbm>>)
      } else {
      }
      %mul3A_271 = arith.constant 128 : i32
      %mul3A_272 = arith.muli %add3A_213, %mul3A_271 : i32
      %add3A_273 = arith.addi %mul3A_2, %mul3A_272 : i32
      %multiple_of3A_274 = tpu.assume_multiple %add3A_273, 128 : i32
      %rem3A_275 = arith.constant 50 : i32
      %rem3A_276 = arith.remsi %multiple_of3A_274, %rem3A_275 : i32
      %add3A_277 = arith.constant 1 : i32
      %add3A_278 = arith.addi %rem3A_276, %add3A_277 : i32
      %convert_element_type3A_279 = arith.sitofp %add3A_278 : i32 to f32
      %scan3A_280 = arith.constant 0 : i32
      %scan3A_281 = arith.constant 128 : i32
      %scan3A_282 = arith.addi %scan3A_280, %scan3A_281 : i32
      %scan3A_283 = arith.constant 1 : i32
      %scan3A_284 = scf.for %scan3A_314 = %scan3A_280 to %scan3A_282 step %scan3A_283 iter_args(%scan3A_315 = %convert_element_type3A_279) -> (f32)  : i32 {
        %mul3A_316 = arith.constant 1 : i32
        %mul3A_317 = arith.muli %scan3A_314, %mul3A_316 : i32
        %add3A_318 = arith.constant 0 : i32
        %add3A_319 = arith.addi %add3A_318, %mul3A_317 : i32
        %mul3A_320 = arith.constant 64 : i32
        %mul3A_321 = arith.muli %add3A_319, %mul3A_320 : i32
        %add3A_322 = arith.constant 0 : i32
        %add3A_323 = arith.addi %mul3A_321, %add3A_322 : i32
        %get3A = arith.constant 1 : i32
        %get3A_324 = arith.index_cast %get3A : i32 to index
        %get3A_325 = arith.index_cast %add3A_319 : i32 to index
        %get3A_326 = arith.constant 0 : index
        %get3A_327 = tpu.vector_load %arg10[%get3A_324, %get3A_325, %get3A_326] {strides = array<i32>} : memref<2x128x64xf32, #tpu.memory_space<vmem>>, vector<1x1x16xf32>,
        %get3A_328 = vector.shape_cast %get3A_327 : vector<1x1x16xf32> to vector<16xf32>
        %get3A_329 = arith.constant 1 : i32
        %get3A_330 = arith.index_cast %get3A_329 : i32 to index
        %get3A_331 = arith.index_cast %add3A_319 : i32 to index
        %get3A_332 = arith.constant 0 : index
        %get3A_333 = tpu.vector_load %arg11[%get3A_330, %get3A_331, %get3A_332] {strides = array<i32>} : memref<2x128x64xf32, #tpu.memory_space<vmem>>, vector<1x1x16xf32>,
        %get3A_334 = vector.shape_cast %get3A_333 : vector<1x1x16xf32> to vector<16xf32>
        %get3A_335 = arith.constant 1 : i32
        %get3A_336 = arith.index_cast %get3A_335 : i32 to index
        %get3A_337 = arith.index_cast %add3A_319 : i32 to index
        %get3A_338 = arith.constant 0 : index
        %get3A_339 = tpu.vector_load %arg9[%get3A_336, %get3A_337, %get3A_338] {strides = array<i32>} : memref<2x128x64xf32, #tpu.memory_space<vmem>>, vector<1x1x16xf32>,
        %get3A_340 = vector.shape_cast %get3A_339 : vector<1x1x16xf32> to vector<16xf32>
        %mul3A_341 = vector.broadcast %scan3A_315 : f32 to vector<16xf32>
        %mul3A_342 = arith.mulf %mul3A_341, %get3A_328 : vector<16xf32>
        %add3A_343 = arith.addf %mul3A_342, %get3A_334 : vector<16xf32>
        %mul3A_344 = arith.constant 0.159154937 : f32
        %mul3A_345 = vector.broadcast %mul3A_344 : f32 to vector<16xf32>
        %mul3A_346 = arith.mulf %add3A_343, %mul3A_345 : vector<16xf32>
        %sign3A = tpu.bitcast %mul3A_346 : vector<16xf32> -> vector<16xi32>
        %sign3A_347 = arith.constant -2147483648 : i32
        %sign3A_348 = vector.broadcast %sign3A_347 : i32 to vector<16xi32>
        %sign3A_349 = arith.andi %sign3A, %sign3A_348 : vector<16xi32>
        %sign3A_350 = arith.constant 1065353216 : i32
        %sign3A_351 = vector.broadcast %sign3A_350 : i32 to vector<16xi32>
        %sign3A_352 = arith.ori %sign3A_351, %sign3A_349 : vector<16xi32>
        %sign3A_353 = tpu.bitcast %sign3A_352 : vector<16xi32> -> vector<16xf32>
        %sign3A_354 = math.absf %mul3A_346 : vector<16xf32>
        %sign3A_355 = arith.constant 0.000000e+00 : f32
        %sign3A_356 = vector.broadcast %sign3A_355 : f32 to vector<16xf32>
        %sign3A_357 = arith.cmpf ogt, %sign3A_354, %sign3A_356 : vector<16xf32>
        %sign3A_358 = arith.select %sign3A_357, %sign3A_353, %mul3A_346 : vector<16xi1>, vector<16xf32>
        %mul3A_359 = arith.constant 5.000000e-01 : f32
        %mul3A_360 = vector.broadcast %mul3A_359 : f32 to vector<16xf32>
        %mul3A_361 = arith.mulf %mul3A_360, %sign3A_358 : vector<16xf32>
        %add3A_362 = arith.addf %mul3A_346, %mul3A_361 : vector<16xf32>
        %convert_element_type3A_363 = arith.fptosi %add3A_362 : vector<16xf32> to vector<16xi32>
        %convert_element_type3A_364 = arith.sitofp %convert_element_type3A_363 : vector<16xi32> to vector<16xf32>
        %mul3A_365 = arith.constant 6.28318548 : f32
        %mul3A_366 = vector.broadcast %mul3A_365 : f32 to vector<16xf32>
        %mul3A_367 = arith.mulf %convert_element_type3A_364, %mul3A_366 : vector<16xf32>
        %sub3A = arith.subf %add3A_343, %mul3A_367 : vector<16xf32>
        %mul3A_368 = arith.mulf %sub3A, %sub3A : vector<16xf32>
        %mul3A_369 = arith.constant -1.47740444E-4 : f32
        %mul3A_370 = vector.broadcast %mul3A_369 : f32 to vector<16xf32>
        %mul3A_371 = arith.mulf %mul3A_368, %mul3A_370 : vector<16xf32>
        %add3A_372 = arith.constant 0.00799857546 : f32
        %add3A_373 = vector.broadcast %add3A_372 : f32 to vector<16xf32>
        %add3A_374 = arith.addf %add3A_373, %mul3A_371 : vector<16xf32>
        %mul3A_375 = arith.mulf %mul3A_368, %add3A_374 : vector<16xf32>
        %add3A_376 = arith.constant -0.165838435 : f32
        %add3A_377 = vector.broadcast %add3A_376 : f32 to vector<16xf32>
        %add3A_378 = arith.addf %add3A_377, %mul3A_375 : vector<16xf32>
        %mul3A_379 = arith.mulf %mul3A_368, %add3A_378 : vector<16xf32>
        %add3A_380 = arith.constant 0.999450147 : f32
        %add3A_381 = vector.broadcast %add3A_380 : f32 to vector<16xf32>
        %add3A_382 = arith.addf %add3A_381, %mul3A_379 : vector<16xf32>
        %mul3A_383 = arith.mulf %sub3A, %add3A_382 : vector<16xf32>
        %mul3A_384 = arith.constant 1.90652154E-5 : f32
        %mul3A_385 = vector.broadcast %mul3A_384 : f32 to vector<16xf32>
        %mul3A_386 = arith.mulf %mul3A_368, %mul3A_385 : vector<16xf32>
        %add3A_387 = arith.constant -0.00134410686 : f32
        %add3A_388 = vector.broadcast %add3A_387 : f32 to vector<16xf32>
        %add3A_389 = arith.addf %add3A_388, %mul3A_386 : vector<16xf32>
        %mul3A_390 = arith.mulf %mul3A_368, %add3A_389 : vector<16xf32>
        %add3A_391 = arith.constant 0.0415223055 : f32
        %add3A_392 = vector.broadcast %add3A_391 : f32 to vector<16xf32>
        %add3A_393 = arith.addf %add3A_392, %mul3A_390 : vector<16xf32>
        %mul3A_394 = arith.mulf %mul3A_368, %add3A_393 : vector<16xf32>
        %add3A_395 = arith.constant -0.499837607 : f32
        %add3A_396 = vector.broadcast %add3A_395 : f32 to vector<16xf32>
        %add3A_397 = arith.addf %add3A_396, %mul3A_394 : vector<16xf32>
        %mul3A_398 = arith.mulf %mul3A_368, %add3A_397 : vector<16xf32>
        %add3A_399 = arith.constant 0.999971091 : f32
        %add3A_400 = vector.broadcast %add3A_399 : f32 to vector<16xf32>
        %add3A_401 = arith.addf %add3A_400, %mul3A_398 : vector<16xf32>
        %mul3A_402 = arith.mulf %get3A_340, %add3A_401 : vector<16xf32>
        %swap3A = arith.constant 1 : i32
        %swap3A_403 = arith.index_cast %swap3A : i32 to index
        %swap3A_404 = arith.index_cast %add3A_323 : i32 to index
        %swap3A_405 = tpu.vector_load %arg12[%swap3A_403, %swap3A_404] {strides = array<i32>} : memref<2x8192xf32, #tpu.memory_space<vmem>>, vector<1x16xf32>,
        %swap3A_406 = vector.shape_cast %swap3A_405 : vector<1x16xf32> to vector<16xf32>
        %swap3A_407 = vector.shape_cast %mul3A_402 : vector<16xf32> to vector<1x16xf32>
        tpu.vector_store %arg12[%swap3A_403, %swap3A_404], %swap3A_407 {strides = array<i32>} : memref<2x8192xf32, #tpu.memory_space<vmem>>, vector<1x16xf32>,
        %mul3A_408 = arith.mulf %get3A_340, %mul3A_383 : vector<16xf32>
        %swap3A_409 = arith.constant 1 : i32
        %swap3A_410 = arith.index_cast %swap3A_409 : i32 to index
        %swap3A_411 = arith.index_cast %add3A_323 : i32 to index
        %swap3A_412 = tpu.vector_load %arg13[%swap3A_410, %swap3A_411] {strides = array<i32>} : memref<2x8192xf32, #tpu.memory_space<vmem>>, vector<1x16xf32>,
        %swap3A_413 = vector.shape_cast %swap3A_412 : vector<1x16xf32> to vector<16xf32>
        %swap3A_414 = vector.shape_cast %mul3A_408 : vector<16xf32> to vector<1x16xf32>
        tpu.vector_store %arg13[%swap3A_410, %swap3A_411], %swap3A_414 {strides = array<i32>} : memref<2x8192xf32, #tpu.memory_space<vmem>>, vector<1x16xf32>,
        %mul3A_415 = arith.constant 64 : i32
        %mul3A_416 = arith.muli %add3A_319, %mul3A_415 : i32
        %add3A_417 = arith.constant 16 : i32
        %add3A_418 = arith.addi %mul3A_416, %add3A_417 : i32
        %get3A_419 = arith.constant 1 : i32
        %get3A_420 = arith.index_cast %get3A_419 : i32 to index
        %get3A_421 = arith.index_cast %add3A_319 : i32 to index
        %get3A_422 = arith.constant 16 : index
        %get3A_423 = tpu.vector_load %arg10[%get3A_420, %get3A_421, %get3A_422] {strides = array<i32>} : memref<2x128x64xf32, #tpu.memory_space<vmem>>, vector<1x1x16xf32>,
        %get3A_424 = vector.shape_cast %get3A_423 : vector<1x1x16xf32> to vector<16xf32>
        %get3A_425 = arith.constant 1 : i32
        %get3A_426 = arith.index_cast %get3A_425 : i32 to index
        %get3A_427 = arith.index_cast %add3A_319 : i32 to index
        %get3A_428 = arith.constant 16 : index
        %get3A_429 = tpu.vector_load %arg11[%get3A_426, %get3A_427, %get3A_428] {strides = array<i32>} : memref<2x128x64xf32, #tpu.memory_space<vmem>>, vector<1x1x16xf32>,
        %get3A_430 = vector.shape_cast %get3A_429 : vector<1x1x16xf32> to vector<16xf32>
        %get3A_431 = arith.constant 1 : i32
        %get3A_432 = arith.index_cast %get3A_431 : i32 to index
        %get3A_433 = arith.index_cast %add3A_319 : i32 to index
        %get3A_434 = arith.constant 16 : index
        %get3A_435 = tpu.vector_load %arg9[%get3A_432, %get3A_433, %get3A_434] {strides = array<i32>} : memref<2x128x64xf32, #tpu.memory_space<vmem>>, vector<1x1x16xf32>,
        %get3A_436 = vector.shape_cast %get3A_435 : vector<1x1x16xf32> to vector<16xf32>
        %mul3A_437 = vector.broadcast %scan3A_315 : f32 to vector<16xf32>
        %mul3A_438 = arith.mulf %mul3A_437, %get3A_424 : vector<16xf32>
        %add3A_439 = arith.addf %mul3A_438, %get3A_430 : vector<16xf32>
        %mul3A_440 = arith.constant 0.159154937 : f32
        %mul3A_441 = vector.broadcast %mul3A_440 : f32 to vector<16xf32>
        %mul3A_442 = arith.mulf %add3A_439, %mul3A_441 : vector<16xf32>
        %sign3A_443 = tpu.bitcast %mul3A_442 : vector<16xf32> -> vector<16xi32>
        %sign3A_444 = arith.constant -2147483648 : i32
        %sign3A_445 = vector.broadcast %sign3A_444 : i32 to vector<16xi32>
        %sign3A_446 = arith.andi %sign3A_443, %sign3A_445 : vector<16xi32>
        %sign3A_447 = arith.constant 1065353216 : i32
        %sign3A_448 = vector.broadcast %sign3A_447 : i32 to vector<16xi32>
        %sign3A_449 = arith.ori %sign3A_448, %sign3A_446 : vector<16xi32>
        %sign3A_450 = tpu.bitcast %sign3A_449 : vector<16xi32> -> vector<16xf32>
        %sign3A_451 = math.absf %mul3A_442 : vector<16xf32>
        %sign3A_452 = arith.constant 0.000000e+00 : f32
        %sign3A_453 = vector.broadcast %sign3A_452 : f32 to vector<16xf32>
        %sign3A_454 = arith.cmpf ogt, %sign3A_451, %sign3A_453 : vector<16xf32>
        %sign3A_455 = arith.select %sign3A_454, %sign3A_450, %mul3A_442 : vector<16xi1>, vector<16xf32>
        %mul3A_456 = arith.constant 5.000000e-01 : f32
        %mul3A_457 = vector.broadcast %mul3A_456 : f32 to vector<16xf32>
        %mul3A_458 = arith.mulf %mul3A_457, %sign3A_455 : vector<16xf32>
        %add3A_459 = arith.addf %mul3A_442, %mul3A_458 : vector<16xf32>
        %convert_element_type3A_460 = arith.fptosi %add3A_459 : vector<16xf32> to vector<16xi32>
        %convert_element_type3A_461 = arith.sitofp %convert_element_type3A_460 : vector<16xi32> to vector<16xf32>
        %mul3A_462 = arith.constant 6.28318548 : f32
        %mul3A_463 = vector.broadcast %mul3A_462 : f32 to vector<16xf32>
        %mul3A_464 = arith.mulf %convert_element_type3A_461, %mul3A_463 : vector<16xf32>
        %sub3A_465 = arith.subf %add3A_439, %mul3A_464 : vector<16xf32>
        %mul3A_466 = arith.mulf %sub3A_465, %sub3A_465 : vector<16xf32>
        %mul3A_467 = arith.constant -1.47740444E-4 : f32
        %mul3A_468 = vector.broadcast %mul3A_467 : f32 to vector<16xf32>
        %mul3A_469 = arith.mulf %mul3A_466, %mul3A_468 : vector<16xf32>
        %add3A_470 = arith.constant 0.00799857546 : f32
        %add3A_471 = vector.broadcast %add3A_470 : f32 to vector<16xf32>
        %add3A_472 = arith.addf %add3A_471, %mul3A_469 : vector<16xf32>
        %mul3A_473 = arith.mulf %mul3A_466, %add3A_472 : vector<16xf32>
        %add3A_474 = arith.constant -0.165838435 : f32
        %add3A_475 = vector.broadcast %add3A_474 : f32 to vector<16xf32>
        %add3A_476 = arith.addf %add3A_475, %mul3A_473 : vector<16xf32>
        %mul3A_477 = arith.mulf %mul3A_466, %add3A_476 : vector<16xf32>
        %add3A_478 = arith.constant 0.999450147 : f32
        %add3A_479 = vector.broadcast %add3A_478 : f32 to vector<16xf32>
        %add3A_480 = arith.addf %add3A_479, %mul3A_477 : vector<16xf32>
        %mul3A_481 = arith.mulf %sub3A_465, %add3A_480 : vector<16xf32>
        %mul3A_482 = arith.constant 1.90652154E-5 : f32
        %mul3A_483 = vector.broadcast %mul3A_482 : f32 to vector<16xf32>
        %mul3A_484 = arith.mulf %mul3A_466, %mul3A_483 : vector<16xf32>
        %add3A_485 = arith.constant -0.00134410686 : f32
        %add3A_486 = vector.broadcast %add3A_485 : f32 to vector<16xf32>
        %add3A_487 = arith.addf %add3A_486, %mul3A_484 : vector<16xf32>
        %mul3A_488 = arith.mulf %mul3A_466, %add3A_487 : vector<16xf32>
        %add3A_489 = arith.constant 0.0415223055 : f32
        %add3A_490 = vector.broadcast %add3A_489 : f32 to vector<16xf32>
        %add3A_491 = arith.addf %add3A_490, %mul3A_488 : vector<16xf32>
        %mul3A_492 = arith.mulf %mul3A_466, %add3A_491 : vector<16xf32>
        %add3A_493 = arith.constant -0.499837607 : f32
        %add3A_494 = vector.broadcast %add3A_493 : f32 to vector<16xf32>
        %add3A_495 = arith.addf %add3A_494, %mul3A_492 : vector<16xf32>
        %mul3A_496 = arith.mulf %mul3A_466, %add3A_495 : vector<16xf32>
        %add3A_497 = arith.constant 0.999971091 : f32
        %add3A_498 = vector.broadcast %add3A_497 : f32 to vector<16xf32>
        %add3A_499 = arith.addf %add3A_498, %mul3A_496 : vector<16xf32>
        %mul3A_500 = arith.mulf %get3A_436, %add3A_499 : vector<16xf32>
        %swap3A_501 = arith.constant 1 : i32
        %swap3A_502 = arith.index_cast %swap3A_501 : i32 to index
        %swap3A_503 = arith.index_cast %add3A_418 : i32 to index
        %swap3A_504 = tpu.vector_load %arg12[%swap3A_502, %swap3A_503] {strides = array<i32>} : memref<2x8192xf32, #tpu.memory_space<vmem>>, vector<1x16xf32>,
        %swap3A_505 = vector.shape_cast %swap3A_504 : vector<1x16xf32> to vector<16xf32>
        %swap3A_506 = vector.shape_cast %mul3A_500 : vector<16xf32> to vector<1x16xf32>
        tpu.vector_store %arg12[%swap3A_502, %swap3A_503], %swap3A_506 {strides = array<i32>} : memref<2x8192xf32, #tpu.memory_space<vmem>>, vector<1x16xf32>,
        %mul3A_507 = arith.mulf %get3A_436, %mul3A_481 : vector<16xf32>
        %swap3A_508 = arith.constant 1 : i32
        %swap3A_509 = arith.index_cast %swap3A_508 : i32 to index
        %swap3A_510 = arith.index_cast %add3A_418 : i32 to index
        %swap3A_511 = tpu.vector_load %arg13[%swap3A_509, %swap3A_510] {strides = array<i32>} : memref<2x8192xf32, #tpu.memory_space<vmem>>, vector<1x16xf32>,
        %swap3A_512 = vector.shape_cast %swap3A_511 : vector<1x16xf32> to vector<16xf32>
        %swap3A_513 = vector.shape_cast %mul3A_507 : vector<16xf32> to vector<1x16xf32>
        tpu.vector_store %arg13[%swap3A_509, %swap3A_510], %swap3A_513 {strides = array<i32>} : memref<2x8192xf32, #tpu.memory_space<vmem>>, vector<1x16xf32>,
        %mul3A_514 = arith.constant 64 : i32
        %mul3A_515 = arith.muli %add3A_319, %mul3A_514 : i32
        %add3A_516 = arith.constant 32 : i32
        %add3A_517 = arith.addi %mul3A_515, %add3A_516 : i32
        %get3A_518 = arith.constant 1 : i32
        %get3A_519 = arith.index_cast %get3A_518 : i32 to index
        %get3A_520 = arith.index_cast %add3A_319 : i32 to index
        %get3A_521 = arith.constant 32 : index
        %get3A_522 = tpu.vector_load %arg10[%get3A_519, %get3A_520, %get3A_521] {strides = array<i32>} : memref<2x128x64xf32, #tpu.memory_space<vmem>>, vector<1x1x16xf32>,
        %get3A_523 = vector.shape_cast %get3A_522 : vector<1x1x16xf32> to vector<16xf32>
        %get3A_524 = arith.constant 1 : i32
        %get3A_525 = arith.index_cast %get3A_524 : i32 to index
        %get3A_526 = arith.index_cast %add3A_319 : i32 to index
        %get3A_527 = arith.constant 32 : index
        %get3A_528 = tpu.vector_load %arg11[%get3A_525, %get3A_526, %get3A_527] {strides = array<i32>} : memref<2x128x64xf32, #tpu.memory_space<vmem>>, vector<1x1x16xf32>,
        %get3A_529 = vector.shape_cast %get3A_528 : vector<1x1x16xf32> to vector<16xf32>
        %get3A_530 = arith.constant 1 : i32
        %get3A_531 = arith.index_cast %get3A_530 : i32 to index
        %get3A_532 = arith.index_cast %add3A_319 : i32 to index
        %get3A_533 = arith.constant 32 : index
        %get3A_534 = tpu.vector_load %arg9[%get3A_531, %get3A_532, %get3A_533] {strides = array<i32>} : memref<2x128x64xf32, #tpu.memory_space<vmem>>, vector<1x1x16xf32>,
        %get3A_535 = vector.shape_cast %get3A_534 : vector<1x1x16xf32> to vector<16xf32>
        %mul3A_536 = vector.broadcast %scan3A_315 : f32 to vector<16xf32>
        %mul3A_537 = arith.mulf %mul3A_536, %get3A_523 : vector<16xf32>
        %add3A_538 = arith.addf %mul3A_537, %get3A_529 : vector<16xf32>
        %mul3A_539 = arith.constant 0.159154937 : f32
        %mul3A_540 = vector.broadcast %mul3A_539 : f32 to vector<16xf32>
        %mul3A_541 = arith.mulf %add3A_538, %mul3A_540 : vector<16xf32>
        %sign3A_542 = tpu.bitcast %mul3A_541 : vector<16xf32> -> vector<16xi32>
        %sign3A_543 = arith.constant -2147483648 : i32
        %sign3A_544 = vector.broadcast %sign3A_543 : i32 to vector<16xi32>
        %sign3A_545 = arith.andi %sign3A_542, %sign3A_544 : vector<16xi32>
        %sign3A_546 = arith.constant 1065353216 : i32
        %sign3A_547 = vector.broadcast %sign3A_546 : i32 to vector<16xi32>
        %sign3A_548 = arith.ori %sign3A_547, %sign3A_545 : vector<16xi32>
        %sign3A_549 = tpu.bitcast %sign3A_548 : vector<16xi32> -> vector<16xf32>
        %sign3A_550 = math.absf %mul3A_541 : vector<16xf32>
        %sign3A_551 = arith.constant 0.000000e+00 : f32
        %sign3A_552 = vector.broadcast %sign3A_551 : f32 to vector<16xf32>
        %sign3A_553 = arith.cmpf ogt, %sign3A_550, %sign3A_552 : vector<16xf32>
        %sign3A_554 = arith.select %sign3A_553, %sign3A_549, %mul3A_541 : vector<16xi1>, vector<16xf32>
        %mul3A_555 = arith.constant 5.000000e-01 : f32
        %mul3A_556 = vector.broadcast %mul3A_555 : f32 to vector<16xf32>
        %mul3A_557 = arith.mulf %mul3A_556, %sign3A_554 : vector<16xf32>
        %add3A_558 = arith.addf %mul3A_541, %mul3A_557 : vector<16xf32>
        %convert_element_type3A_559 = arith.fptosi %add3A_558 : vector<16xf32> to vector<16xi32>
        %convert_element_type3A_560 = arith.sitofp %convert_element_type3A_559 : vector<16xi32> to vector<16xf32>
        %mul3A_561 = arith.constant 6.28318548 : f32
        %mul3A_562 = vector.broadcast %mul3A_561 : f32 to vector<16xf32>
        %mul3A_563 = arith.mulf %convert_element_type3A_560, %mul3A_562 : vector<16xf32>
        %sub3A_564 = arith.subf %add3A_538, %mul3A_563 : vector<16xf32>
        %mul3A_565 = arith.mulf %sub3A_564, %sub3A_564 : vector<16xf32>
        %mul3A_566 = arith.constant -1.47740444E-4 : f32
        %mul3A_567 = vector.broadcast %mul3A_566 : f32 to vector<16xf32>
        %mul3A_568 = arith.mulf %mul3A_565, %mul3A_567 : vector<16xf32>
        %add3A_569 = arith.constant 0.00799857546 : f32
        %add3A_570 = vector.broadcast %add3A_569 : f32 to vector<16xf32>
        %add3A_571 = arith.addf %add3A_570, %mul3A_568 : vector<16xf32>
        %mul3A_572 = arith.mulf %mul3A_565, %add3A_571 : vector<16xf32>
        %add3A_573 = arith.constant -0.165838435 : f32
        %add3A_574 = vector.broadcast %add3A_573 : f32 to vector<16xf32>
        %add3A_575 = arith.addf %add3A_574, %mul3A_572 : vector<16xf32>
        %mul3A_576 = arith.mulf %mul3A_565, %add3A_575 : vector<16xf32>
        %add3A_577 = arith.constant 0.999450147 : f32
        %add3A_578 = vector.broadcast %add3A_577 : f32 to vector<16xf32>
        %add3A_579 = arith.addf %add3A_578, %mul3A_576 : vector<16xf32>
        %mul3A_580 = arith.mulf %sub3A_564, %add3A_579 : vector<16xf32>
        %mul3A_581 = arith.constant 1.90652154E-5 : f32
        %mul3A_582 = vector.broadcast %mul3A_581 : f32 to vector<16xf32>
        %mul3A_583 = arith.mulf %mul3A_565, %mul3A_582 : vector<16xf32>
        %add3A_584 = arith.constant -0.00134410686 : f32
        %add3A_585 = vector.broadcast %add3A_584 : f32 to vector<16xf32>
        %add3A_586 = arith.addf %add3A_585, %mul3A_583 : vector<16xf32>
        %mul3A_587 = arith.mulf %mul3A_565, %add3A_586 : vector<16xf32>
        %add3A_588 = arith.constant 0.0415223055 : f32
        %add3A_589 = vector.broadcast %add3A_588 : f32 to vector<16xf32>
        %add3A_590 = arith.addf %add3A_589, %mul3A_587 : vector<16xf32>
        %mul3A_591 = arith.mulf %mul3A_565, %add3A_590 : vector<16xf32>
        %add3A_592 = arith.constant -0.499837607 : f32
        %add3A_593 = vector.broadcast %add3A_592 : f32 to vector<16xf32>
        %add3A_594 = arith.addf %add3A_593, %mul3A_591 : vector<16xf32>
        %mul3A_595 = arith.mulf %mul3A_565, %add3A_594 : vector<16xf32>
        %add3A_596 = arith.constant 0.999971091 : f32
        %add3A_597 = vector.broadcast %add3A_596 : f32 to vector<16xf32>
        %add3A_598 = arith.addf %add3A_597, %mul3A_595 : vector<16xf32>
        %mul3A_599 = arith.mulf %get3A_535, %add3A_598 : vector<16xf32>
        %swap3A_600 = arith.constant 1 : i32
        %swap3A_601 = arith.index_cast %swap3A_600 : i32 to index
        %swap3A_602 = arith.index_cast %add3A_517 : i32 to index
        %swap3A_603 = tpu.vector_load %arg12[%swap3A_601, %swap3A_602] {strides = array<i32>} : memref<2x8192xf32, #tpu.memory_space<vmem>>, vector<1x16xf32>,
        %swap3A_604 = vector.shape_cast %swap3A_603 : vector<1x16xf32> to vector<16xf32>
        %swap3A_605 = vector.shape_cast %mul3A_599 : vector<16xf32> to vector<1x16xf32>
        tpu.vector_store %arg12[%swap3A_601, %swap3A_602], %swap3A_605 {strides = array<i32>} : memref<2x8192xf32, #tpu.memory_space<vmem>>, vector<1x16xf32>,
        %mul3A_606 = arith.mulf %get3A_535, %mul3A_580 : vector<16xf32>
        %swap3A_607 = arith.constant 1 : i32
        %swap3A_608 = arith.index_cast %swap3A_607 : i32 to index
        %swap3A_609 = arith.index_cast %add3A_517 : i32 to index
        %swap3A_610 = tpu.vector_load %arg13[%swap3A_608, %swap3A_609] {strides = array<i32>} : memref<2x8192xf32, #tpu.memory_space<vmem>>, vector<1x16xf32>,
        %swap3A_611 = vector.shape_cast %swap3A_610 : vector<1x16xf32> to vector<16xf32>
        %swap3A_612 = vector.shape_cast %mul3A_606 : vector<16xf32> to vector<1x16xf32>
        tpu.vector_store %arg13[%swap3A_608, %swap3A_609], %swap3A_612 {strides = array<i32>} : memref<2x8192xf32, #tpu.memory_space<vmem>>, vector<1x16xf32>,
        %mul3A_613 = arith.constant 64 : i32
        %mul3A_614 = arith.muli %add3A_319, %mul3A_613 : i32
        %add3A_615 = arith.constant 48 : i32
        %add3A_616 = arith.addi %mul3A_614, %add3A_615 : i32
        %get3A_617 = arith.constant 1 : i32
        %get3A_618 = arith.index_cast %get3A_617 : i32 to index
        %get3A_619 = arith.index_cast %add3A_319 : i32 to index
        %get3A_620 = arith.constant 48 : index
        %get3A_621 = tpu.vector_load %arg10[%get3A_618, %get3A_619, %get3A_620] {strides = array<i32>} : memref<2x128x64xf32, #tpu.memory_space<vmem>>, vector<1x1x16xf32>,
        %get3A_622 = vector.shape_cast %get3A_621 : vector<1x1x16xf32> to vector<16xf32>
        %get3A_623 = arith.constant 1 : i32
        %get3A_624 = arith.index_cast %get3A_623 : i32 to index
        %get3A_625 = arith.index_cast %add3A_319 : i32 to index
        %get3A_626 = arith.constant 48 : index
        %get3A_627 = tpu.vector_load %arg11[%get3A_624, %get3A_625, %get3A_626] {strides = array<i32>} : memref<2x128x64xf32, #tpu.memory_space<vmem>>, vector<1x1x16xf32>,
        %get3A_628 = vector.shape_cast %get3A_627 : vector<1x1x16xf32> to vector<16xf32>
        %get3A_629 = arith.constant 1 : i32
        %get3A_630 = arith.index_cast %get3A_629 : i32 to index
        %get3A_631 = arith.index_cast %add3A_319 : i32 to index
        %get3A_632 = arith.constant 48 : index
        %get3A_633 = tpu.vector_load %arg9[%get3A_630, %get3A_631, %get3A_632] {strides = array<i32>} : memref<2x128x64xf32, #tpu.memory_space<vmem>>, vector<1x1x16xf32>,
        %get3A_634 = vector.shape_cast %get3A_633 : vector<1x1x16xf32> to vector<16xf32>
        %mul3A_635 = vector.broadcast %scan3A_315 : f32 to vector<16xf32>
        %mul3A_636 = arith.mulf %mul3A_635, %get3A_622 : vector<16xf32>
        %add3A_637 = arith.addf %mul3A_636, %get3A_628 : vector<16xf32>
        %mul3A_638 = arith.constant 0.159154937 : f32
        %mul3A_639 = vector.broadcast %mul3A_638 : f32 to vector<16xf32>
        %mul3A_640 = arith.mulf %add3A_637, %mul3A_639 : vector<16xf32>
        %sign3A_641 = tpu.bitcast %mul3A_640 : vector<16xf32> -> vector<16xi32>
        %sign3A_642 = arith.constant -2147483648 : i32
        %sign3A_643 = vector.broadcast %sign3A_642 : i32 to vector<16xi32>
        %sign3A_644 = arith.andi %sign3A_641, %sign3A_643 : vector<16xi32>
        %sign3A_645 = arith.constant 1065353216 : i32
        %sign3A_646 = vector.broadcast %sign3A_645 : i32 to vector<16xi32>
        %sign3A_647 = arith.ori %sign3A_646, %sign3A_644 : vector<16xi32>
        %sign3A_648 = tpu.bitcast %sign3A_647 : vector<16xi32> -> vector<16xf32>
        %sign3A_649 = math.absf %mul3A_640 : vector<16xf32>
        %sign3A_650 = arith.constant 0.000000e+00 : f32
        %sign3A_651 = vector.broadcast %sign3A_650 : f32 to vector<16xf32>
        %sign3A_652 = arith.cmpf ogt, %sign3A_649, %sign3A_651 : vector<16xf32>
        %sign3A_653 = arith.select %sign3A_652, %sign3A_648, %mul3A_640 : vector<16xi1>, vector<16xf32>
        %mul3A_654 = arith.constant 5.000000e-01 : f32
        %mul3A_655 = vector.broadcast %mul3A_654 : f32 to vector<16xf32>
        %mul3A_656 = arith.mulf %mul3A_655, %sign3A_653 : vector<16xf32>
        %add3A_657 = arith.addf %mul3A_640, %mul3A_656 : vector<16xf32>
        %convert_element_type3A_658 = arith.fptosi %add3A_657 : vector<16xf32> to vector<16xi32>
        %convert_element_type3A_659 = arith.sitofp %convert_element_type3A_658 : vector<16xi32> to vector<16xf32>
        %mul3A_660 = arith.constant 6.28318548 : f32
        %mul3A_661 = vector.broadcast %mul3A_660 : f32 to vector<16xf32>
        %mul3A_662 = arith.mulf %convert_element_type3A_659, %mul3A_661 : vector<16xf32>
        %sub3A_663 = arith.subf %add3A_637, %mul3A_662 : vector<16xf32>
        %mul3A_664 = arith.mulf %sub3A_663, %sub3A_663 : vector<16xf32>
        %mul3A_665 = arith.constant -1.47740444E-4 : f32
        %mul3A_666 = vector.broadcast %mul3A_665 : f32 to vector<16xf32>
        %mul3A_667 = arith.mulf %mul3A_664, %mul3A_666 : vector<16xf32>
        %add3A_668 = arith.constant 0.00799857546 : f32
        %add3A_669 = vector.broadcast %add3A_668 : f32 to vector<16xf32>
        %add3A_670 = arith.addf %add3A_669, %mul3A_667 : vector<16xf32>
        %mul3A_671 = arith.mulf %mul3A_664, %add3A_670 : vector<16xf32>
        %add3A_672 = arith.constant -0.165838435 : f32
        %add3A_673 = vector.broadcast %add3A_672 : f32 to vector<16xf32>
        %add3A_674 = arith.addf %add3A_673, %mul3A_671 : vector<16xf32>
        %mul3A_675 = arith.mulf %mul3A_664, %add3A_674 : vector<16xf32>
        %add3A_676 = arith.constant 0.999450147 : f32
        %add3A_677 = vector.broadcast %add3A_676 : f32 to vector<16xf32>
        %add3A_678 = arith.addf %add3A_677, %mul3A_675 : vector<16xf32>
        %mul3A_679 = arith.mulf %sub3A_663, %add3A_678 : vector<16xf32>
        %mul3A_680 = arith.constant 1.90652154E-5 : f32
        %mul3A_681 = vector.broadcast %mul3A_680 : f32 to vector<16xf32>
        %mul3A_682 = arith.mulf %mul3A_664, %mul3A_681 : vector<16xf32>
        %add3A_683 = arith.constant -0.00134410686 : f32
        %add3A_684 = vector.broadcast %add3A_683 : f32 to vector<16xf32>
        %add3A_685 = arith.addf %add3A_684, %mul3A_682 : vector<16xf32>
        %mul3A_686 = arith.mulf %mul3A_664, %add3A_685 : vector<16xf32>
        %add3A_687 = arith.constant 0.0415223055 : f32
        %add3A_688 = vector.broadcast %add3A_687 : f32 to vector<16xf32>
        %add3A_689 = arith.addf %add3A_688, %mul3A_686 : vector<16xf32>
        %mul3A_690 = arith.mulf %mul3A_664, %add3A_689 : vector<16xf32>
        %add3A_691 = arith.constant -0.499837607 : f32
        %add3A_692 = vector.broadcast %add3A_691 : f32 to vector<16xf32>
        %add3A_693 = arith.addf %add3A_692, %mul3A_690 : vector<16xf32>
        %mul3A_694 = arith.mulf %mul3A_664, %add3A_693 : vector<16xf32>
        %add3A_695 = arith.constant 0.999971091 : f32
        %add3A_696 = vector.broadcast %add3A_695 : f32 to vector<16xf32>
        %add3A_697 = arith.addf %add3A_696, %mul3A_694 : vector<16xf32>
        %mul3A_698 = arith.mulf %get3A_634, %add3A_697 : vector<16xf32>
        %swap3A_699 = arith.constant 1 : i32
        %swap3A_700 = arith.index_cast %swap3A_699 : i32 to index
        %swap3A_701 = arith.index_cast %add3A_616 : i32 to index
        %swap3A_702 = tpu.vector_load %arg12[%swap3A_700, %swap3A_701] {strides = array<i32>} : memref<2x8192xf32, #tpu.memory_space<vmem>>, vector<1x16xf32>,
        %swap3A_703 = vector.shape_cast %swap3A_702 : vector<1x16xf32> to vector<16xf32>
        %swap3A_704 = vector.shape_cast %mul3A_698 : vector<16xf32> to vector<1x16xf32>
        tpu.vector_store %arg12[%swap3A_700, %swap3A_701], %swap3A_704 {strides = array<i32>} : memref<2x8192xf32, #tpu.memory_space<vmem>>, vector<1x16xf32>,
        %mul3A_705 = arith.mulf %get3A_634, %mul3A_679 : vector<16xf32>
        %swap3A_706 = arith.constant 1 : i32
        %swap3A_707 = arith.index_cast %swap3A_706 : i32 to index
        %swap3A_708 = arith.index_cast %add3A_616 : i32 to index
        %swap3A_709 = tpu.vector_load %arg13[%swap3A_707, %swap3A_708] {strides = array<i32>} : memref<2x8192xf32, #tpu.memory_space<vmem>>, vector<1x16xf32>,
        %swap3A_710 = vector.shape_cast %swap3A_709 : vector<1x16xf32> to vector<16xf32>
        %swap3A_711 = vector.shape_cast %mul3A_705 : vector<16xf32> to vector<1x16xf32>
        tpu.vector_store %arg13[%swap3A_707, %swap3A_708], %swap3A_711 {strides = array<i32>} : memref<2x8192xf32, #tpu.memory_space<vmem>>, vector<1x16xf32>,
        %ge3A_712 = arith.constant 5.000000e+01 : f32
        %ge3A_713 = arith.cmpf oge, %scan3A_315, %ge3A_712 : f32
        %add3A_714 = arith.constant 1.000000e+00 : f32
        %add3A_715 = arith.addf %scan3A_315, %add3A_714 : f32
        %select_n3A = arith.constant 1.000000e+00 : f32
        %select_n3A_716 = arith.select %ge3A_713, %select_n3A, %add3A_715 : f32
        scf.yield %select_n3A_716 : f32
      }
      %scan3A_285 = arith.constant 128 : i32
      %mul3A_286 = arith.constant 64 : i32
      %mul3A_287 = arith.muli %multiple_of3A_274, %mul3A_286 : i32
      %dma_start3A_288 = arith.constant 1 : i32
      %dma_start3A_289 = arith.constant 1 : i32
      %dma_start3A_290 = arith.constant 0 : i32
      %dma_start3A_291 = tpu.memref_slice %arg12[%dma_start3A_288, %dma_start3A_290] : memref<2x8192xf32, #tpu.memory_space<vmem>> -> memref<1x8192xf32, #tpu.memory_space<vmem>>
      %dma_start3A_292 = tpu.memref_squeeze %dma_start3A_291 : memref<1x8192xf32, #tpu.memory_space<vmem>> -> memref<8192xf32, #tpu.memory_space<vmem>>
      %dma_start3A_293 = tpu.memref_slice %arg6[%mul3A_287] : memref<13107200xf32, #tpu.memory_space<hbm>> -> memref<8192xf32, #tpu.memory_space<hbm>>
      %dma_start3A_294 = tpu.memref_slice %arg15[%dma_start3A_289] : memref<2x!tpu.dma_semaphore, #tpu.memory_space<semaphore_mem>> -> memref<1x!tpu.dma_semaphore, #tpu.memory_space<semaphore_mem>>
      %dma_start3A_295 = tpu.memref_squeeze %dma_start3A_294 : memref<1x!tpu.dma_semaphore, #tpu.memory_space<semaphore_mem>> -> memref<!tpu.dma_semaphore, #tpu.memory_space<semaphore_mem>>
      %dma_start3A_296 = tpu.memref_slice %arg6[%mul3A_287] : memref<13107200xf32, #tpu.memory_space<hbm>> -> memref<8192xf32, #tpu.memory_space<hbm>>
      %dma_start3A_297 = arith.constant 0 : i32
      %dma_start3A_298 = tpu.memref_slice %arg12[%dma_start3A_288, %dma_start3A_297] : memref<2x8192xf32, #tpu.memory_space<vmem>> -> memref<1x8192xf32, #tpu.memory_space<vmem>>
      %dma_start3A_299 = tpu.memref_squeeze %dma_start3A_298 : memref<1x8192xf32, #tpu.memory_space<vmem>> -> memref<8192xf32, #tpu.memory_space<vmem>>
      tpu.enqueue_dma source(%dma_start3A_299 : memref<8192xf32, #tpu.memory_space<vmem>>) target(%dma_start3A_296 : memref<8192xf32, #tpu.memory_space<hbm>>) target_semaphore(%dma_start3A_295 : memref<!tpu.dma_semaphore, #tpu.memory_space<semaphore_mem>>)
      %mul3A_300 = arith.constant 64 : i32
      %mul3A_301 = arith.muli %multiple_of3A_274, %mul3A_300 : i32
      %dma_start3A_302 = arith.constant 1 : i32
      %dma_start3A_303 = arith.constant 1 : i32
      %dma_start3A_304 = arith.constant 0 : i32
      %dma_start3A_305 = tpu.memref_slice %arg13[%dma_start3A_302, %dma_start3A_304] : memref<2x8192xf32, #tpu.memory_space<vmem>> -> memref<1x8192xf32, #tpu.memory_space<vmem>>
      %dma_start3A_306 = tpu.memref_squeeze %dma_start3A_305 : memref<1x8192xf32, #tpu.memory_space<vmem>> -> memref<8192xf32, #tpu.memory_space<vmem>>
      %dma_start3A_307 = tpu.memref_slice %arg7[%mul3A_301] : memref<13107200xf32, #tpu.memory_space<hbm>> -> memref<8192xf32, #tpu.memory_space<hbm>>
      %dma_start3A_308 = tpu.memref_slice %arg15[%dma_start3A_303] : memref<2x!tpu.dma_semaphore, #tpu.memory_space<semaphore_mem>> -> memref<1x!tpu.dma_semaphore, #tpu.memory_space<semaphore_mem>>
      %dma_start3A_309 = tpu.memref_squeeze %dma_start3A_308 : memref<1x!tpu.dma_semaphore, #tpu.memory_space<semaphore_mem>> -> memref<!tpu.dma_semaphore, #tpu.memory_space<semaphore_mem>>
      %dma_start3A_310 = tpu.memref_slice %arg7[%mul3A_301] : memref<13107200xf32, #tpu.memory_space<hbm>> -> memref<8192xf32, #tpu.memory_space<hbm>>
      %dma_start3A_311 = arith.constant 0 : i32
      %dma_start3A_312 = tpu.memref_slice %arg13[%dma_start3A_302, %dma_start3A_311] : memref<2x8192xf32, #tpu.memory_space<vmem>> -> memref<1x8192xf32, #tpu.memory_space<vmem>>
      %dma_start3A_313 = tpu.memref_squeeze %dma_start3A_312 : memref<1x8192xf32, #tpu.memory_space<vmem>> -> memref<8192xf32, #tpu.memory_space<vmem>>
      tpu.enqueue_dma source(%dma_start3A_313 : memref<8192xf32, #tpu.memory_space<vmem>>) target(%dma_start3A_310 : memref<8192xf32, #tpu.memory_space<hbm>>) target_semaphore(%dma_start3A_309 : memref<!tpu.dma_semaphore, #tpu.memory_space<semaphore_mem>>)
    }
    %scan3A_52 = arith.constant 25 : i32
    %add3A_53 = arith.constant 0 : i32
    %add3A_54 = arith.addi %mul3A_2, %add3A_53 : i32
    %multiple_of3A_55 = tpu.assume_multiple %add3A_54, 128 : i32
    %mul3A_56 = arith.constant 64 : i32
    %mul3A_57 = arith.muli %multiple_of3A_55, %mul3A_56 : i32
    %dma_wait3A = arith.constant 0 : i32
    %dma_wait3A_58 = arith.constant 0 : i32
    %dma_wait3A_59 = arith.constant 0 : i32
    %dma_wait3A_60 = tpu.memref_slice %arg12[%dma_wait3A, %dma_wait3A_59] : memref<2x8192xf32, #tpu.memory_space<vmem>> -> memref<1x8192xf32, #tpu.memory_space<vmem>>
    %dma_wait3A_61 = tpu.memref_squeeze %dma_wait3A_60 : memref<1x8192xf32, #tpu.memory_space<vmem>> -> memref<8192xf32, #tpu.memory_space<vmem>>
    %dma_wait3A_62 = tpu.memref_slice %arg6[%mul3A_57] : memref<13107200xf32, #tpu.memory_space<hbm>> -> memref<8192xf32, #tpu.memory_space<hbm>>
    %dma_wait3A_63 = tpu.memref_slice %arg15[%dma_wait3A_58] : memref<2x!tpu.dma_semaphore, #tpu.memory_space<semaphore_mem>> -> memref<1x!tpu.dma_semaphore, #tpu.memory_space<semaphore_mem>>
    %dma_wait3A_64 = tpu.memref_squeeze %dma_wait3A_63 : memref<1x!tpu.dma_semaphore, #tpu.memory_space<semaphore_mem>> -> memref<!tpu.dma_semaphore, #tpu.memory_space<semaphore_mem>>
    %dma_wait3A_65 = tpu.memref_slice %arg6[%mul3A_57] : memref<13107200xf32, #tpu.memory_space<hbm>> -> memref<8192xf32, #tpu.memory_space<hbm>>
    %dma_wait3A_66 = arith.constant 0 : i32
    %dma_wait3A_67 = tpu.memref_slice %arg12[%dma_wait3A, %dma_wait3A_66] : memref<2x8192xf32, #tpu.memory_space<vmem>> -> memref<1x8192xf32, #tpu.memory_space<vmem>>
    %dma_wait3A_68 = tpu.memref_squeeze %dma_wait3A_67 : memref<1x8192xf32, #tpu.memory_space<vmem>> -> memref<8192xf32, #tpu.memory_space<vmem>>
    tpu.wait_dma2 semaphore(%dma_wait3A_64 : memref<!tpu.dma_semaphore, #tpu.memory_space<semaphore_mem>>) src(%dma_wait3A_68 : memref<8192xf32, #tpu.memory_space<vmem>>) dst(%dma_wait3A_65 : memref<8192xf32, #tpu.memory_space<hbm>>)
    %dma_wait3A_69 = arith.constant 0 : i32
    %dma_wait3A_70 = arith.constant 0 : i32
    %dma_wait3A_71 = arith.constant 0 : i32
    %dma_wait3A_72 = tpu.memref_slice %arg13[%dma_wait3A_69, %dma_wait3A_71] : memref<2x8192xf32, #tpu.memory_space<vmem>> -> memref<1x8192xf32, #tpu.memory_space<vmem>>
    %dma_wait3A_73 = tpu.memref_squeeze %dma_wait3A_72 : memref<1x8192xf32, #tpu.memory_space<vmem>> -> memref<8192xf32, #tpu.memory_space<vmem>>
    %dma_wait3A_74 = tpu.memref_slice %arg7[%mul3A_57] : memref<13107200xf32, #tpu.memory_space<hbm>> -> memref<8192xf32, #tpu.memory_space<hbm>>
    %dma_wait3A_75 = tpu.memref_slice %arg15[%dma_wait3A_70] : memref<2x!tpu.dma_semaphore, #tpu.memory_space<semaphore_mem>> -> memref<1x!tpu.dma_semaphore, #tpu.memory_space<semaphore_mem>>
    %dma_wait3A_76 = tpu.memref_squeeze %dma_wait3A_75 : memref<1x!tpu.dma_semaphore, #tpu.memory_space<semaphore_mem>> -> memref<!tpu.dma_semaphore, #tpu.memory_space<semaphore_mem>>
    %dma_wait3A_77 = tpu.memref_slice %arg7[%mul3A_57] : memref<13107200xf32, #tpu.memory_space<hbm>> -> memref<8192xf32, #tpu.memory_space<hbm>>
    %dma_wait3A_78 = arith.constant 0 : i32
    %dma_wait3A_79 = tpu.memref_slice %arg13[%dma_wait3A_69, %dma_wait3A_78] : memref<2x8192xf32, #tpu.memory_space<vmem>> -> memref<1x8192xf32, #tpu.memory_space<vmem>>
    %dma_wait3A_80 = tpu.memref_squeeze %dma_wait3A_79 : memref<1x8192xf32, #tpu.memory_space<vmem>> -> memref<8192xf32, #tpu.memory_space<vmem>>
    tpu.wait_dma2 semaphore(%dma_wait3A_76 : memref<!tpu.dma_semaphore, #tpu.memory_space<semaphore_mem>>) src(%dma_wait3A_80 : memref<8192xf32, #tpu.memory_space<vmem>>) dst(%dma_wait3A_77 : memref<8192xf32, #tpu.memory_space<hbm>>)
    %add3A_81 = arith.constant 0 : i32
    %add3A_82 = arith.addi %mul3A_2, %add3A_81 : i32
    %multiple_of3A_83 = tpu.assume_multiple %add3A_82, 128 : i32
    %mul3A_84 = arith.constant 64 : i32
    %mul3A_85 = arith.muli %multiple_of3A_83, %mul3A_84 : i32
    %dma_wait3A_86 = arith.constant 1 : i32
    %dma_wait3A_87 = arith.constant 1 : i32
    %dma_wait3A_88 = arith.constant 0 : i32
    %dma_wait3A_89 = tpu.memref_slice %arg12[%dma_wait3A_86, %dma_wait3A_88] : memref<2x8192xf32, #tpu.memory_space<vmem>> -> memref<1x8192xf32, #tpu.memory_space<vmem>>
    %dma_wait3A_90 = tpu.memref_squeeze %dma_wait3A_89 : memref<1x8192xf32, #tpu.memory_space<vmem>> -> memref<8192xf32, #tpu.memory_space<vmem>>
    %dma_wait3A_91 = tpu.memref_slice %arg6[%mul3A_85] : memref<13107200xf32, #tpu.memory_space<hbm>> -> memref<8192xf32, #tpu.memory_space<hbm>>
    %dma_wait3A_92 = tpu.memref_slice %arg15[%dma_wait3A_87] : memref<2x!tpu.dma_semaphore, #tpu.memory_space<semaphore_mem>> -> memref<1x!tpu.dma_semaphore, #tpu.memory_space<semaphore_mem>>
    %dma_wait3A_93 = tpu.memref_squeeze %dma_wait3A_92 : memref<1x!tpu.dma_semaphore, #tpu.memory_space<semaphore_mem>> -> memref<!tpu.dma_semaphore, #tpu.memory_space<semaphore_mem>>
    %dma_wait3A_94 = tpu.memref_slice %arg6[%mul3A_85] : memref<13107200xf32, #tpu.memory_space<hbm>> -> memref<8192xf32, #tpu.memory_space<hbm>>
    %dma_wait3A_95 = arith.constant 0 : i32
    %dma_wait3A_96 = tpu.memref_slice %arg12[%dma_wait3A_86, %dma_wait3A_95] : memref<2x8192xf32, #tpu.memory_space<vmem>> -> memref<1x8192xf32, #tpu.memory_space<vmem>>
    %dma_wait3A_97 = tpu.memref_squeeze %dma_wait3A_96 : memref<1x8192xf32, #tpu.memory_space<vmem>> -> memref<8192xf32, #tpu.memory_space<vmem>>
    tpu.wait_dma2 semaphore(%dma_wait3A_93 : memref<!tpu.dma_semaphore, #tpu.memory_space<semaphore_mem>>) src(%dma_wait3A_97 : memref<8192xf32, #tpu.memory_space<vmem>>) dst(%dma_wait3A_94 : memref<8192xf32, #tpu.memory_space<hbm>>)
    %dma_wait3A_98 = arith.constant 1 : i32
    %dma_wait3A_99 = arith.constant 1 : i32
    %dma_wait3A_100 = arith.constant 0 : i32
    %dma_wait3A_101 = tpu.memref_slice %arg13[%dma_wait3A_98, %dma_wait3A_100] : memref<2x8192xf32, #tpu.memory_space<vmem>> -> memref<1x8192xf32, #tpu.memory_space<vmem>>
    %dma_wait3A_102 = tpu.memref_squeeze %dma_wait3A_101 : memref<1x8192xf32, #tpu.memory_space<vmem>> -> memref<8192xf32, #tpu.memory_space<vmem>>
    %dma_wait3A_103 = tpu.memref_slice %arg7[%mul3A_85] : memref<13107200xf32, #tpu.memory_space<hbm>> -> memref<8192xf32, #tpu.memory_space<hbm>>
    %dma_wait3A_104 = tpu.memref_slice %arg15[%dma_wait3A_99] : memref<2x!tpu.dma_semaphore, #tpu.memory_space<semaphore_mem>> -> memref<1x!tpu.dma_semaphore, #tpu.memory_space<semaphore_mem>>
    %dma_wait3A_105 = tpu.memref_squeeze %dma_wait3A_104 : memref<1x!tpu.dma_semaphore, #tpu.memory_space<semaphore_mem>> -> memref<!tpu.dma_semaphore, #tpu.memory_space<semaphore_mem>>
    %dma_wait3A_106 = tpu.memref_slice %arg7[%mul3A_85] : memref<13107200xf32, #tpu.memory_space<hbm>> -> memref<8192xf32, #tpu.memory_space<hbm>>
    %dma_wait3A_107 = arith.constant 0 : i32
    %dma_wait3A_108 = tpu.memref_slice %arg13[%dma_wait3A_98, %dma_wait3A_107] : memref<2x8192xf32, #tpu.memory_space<vmem>> -> memref<1x8192xf32, #tpu.memory_space<vmem>>
    %dma_wait3A_109 = tpu.memref_squeeze %dma_wait3A_108 : memref<1x8192xf32, #tpu.memory_space<vmem>> -> memref<8192xf32, #tpu.memory_space<vmem>>
    tpu.wait_dma2 semaphore(%dma_wait3A_105 : memref<!tpu.dma_semaphore, #tpu.memory_space<semaphore_mem>>) src(%dma_wait3A_109 : memref<8192xf32, #tpu.memory_space<vmem>>) dst(%dma_wait3A_106 : memref<8192xf32, #tpu.memory_space<hbm>>)
    return
  }
}

</mosaic_0001>

<sc_bundles>
// kernel: kernel.3.cloned.1.call-start
scs
__scs_entry_jumppad:
0x0: {  	(pc) =	sbr.rel $0x88, $3  }
0x1: {  	(tag) =	ssettag $0x0;
	lr =	simm.s32 $0x1  }
0x2: {  	[smem:$0x3F9D] =	sst lr;
	_ =	strace $0xD0000000  }
0x3: {  	_ = 	snop  }
0x4: {  	_ = 	snop  }
0x5: {  	_ = 	snop  }
0x6: {  	_ = 	snop  }
0x7: {  	_ = 	snop  }
__scs_overlays_trampoline_lowered:
0x8: {  	[smem:$0x3FAC] =	sst s0  }
0x9: {  	[smem:$0x3FAD] =	sst s1  }
0xa: {  	[smem:$0x3FAE] =	sst s2  }
0xb: {  	[smem:$0x3FAF] =	sst s3  }
0xc: {  	[smem:$0x3FB0] =	sst s4  }
0xd: {  	[smem:$0x3FB1] =	sst s5  }
0xe: {  	[smem:$0x3FB2] =	sst s6  }
0xf: {  	[smem:$0x3FB3] =	sst s7  }
0x10: {  	[smem:$0x3FB4] =	sst s8  }
0x11: {  	[smem:$0x3FB5] =	sst s9;
	s0 =	simm.s32 @!p0 $0x0  }
0x12: {  	s1 =	sld [smem:$0x3F9B];
	s0 =	simm.s32 @p0 $0x1  }
0x13: {  	[smem:$0x3FB6] =	sst s0;
	s0 =	simm.s32 @!p1 $0x0  }
0x14: {  	s2 =	sld [smem:$0x3F9A];
	s0 =	simm.s32 @p1 $0x1  }
0x15: {  	[smem:$0x3FB7] =	sst s0;
	s0 =	simm.s32 @!p2 $0x0  }
0x16: {  	s3 =	sld [smem:$0x3FDB];
	s0 =	simm.s32 @p2 $0x1  }
0x17: {  	s4 =	simm.s32 $0x1BF5;
	[smem:$0x3FB9] =	sst s0  }
0x18: {  	s0 =	sld [smem:$0x3F9C];
	_ =	swait.ge [sflag:s4], $0x0  }
0x19: {  	s7 =	sld [smem:$0x3F9D]  }
0x1a: {  	s8 =	sadd.s32 $0xFFFFE003, lr  }
0x1b: {  	s9 =	sadd.s32 $0xFFFFFEF7, lr;
	s5 =	simm.s32 $0xFFFFFFFF;
	p2 =	slt.u32 s8, $0xFFFFF086  }
0x1c: {  	p1 =	slt.u32 s9, $0xF7A;
	s5 =	simm.s32 @!p2 $0x0  }
0x1d: {  	s5 =	simm.s32 @p1 $0x1;
	p0 =	seq.s32 s7, s2  }
0x1e: {  	s7 =	smul.u32 @!p0 $0xF7A, s2;
	p2 =	seq.s32 @!p0 s5, $0x0  }
0x1f: {  	s9 =	smul.u32 $0xF7A, s1;
	s8 =	simm.s32 @!p0 $0x1BF5;
	p2 =	por !p2, p0  }
0x20: {  	[sflag:s8] =	ssyncset.s32 @!p0 $0xFFFFF086;
	s6 =	sadd.s32 @!p0 s3, s7;
	s7 =	simm.s32 @!p0 $0x108  }
0x21: {  	s3 =	sadd.s32 s3, s9;
	s6 =	sadd.s32 @!p0 $0x88, s6;
	s7 =	simm.s32 @p2 $0x1082  }
0x22: {  	[simem:s7], [sflag:s8] =	dma.local @!p0 [hbm:s6], $0xF7A  }
0x23: {  	s9 =	sor.u32 $0xD0000000, s2;
	s6 =	simm.s32 $0x108;
	_ =	swait.ge @!p0 [sflag:s8], $0x0  }
0x24: {  	s3 =	sadd.s32 $0x88, s3;
	s6 =	simm.s32 @!p1 $0x1082;
	[sflag:s4] =	ssyncset.s32 $0xFFFFF086  }
0x25: {  	[simem:s6], [sflag:s4] =	dma.local [hbm:s3], $0xF7A  }
0x26: {  	[smem:$0x3F9D] =	sst s1;
	(tag) =	ssettag s2;
	_ =	strace s9  }
0x27: {  	s1 =	sld [smem:$0x3FAD]  }
0x28: {  	s2 =	sld [smem:$0x3FAE]  }
0x29: {  	s4 =	sld [smem:$0x3FB0]  }
0x2a: {  	p0 =	seq.s32 s5, $0x0;
	s5 =	sld [smem:$0x3FB1]  }
0x2b: {  	s6 =	sld [smem:$0x3FB2]  }
0x2c: {  	s7 =	sld [smem:$0x3FB3]  }
0x2d: {  	s3 =	simm.s32 $0x108;
	s8 =	sld [smem:$0x3FB4]  }
0x2e: {  	s3 =	simm.s32 @!p0 $0x1082;
	s9 =	sld [smem:$0x3FB5]  }
0x2f: {  	lr =	sadd.s32 s0, s3;
	s0 =	sld [smem:$0x3FAC]  }
0x30: {  	s3 =	sld [smem:$0x3FAF]  }
0x31: {  	[smem:$0x3FB8] =	sst s10  }
0x32: {  	s10 =	sld [smem:$0x3FB6];
	_ =	sdelay $0x3  }
0x33: {  	p0 =	seq.s32 s10, $0x1;
	s10 =	sld [smem:$0x3FB8];
	_ =	sdelay $0x3  }
0x34: {  	[smem:$0x3FB8] =	sst s10  }
0x35: {  	s10 =	sld [smem:$0x3FB7];
	_ =	sdelay $0x3  }
0x36: {  	p1 =	seq.s32 s10, $0x1;
	s10 =	sld [smem:$0x3FB8];
	_ =	sdelay $0x3  }
0x37: {  	[smem:$0x3FB8] =	sst s10  }
0x38: {  	s10 =	sld [smem:$0x3FB9]  }
0x39: {  	_ = 	snop;
	(pc) =	sbr.ind lr, $3  }
0x3a: {  	_ = 	snop  }
0x3b: {  	_ = 	snop  }
0x3c: {  	p2 =	seq.s32 s10, $0x1;
	s10 =	sld [smem:$0x3FB8]  }
0x3d: {  	_ =	shalt  }
0x3e: {  	_ =	shalt  }
0x3f: {  	_ =	shalt  }
0x40: {  	_ =	shalt  }
0x41: {  	_ =	shalt  }
0x42: {  	_ =	shalt  }
0x43: {  	_ =	shalt  }
0x44: {  	_ =	shalt  }
0x45: {  	_ =	shalt  }
0x46: {  	_ =	shalt  }
0x47: {  	_ =	shalt  }
0x48: {  	_ =	shalt  }
0x49: {  	_ =	shalt  }
0x4a: {  	_ =	shalt  }
0x4b: {  	_ =	shalt  }
0x4c: {  	_ =	shalt  }
0x4d: {  	_ =	shalt  }
0x4e: {  	_ =	shalt  }
0x4f: {  	_ =	shalt  }
0x50: {  	_ =	shalt  }
0x51: {  	_ =	shalt  }
0x52: {  	_ =	shalt  }
0x53: {  	_ =	shalt  }
0x54: {  	_ =	shalt  }
0x55: {  	_ =	shalt  }
0x56: {  	_ =	shalt  }
0x57: {  	_ =	shalt  }
0x58: {  	_ =	shalt  }
0x59: {  	_ =	shalt  }
0x5a: {  	_ =	shalt  }
0x5b: {  	_ =	shalt  }
0x5c: {  	_ =	shalt  }
0x5d: {  	_ =	shalt  }
0x5e: {  	_ =	shalt  }
0x5f: {  	_ =	shalt  }
0x60: {  	_ =	shalt  }
0x61: {  	_ =	shalt  }
0x62: {  	_ =	shalt  }
0x63: {  	_ =	shalt  }
0x64: {  	_ =	shalt  }
0x65: {  	_ =	shalt  }
0x66: {  	_ =	shalt  }
0x67: {  	_ =	shalt  }
0x68: {  	_ =	shalt  }
0x69: {  	_ =	shalt  }
0x6a: {  	_ =	shalt  }
0x6b: {  	_ =	shalt  }
0x6c: {  	_ =	shalt  }
0x6d: {  	_ =	shalt  }
0x6e: {  	_ =	shalt  }
0x6f: {  	_ =	shalt  }
0x70: {  	_ =	shalt  }
0x71: {  	_ =	shalt  }
0x72: {  	_ =	shalt  }
0x73: {  	_ =	shalt  }
0x74: {  	_ =	shalt  }
0x75: {  	_ =	shalt  }
0x76: {  	_ =	shalt  }
0x77: {  	_ =	shalt  }
0x78: {  	_ =	shalt  }
0x79: {  	_ =	shalt  }
0x7a: {  	_ =	shalt  }
0x7b: {  	_ =	shalt  }
0x7c: {  	_ =	shalt  }
0x7d: {  	_ =	shalt  }
0x7e: {  	_ =	shalt  }
0x7f: {  	_ =	shalt  }
0x80: {  	_ =	shalt  }
0x81: {  	_ =	shalt  }
0x82: {  	_ =	shalt  }
0x83: {  	_ =	shalt  }
0x84: {  	_ =	shalt  }
0x85: {  	_ =	shalt  }
0x86: {  	_ =	shalt  }
0x87: {  	_ =	shalt  }
.Lfunc_end0:
.L_simem_size_0:
called_computation.2_lowered:
.L_overlay_start_0:
0x88: {  	s2 =	sld [smem:$0x3FD9]  }
0x89: {  	s3 =	sld [smem:$0x3FFE];
	_ =	sdelay $0x1  }
0x8a: {  	s1 =	srdreg.scid  }
0x8b: {  	s0 =	sand.u32 $0x1, s1  }
0x8c: {  	s14 =	sshll.u32 s0, $0xA;
	s2 =	sadd.s32 s3, s2  }
0x8d: {  	s2 =	sadd.s32 s2, s14  }
0x8e: {  	[smem:$0x3FC4] =	sst s2  }
0x8f: {  	_ = 	snop  }
0x90: {  	s2 =	sld [smem:$0x3FD0];
	_ =	sdelay $0x2  }
0x91: {  	s15 =	simm.s32 $0xB;
	s4 =	simm.s32 $0x10  }
0x92: {  	[smem:s4], [sflag:s15] =	dma.local [hbm:s2], $0x1  }
0x93: {  	_ =	swait.eq [sflag:s15], $0x1  }
0x94: {  	[sflag:s15] =	ssyncset.done $0x0  }
0x95: {  	s16 =	sld [smem:$0x10];
	[sflag:s15] =	ssyncadd.s32 $0xFFFFFFFF  }
0x96: {  	s17 =	sld [smem:$0x11];
	(tm) =	ssettm $0x1  }
0x97: {  	s18 =	sld [smem:$0x3FFB];
	_ =	sdelay $0x3  }
0x98: {  	_ =	strace s18  }
0x99: {  	s4 =	sld [smem:$0x3FFC];
	_ =	sdelay $0x3  }
0x9a: {  	_ =	strace s4  }
0x9b: {  	s4 =	sld [smem:$0x3FFD];
	_ =	sdelay $0x3  }
0x9c: {  	_ =	strace s4  }
0x9d: {  	_ =	strace $0x8FFFFFFF  }
0x9e: {  	s19 =	sld [smem:$0x3FDB];
	_ =	sdelay $0x1  }
0x9f: {  	s5 =	simm.s32 $_scs_section_size  }
0xa0: {  	s6 =	simm.s32 $_size__tile_overlayer_lowered;
	s7 =	simm.s32 $_tile_overlayer_lowered  }
0xa1: {  	s22 =	simm.s32 $0x1BFF;
	s21 =	sshll.u32 s7, $0x1;
	s4 =	sadd.s32 s5, s19  }
0xa2: {  	s8 =	simm.s32 $0x0;
	s20 =	sshll.u32 s6, $0x1;
	s6 =	sadd.s32 s21, s4  }
0xa3: {  	[timem:s8], [sflag:s22] =	dma.local [hbm:s6], s20  }
0xa4: {  	_ =	swait.ge [sflag:s22], s20  }
0xa5: {  	s5 =	ssub.s32 $0x0, s20;
	[sflag:s22] =	ssyncset.done $0x0  }
0xa6: {  	[sflag:s22] =	ssyncadd.s32 s5;
	_ =	sdelay $0x1  }
0xa7: {  	s23 =	simm.s32 $0x1B8B  }
0xa8: {  	_ =	swait.ge [sflag:s23], $0x1  }
0xa9: {  	[sflag:s23] =	ssyncset.done $0x0  }
0xaa: {  	s25 =	simm.s32 $0x1B8E;
	s24 =	sld [smem:$0x3FFE];
	[sflag:s23] =	ssyncadd.s32 $0xFFFFFFFF  }
0xab: {  	s26 =	simm.s32 $execute0_lowered;
	[smem:$0x3FD2] =	sst s25  }
0xac: {  	s6 =	sshll.u32 s26, $0x1;
	_ =	strace $0x80000046;
	[dreg:$0x1] =	wrdreg $0xFFFFFFFF  }
0xad: {  	s28 =	simm.s32 $_size_execute0_lowered;
	s4 =	sadd.s32 s4, s6;
	[dreg:$0x0] =	wrdreg $0x0  }
0xae: {  	s6 =	sshll.u32 s28, $0x1;
	[dreg:$0x2] =	wrdreg s4  }
0xaf: {  	[dreg:$0x3] =	wrdreg s6  }
0xb0: {  	[dreg:$0x4] =	wrdreg $0xC0  }
0xb1: {  	_ =	task [dreg:s8], $0x5FFFF  }
0xb2: {  	[dreg:$0x1] =	wrdreg $0xFFFFFFFF  }
0xb3: {  	[dreg:$0x0] =	wrdreg $0x60  }
0xb4: {  	[dreg:$0x2] =	wrdreg s24  }
0xb5: {  	[dreg:$0x3] =	wrdreg s16  }
0xb6: {  	[dreg:$0x4] =	wrdreg s17  }
0xb7: {  	[dreg:$0x5] =	wrdreg $0x9  }
0xb8: {  	_ =	task.clear_ibuf [dreg:s8], $0x6FFFF;
	_ =	strace $0x90000046  }
0xb9: {  	s29 =	simm.s32 $0x9;
	_ =	strace $0x80000048  }
0xba: {  	_ =	swait.ge [sflag:s29], $0x1  }
0xbb: {  	[sflag:s29] =	ssyncadd.s32 $0xFFFFFFFF  }
0xbc: {  	_ =	strace $0x90000048  }
0xbd: {  	_ =	sfence  }
0xbe: {  	s30 =	sld [smem:$0x0];
	_ =	sdelay $0x2  }
0xbf: {  	s31 =	sshll.u32 s1, $0xD;
	s1 =	sshrl.u32 s1, $0x2  }
0xc0: {  	s3 =	sand.u32 $0x4000, s31;
	s1 =	sadd.s32 s1, s30  }
0xc1: {  	s0 =	sor.u32 s3, s0;
	s1 =	sshll.u32 s1, $0x11  }
0xc2: {  	s0 =	sor.u32 s1, s0  }
0xc3: {  	s0 =	sadd.s32 $0x8F2B, s0  }
0xc4: {  	[sflag:s0] =	ssyncadd.remote.s32 $0x1  }
0xc5: {  	_ =	sfence.sel $0xFFFF  }
0xc6: {  	[dreg:$0x0] =	wrdreg $0xFFFFFFFF;
	(pc) =	sbr.abs _section_cstart, $3  }
0xc7: {  	[dreg:$0x1] =	wrdreg $0xFFFFFFFF  }
0xc8: {  	_ =	task.clear_ibuf [dreg:s8], $0x2FFFF;
	_ =	strace $0x9FFFFFFF  }
0xc9: {  	(tm) =	ssettm $0x7FFFFFFF  }
tec
execute0_lowered:
.L_overlay_start_1:
0x0: {  	(tag) =	ssettag $0x1  }
0x1: {  	s0 =	rddreg [dreg:$0x0]  }
0x2: {  	s1 =	rddreg [dreg:$0x1]  }
0x3: {  	s3 =	rddreg [dreg:$0x2];
	s4 =	simm.s32 $0x0  }
0x4: {  	s2 =	srdreg.scid;
	s5 =	stileid.u32;
	s14 =	simm.s32 $0x5  }
0x5: {  	s15 =	simm.s32 $0x80;
	s20 =	simm.s32 $0x6100;
	s21 =	simm.s32 $0xA100  }
0x6: {  	s22 =	simm.s32 $0x1;
	s23 =	simm.s32 $0xC100;
	s24 =	simm.s32 $0x10100  }
0x7: {  	s25 =	simm.s32 $0x2;
	s26 =	simm.s32 $0xE100;
	s28 =	simm.s32 $0x12100  }
0x8: {  	[smem:$0x7FF] =	sst s4;
	s2 =	sand.u32 $0x1, s2;
	s5 =	sshll.u32 s5, $0x1  }
0x9: {  	s7 =	sadd.s32 $0x9000, s0;
	s6 =	sor.u32 s2, s5;
	s2 =	ssub.s32 $0x2, s2  }
0xa: {  	s8 =	sadd.s32 $0xCC600, s0;
	s6 =	smul.u32 $0x1900, s6;
	s10 =	sshrl.u32 s2, $0x1  }
0xb: {  	s9 =	sadd.s32 $0x18FC00, s0;
	_ =	strace $0x80000047;
	s30 =	ssub.s32 s2, s10  }
0xc: {  	s5 =	sadd.s32 $0x2C00, s0;
	s31 =	sshrl.u32 s6, $0x3;
	s0 =	smax.u32 s30, $0x1  }
0xd: {  	v0 =	vimm.f32 $1.000000000e+00;
	s10 =	simm.s32 $0x0;
	s2 =	sadd.s32 s5, s31;
	[dreg:$0x5] =	wrdreg s0  }
0xe: {  	v0 =	vand.u32 $0x7FFFFFFF, v0;
	s11 =	sor.u32 $0x80, s6;
	s12 =	sadd.s32 $0x100, s6;
	[dreg:$0x4] =	wrdreg s2  }
.LBB2_1:
0xf: {  	[dreg:$0x6] =	wrdreg s10  }
0x10: {  	s0 =	rddreg [dreg:$0x4]  }
0x11: {  	[tilespmem:s4], [sflag:$0x5] =	stream.linear.gather [hbm4b:s0+s4], $0x80, $0x38;
	[tilespmem:$0x14100] =	vst v63  }
0x12: {  	_ =	swait.ge [sflag:s14], $0x80  }
0x13: {  	[sflag:s14] =	ssyncset.done $0x0  }
0x14: {  	s29 =	simm.s32 $0x100;
	[sflag:s14] =	ssyncadd.s32 $0xFFFFFF80  }
0x15: {  	[tilespmem:s29], [sflag:$0x1] =	stream.indirect.gather [hbm4b:s7+s15], $0x40, s4, s15, $0xb8;
	[tilespmem:$0x14100] =	vst v63  }
0x16: {  	s30 =	simm.s32 $0x4100  }
0x17: {  	[tilespmem:s30], [sflag:$0x1] =	stream.indirect.gather [hbm4b:s8+s15], $0x40, s4, s15, $0xb8;
	[tilespmem:$0x14100] =	vst v63  }
0x18: {  	s31 =	simm.s32 $0x8100;
	s0 =	simm.s32 $0x0  }
0x19: {  	[tilespmem:s31], [sflag:$0x1] =	stream.indirect.gather [hbm4b:s9+s15], $0x40, s4, s15, $0xb8;
	[tilespmem:$0x14100] =	vst v63  }
.LBB2_2:
0x1a: {  	s16 =	sshll.u32 s0, $0x8  }
0x1b: {  	s2 =	sadd.s32 s16, s11  }
0x1c: {  	s10 =	sshrl.u32 s2, $0x3  }
0x1d: {  	s10 =	sadd.s32 s5, s10  }
0x1e: {  	[tilespmem:s15], [sflag:$0x5] =	stream.linear.gather [hbm4b:s10+s4], $0x80, $0x38;
	[tilespmem:$0x14100] =	vst v63  }
0x1f: {  	_ =	swait.ge [sflag:s14], $0x80  }
0x20: {  	[sflag:s14] =	ssyncset.done $0x0  }
0x21: {  	s30 =	simm.s32 $0x2100;
	[sflag:s14] =	ssyncadd.s32 $0xFFFFFF80  }
0x22: {  	[tilespmem:s30], [sflag:$0x2] =	stream.indirect.gather [hbm4b:s7+s15], $0x40, s15, s15, $0xb8;
	[tilespmem:$0x14100] =	vst v63  }
0x23: {  	_ = 	snop  }
0x24: {  	[tilespmem:s20], [sflag:$0x2] =	stream.indirect.gather [hbm4b:s8+s15], $0x40, s15, s15, $0xb8;
	[tilespmem:$0x14100] =	vst v63  }
0x25: {  	_ = 	snop  }
0x26: {  	[tilespmem:s21], [sflag:$0x2] =	stream.indirect.gather [hbm4b:s9+s15], $0x40, s15, s15, $0xb8;
	[tilespmem:$0x14100] =	vst v63  }
0x27: {  	_ =	swait.ge [sflag:s22], $0x2000  }
0x28: {  	[sflag:s22] =	ssyncset.done $0x0  }
0x29: {  	[sflag:s22] =	ssyncadd.s32 $0xFFFFE000  }
0x2a: {  	_ =	swait.ge [sflag:s22], $0x2000  }
0x2b: {  	[sflag:s22] =	ssyncset.done $0x0  }
0x2c: {  	[sflag:s22] =	ssyncadd.s32 $0xFFFFE000  }
0x2d: {  	_ =	swait.ge [sflag:s22], $0x2000  }
0x2e: {  	p0 =	seq.s32 s0, $0x0;
	[sflag:s22] =	ssyncset.done $0x0  }
0x2f: {  	s10 =	simm.s32 @!p0 $0x3;
	[sflag:s22] =	ssyncadd.s32 $0xFFFFE000  }
0x30: {  	_ =	swait.ge @!p0 [sflag:s10], $0x2000  }
0x31: {  	[sflag:s10] =	ssyncset.done @!p0 $0x0  }
0x32: {  	[sflag:s10] =	ssyncadd.s32 @!p0 $0xFFFFE000  }
0x33: {  	_ =	swait.ge @!p0 [sflag:s10], $0x2000  }
0x34: {  	s17 =	sadd.s32 s6, s16;
	[sflag:s10] =	ssyncset.done @!p0 $0x0  }
0x35: {  	s18 =	simm.s32 $0x0;
	s31 =	smulhi.u32 $0x51EB851F, s17;
	[sflag:s10] =	ssyncadd.s32 @!p0 $0xFFFFE000  }
0x36: {  	v1 =	vld [tilespmem:s18+$0x8120]  }
0x37: {  	s10 =	sshrl.u32 s31, $0x4;
	v2 =	vld [tilespmem:s18+$0x8130]  }
0x38: {  	s10 =	smul.u32 $0x32, s10;
	v3 =	vld [tilespmem:s18+$0x4130]  }
0x39: {  	v4 =	vld [tilespmem:s18+$0x4120]  }
0x3a: {  	v5 =	vld [tilespmem:s18+$0x4110];
	s10 =	ssub.s32 s17, s10  }
0x3b: {  	v6 =	vld [tilespmem:s18+$0x4100];
	s10 =	sor.u32 $0x1, s10  }
0x3c: {  	v7 =	vld [tilespmem:s18+$0x8110];
	s13 =	scvt.s32.f32 s10;
	_ =	sdelay $0x1  }
0x3d: {  	v3 =	vmul.f32 s13, v3;
	v4 =	vmul.f32 s13, v4  }
0x3e: {  	v8 =	vld [tilespmem:s18+$0x8100];
	v5 =	vmul.f32 s13, v5  }
0x3f: {  	v2 =	vadd.f32 v2, v3;
	v1 =	vadd.f32 v1, v4  }
0x40: {  	v3 =	vmul.f32 s13, v6;
	v4 =	vadd.f32 v7, v5  }
0x41: {  	v5 =	vmul.f32 $1.591549370e-01, v2;
	v6 =	vmul.f32 $1.591549370e-01, v1  }
0x42: {  	v7 =	vmul.f32 $1.591549370e-01, v4  }
0x43: {  	v3 =	vadd.f32 v8, v3;
	v8 =	vand.u32 $0x80000000, v5;
	v9 =	vand.u32 $0x80000000, v6  }
0x44: {  	vm0 =	vlt.f32 v6, $0.0e+00;
	v10 =	vand.u32 $0x80000000, v7;
	vm1 =	vlt.f32 v7, $0.0e+00  }
0x45: {  	vm2 =	vgt.f32 v7, $0.0e+00;
	vm3 =	vgt.f32 v6, $0.0e+00;
	vm4 =	vgt.f32 v5, $0.0e+00  }
0x46: {  	vm15 =	vlt.f32 v5, $0.0e+00;
	v11 =	vmul.f32 $1.591549370e-01, v3;
	v10 =	vor.u32 v10, v0  }
0x47: {  	v9 =	vor.u32 v9, v0;
	v8 =	vor.u32 v8, v0;
	vm1 =	vmor vm2, vm1  }
0x48: {  	vm0 =	vmor vm3, vm0;
	vm5 =	vmor vm4, vm15;
	v10 =	vsel vm1, v10, v7  }
0x49: {  	v9 =	vsel vm0, v9, v6;
	v8 =	vsel vm5, v8, v5;
	v12 =	vand.u32 $0x80000000, v11  }
0x4a: {  	vm6 =	vlt.f32 v11, $0.0e+00;
	vm7 =	vgt.f32 v11, $0.0e+00;
	v10 =	vmul.f32 $5.000000000e-01, v10  }
0x4b: {  	v9 =	vmul.f32 $5.000000000e-01, v9;
	v12 =	vor.u32 v12, v0;
	vm0 =	vmor vm7, vm6  }
0x4c: {  	v8 =	vmul.f32 $5.000000000e-01, v8;
	v7 =	vadd.f32 v10, v7;
	v10 =	vsel vm0, v12, v11  }
0x4d: {  	v6 =	vadd.f32 v9, v6;
	v9 =	vmul.f32 $5.000000000e-01, v10  }
0x4e: {  	s10 =	simm.s32 $0x40;
	v5 =	vadd.f32 v8, v5  }
0x4f: {  	v14 =	vld [tilespmem:s10+$0x4130];
	v7 =	vtrunc.f32 v7;
	v6 =	vtrunc.f32 v6;
	v8 =	vadd.f32 v9, v11  }
0x50: {  	v16 =	vld [tilespmem:s10+$0x4120];
	v5 =	vtrunc.f32 v5;
	v6 =	vcvt.f32.s32 v6  }
0x51: {  	v18 =	vld [tilespmem:s10+$0x4110];
	v7 =	vcvt.f32.s32 v7;
	v8 =	vtrunc.f32 v8  }
0x52: {  	s19 =	sadd.f32 $1.000000000e+00, s13;
	p1 =	sge.f32 s13, $5.000000000e+01;
	v11 =	vld [tilespmem:s10+$0x8130];
	v6 =	vcvt.s32.f32 v6;
	v8 =	vcvt.f32.s32 v8  }
0x53: {  	v19 =	vld [tilespmem:s10+$0x4100];
	v5 =	vcvt.f32.s32 v5;
	v7 =	vcvt.s32.f32 v7  }
0x54: {  	s19 =	simm.s32 @p1 $0x3F800000;
	v9 =	vld [tilespmem:s10+$0x8120];
	v6 =	vmul.f32 $6.283185480e+00, v6;
	v8 =	vcvt.s32.f32 v8  }
0x55: {  	v14 =	vmul.f32 s19, v14;
	v5 =	vcvt.s32.f32 v5  }
0x56: {  	v21 =	vld [tilespmem:s10+$0x8110];
	v7 =	vmul.f32 $6.283185480e+00, v7;
	v1 =	vsub.f32 v1, v6;
	v6 =	vmul.f32 $6.283185480e+00, v8  }
0x57: {  	v16 =	vmul.f32 s19, v16;
	v18 =	vmul.f32 s19, v18;
	v11 =	vadd.f32 v11, v14  }
0x58: {  	v5 =	vmul.f32 $6.283185480e+00, v5;
	v7 =	vsub.f32 v4, v7;
	v6 =	vsub.f32 v3, v6  }
0x59: {  	v14 =	vadd.f32 v9, v16;
	v9 =	vmul.f32 s19, v19;
	v19 =	vmul.f32 $1.591549370e-01, v11  }
0x5a: {  	v2 =	vsub.f32 v2, v5;
	v8 =	vmul.f32 v7, v7;
	v5 =	vmul.f32 v6, v6  }
0x5b: {  	v16 =	vadd.f32 v21, v18;
	v21 =	vmul.f32 $1.591549370e-01, v14;
	v4 =	vmul.f32 v1, v1  }
0x5c: {  	v12 =	vmul.f32 $1.477404440e-04, v8;
	v15 =	vmul.f32 $1.906521540e-05, v5  }
0x5d: {  	v3 =	vmul.f32 v2, v2;
	vm8 =	vlt.f32 v21, $0.0e+00;
	v10 =	vmul.f32 $1.906521540e-05, v4  }
0x5e: {  	v12 =	vsub.f32 $7.998575460e-03, v12;
	v20 =	vmul.f32 $1.477404440e-04, v5;
	v15 =	vadd.f32 $-1.344106860e-03, v15  }
0x5f: {  	vm11 =	vgt.f32 v21, $0.0e+00;
	v13 =	vmul.f32 $1.477404440e-04, v3;
	v10 =	vadd.f32 $-1.344106860e-03, v10  }
0x60: {  	v22 =	vmul.f32 v12, v8;
	v12 =	vmul.f32 v15, v5;
	v15 =	vsub.f32 $7.998575460e-03, v20;
	v20 =	vld [tilespmem:s10+$0x8100]  }
0x61: {  	vm12 =	vgt.f32 v19, $0.0e+00;
	vm13 =	vlt.f32 v19, $0.0e+00;
	v23 =	vmul.f32 $1.906521540e-05, v8  }
0x62: {  	vm0 =	vmor vm11, vm8;
	v13 =	vsub.f32 $7.998575460e-03, v13;
	v10 =	vmul.f32 v10, v4  }
0x63: {  	v17 =	vmul.f32 $1.906521540e-05, v3;
	v18 =	vadd.f32 $-1.658384350e-01, v22;
	v22 =	vand.u32 $0x80000000, v21  }
0x64: {  	v13 =	vmul.f32 v13, v3;
	v10 =	vadd.f32 $4.152230550e-02, v10;
	v22 =	vor.u32 v22, v0  }
0x65: {  	v27 =	vadd.f32 v20, v9;
	v9 =	vadd.f32 $-1.344106860e-03, v17;
	v17 =	vmul.f32 $1.591549370e-01, v16  }
0x66: {  	v22 =	vsel vm0, v22, v21;
	v10 =	vmul.f32 v10, v4;
	v12 =	vadd.f32 $4.152230550e-02, v12  }
0x67: {  	v24 =	vand.u32 $0x80000000, v17;
	vm9 =	vlt.f32 v17, $0.0e+00;
	vm10 =	vgt.f32 v17, $0.0e+00  }
0x68: {  	v22 =	vmul.f32 $5.000000000e-01, v22;
	v24 =	vor.u32 v24, v0;
	vm1 =	vmor vm10, vm9  }
0x69: {  	v15 =	vmul.f32 v15, v5;
	v12 =	vmul.f32 v12, v5;
	v24 =	vsel vm1, v24, v17  }
0x6a: {  	v21 =	vadd.f32 v22, v21;
	v20 =	vand.u32 $0x80000000, v19;
	v24 =	vmul.f32 $5.000000000e-01, v24  }
0x6b: {  	v20 =	vor.u32 v20, v0;
	v25 =	vmul.f32 $1.591549370e-01, v27;
	vm1 =	vmor vm12, vm13  }
0x6c: {  	v22 =	vadd.f32 $-1.344106860e-03, v23;
	v20 =	vsel vm1, v20, v19;
	v17 =	vadd.f32 v24, v17  }
0x6d: {  	vm14 =	vlt.f32 v25, $0.0e+00;
	vm15 =	vgt.f32 v25, $0.0e+00;
	v20 =	vmul.f32 $5.000000000e-01, v20  }
0x6e: {  	vm0 =	vmor vm15, vm14;
	v24 =	vand.u32 $0x80000000, v25;
	v17 =	vtrunc.f32 v17  }
0x6f: {  	v19 =	vadd.f32 v20, v19;
	v20 =	vor.u32 v24, v0;
	v17 =	vcvt.f32.s32 v17  }
0x70: {  	v23 =	vmul.f32 v18, v8;
	v21 =	vtrunc.f32 v21;
	v20 =	vsel vm0, v20, v25  }
0x71: {  	v20 =	vmul.f32 $5.000000000e-01, v20;
	v17 =	vcvt.s32.f32 v17  }
0x72: {  	v10 =	vadd.f32 $-4.998376070e-01, v10;
	v21 =	vcvt.f32.s32 v21;
	v19 =	vtrunc.f32 v19  }
0x73: {  	v19 =	vcvt.f32.s32 v19;
	v18 =	vadd.f32 v20, v25;
	v17 =	vmul.f32 $6.283185480e+00, v17  }
0x74: {  	v20 =	vcvt.s32.f32 v21;
	v21 =	vadd.f32 $-1.658384350e-01, v15;
	v15 =	vmul.f32 v22, v8  }
0x75: {  	v24 =	vtrunc.f32 v18;
	v18 =	vsub.f32 v16, v17;
	v16 =	vcvt.s32.f32 v19  }
0x76: {  	v13 =	vadd.f32 $-1.658384350e-01, v13;
	v17 =	vcvt.f32.s32 v24;
	v19 =	vmul.f32 $6.283185480e+00, v20  }
0x77: {  	v22 =	vadd.f32 $4.152230550e-02, v15;
	v24 =	vmul.f32 v10, v4;
	v16 =	vmul.f32 $6.283185480e+00, v16  }
0x78: {  	v15 =	vcvt.s32.f32 v17;
	v10 =	vsub.f32 v14, v19;
	v14 =	vmul.f32 $1.477404440e-04, v4  }
0x79: {  	v9 =	vmul.f32 v9, v3;
	v25 =	vadd.f32 $9.999710910e-01, v24;
	v17 =	vsub.f32 v11, v16  }
0x7a: {  	v26 =	vmul.f32 v22, v8;
	v16 =	vmul.f32 $6.283185480e+00, v15;
	v24 =	vsub.f32 $7.998575460e-03, v14;
	v14 =	vld [tilespmem:s18+$0x120]  }
0x7b: {  	v15 =	vmul.f32 v10, v10;
	v11 =	vmul.f32 v17, v17  }
0x7c: {  	v23 =	vadd.f32 $9.994501470e-01, v23;
	v22 =	vmul.f32 v13, v3;
	v20 =	vmul.f32 v18, v18  }
0x7d: {  	s13 =	simm.s32 $0x200;
	s29 =	sadd.f32 $1.000000000e+00, s19;
	v16 =	vsub.f32 v27, v16;
	v19 =	vmul.f32 $1.906521540e-05, v15;
	v13 =	vmul.f32 $1.477404440e-04, v11  }
.LBB2_3:
0x7e: {  	s31 =	sshra.s32 s13, $0x2;
	v27 =	vmul.f32 $1.477404440e-04, v20  }
0x7f: {  	p1 =	sne.s32 s13, $0x7F00;
	s13 =	sadd.s32 $0x100, s13;
	v28 =	vadd.f32 $-4.998376070e-01, v12;
	v29 =	vld [tilespmem:s18+$0x110];
	v12 =	vmul.f32 v25, v14;
	p2 =	sge.f32 s19, $5.000000000e+01;
	v24 =	vmul.f32 v24, v4  }
0x80: {  	v26 =	vadd.f32 $-4.998376070e-01, v26;
	v32 =	vmul.f32 $1.906521540e-05, v11;
	v25 =	vld [tilespmem:s31+$0x8120];
	v30 =	vmul.f32 v16, v16  }
0x81: {  	v19 =	vadd.f32 $-1.344106860e-03, v19;
	v31 =	vld [tilespmem:s31+$0x8130];
	s29 =	simm.s32 @p2 $0x3F800000  }
0x82: {  	v35 =	vmul.f32 v21, v5;
	v33 =	vld [tilespmem:s31+$0x4130];
	v34 =	vmul.f32 $1.906521540e-05, v30;
	[tilespmem:s18+$0xC120] =	vst v12;
	v12 =	vadd.f32 $9.994501470e-01, v22  }
0x83: {  	v27 =	vsub.f32 $7.998575460e-03, v27;
	v22 =	vmul.f32 $1.477404440e-04, v30;
	v21 =	vmul.f32 v19, v15;
	v36 =	vld [tilespmem:s31+$0x4120]  }
0x84: {  	v23 =	vmul.f32 v23, v7;
	v7 =	vmovc v18;
	v26 =	vmul.f32 v26, v8;
	v8 =	vmovc v20;
	s30 =	sadd.f32 $1.000000000e+00, s29;
	v19 =	vld [tilespmem:s31+$0x4110];
	v34 =	vadd.f32 $-1.344106860e-03, v34  }
0x85: {  	v35 =	vadd.f32 $9.994501470e-01, v35;
	v27 =	vmul.f32 v27, v8;
	v20 =	vsub.f32 $7.998575460e-03, v22;
	v18 =	vld [tilespmem:s31+$0x4100]  }
0x86: {  	v38 =	vmul.f32 $1.906521540e-05, v8;
	v26 =	vadd.f32 $9.999710910e-01, v26;
	v37 =	vld [tilespmem:s31+$0x8110];
	v34 =	vmul.f32 v34, v30  }
0x87: {  	v27 =	vadd.f32 $-1.658384350e-01, v27;
	v22 =	vmul.f32 v20, v30;
	v39 =	vld [tilespmem:s31+$0x8100];
	v33 =	vmul.f32 s29, v33  }
0x88: {  	v24 =	vadd.f32 $-1.658384350e-01, v24;
	v36 =	vmul.f32 s29, v36;
	v34 =	vadd.f32 $4.152230550e-02, v34  }
0x89: {  	v19 =	vmul.f32 s29, v19;
	v20 =	vadd.f32 v31, v33;
	v31 =	vmul.f32 v12, v2;
	v2 =	vmovc v17  }
0x8a: {  	v18 =	vmul.f32 s29, v18;
	v17 =	vadd.f32 v25, v36;
	v12 =	vmul.f32 v34, v30  }
0x8b: {  	v26 =	vmul.f32 v26, v29;
	v25 =	vadd.f32 v37, v19;
	v33 =	vmul.f32 $1.591549370e-01, v20  }
0x8c: {  	v32 =	vadd.f32 $-1.344106860e-03, v32;
	v19 =	vadd.f32 v39, v18;
	v18 =	vmul.f32 $1.591549370e-01, v17  }
0x8d: {  	v23 =	vmul.f32 v23, v29;
	v34 =	vmul.f32 $1.591549370e-01, v25;
	v36 =	vand.u32 $0x80000000, v33;
	v29 =	vld [tilespmem:s18+$0x130]  }
0x8e: {  	v32 =	vmul.f32 v32, v11;
	v37 =	vand.u32 $0x80000000, v18;
	vm0 =	vlt.f32 v18, $0.0e+00;
	[tilespmem:s18+$0xC110] =	vst v26  }
0x8f: {  	v26 =	vand.u32 $0x80000000, v34;
	vm1 =	vlt.f32 v34, $0.0e+00;
	[tilespmem:s18+$0x10110] =	vst v23;
	v23 =	vadd.f32 $4.152230550e-02, v9  }
0x90: {  	v35 =	vmul.f32 v35, v6;
	v37 =	vor.u32 v37, v0;
	v9 =	vmovc v32;
	v26 =	vor.u32 v26, v0  }
0x91: {  	v24 =	vmul.f32 v24, v4;
	v4 =	vmovc v15;
	v6 =	vmovc v16;
	vm3 =	vgt.f32 v18, $0.0e+00;
	vm2 =	vgt.f32 v34, $0.0e+00  }
0x92: {  	vm4 =	vgt.f32 v33, $0.0e+00;
	v15 =	vor.u32 v36, v0;
	v16 =	vmul.f32 v31, v29  }
0x93: {  	vm0 =	vmor vm3, vm0;
	vm1 =	vmor vm2, vm1;
	v23 =	vmul.f32 v23, v3;
	v31 =	vld [tilespmem:s18+$0x100]  }
0x94: {  	v28 =	vmul.f32 v28, v5;
	v5 =	vmovc v30;
	v26 =	vsel vm1, v26, v34;
	vm1 =	vlt.f32 v33, $0.0e+00;
	[tilespmem:s18+$0x10130] =	vst v16  }
0x95: {  	v30 =	vsel vm0, v37, v18;
	vm0 =	vmor vm4, vm1;
	v16 =	vmul.f32 $1.591549370e-01, v19  }
0x96: {  	v26 =	vmul.f32 $5.000000000e-01, v26;
	v15 =	vsel vm0, v15, v33;
	v23 =	vadd.f32 $-4.998376070e-01, v23  }
0x97: {  	v30 =	vmul.f32 $5.000000000e-01, v30;
	v32 =	vand.u32 $0x80000000, v16;
	vm0 =	vlt.f32 v16, $0.0e+00  }
0x98: {  	v26 =	vadd.f32 v26, v34;
	vm1 =	vgt.f32 v16, $0.0e+00;
	v34 =	vmul.f32 v35, v31  }
0x99: {  	v28 =	vadd.f32 $9.999710910e-01, v28;
	v15 =	vmul.f32 $5.000000000e-01, v15;
	v32 =	vor.u32 v32, v0  }
0x9a: {  	v24 =	vadd.f32 $9.994501470e-01, v24;
	v18 =	vadd.f32 v30, v18;
	v26 =	vtrunc.f32 v26;
	[tilespmem:s18+$0x10100] =	vst v34  }
0x9b: {  	v23 =	vmul.f32 v23, v3;
	v3 =	vmovc v11;
	v15 =	vadd.f32 v15, v33;
	v26 =	vcvt.f32.s32 v26  }
0x9c: {  	v11 =	vtrunc.f32 v18;
	v18 =	vmul.f32 v24, v1;
	v1 =	vmovc v10;
	vm0 =	vmor vm1, vm0  }
0x9d: {  	v23 =	vadd.f32 $9.999710910e-01, v23;
	v10 =	vsel vm0, v32, v16;
	v15 =	vtrunc.f32 v15  }
0x9e: {  	v14 =	vmul.f32 v18, v14;
	v24 =	vcvt.s32.f32 v26  }
0x9f: {  	v10 =	vmul.f32 $5.000000000e-01, v10;
	v26 =	vadd.f32 $-1.344106860e-03, v38;
	v18 =	vmul.f32 v23, v29  }
0xa0: {  	v21 =	vadd.f32 $4.152230550e-02, v21;
	v11 =	vcvt.f32.s32 v11;
	v23 =	vmul.f32 v27, v8;
	[tilespmem:s18+$0x10120] =	vst v14  }
0xa1: {  	v15 =	vcvt.f32.s32 v15;
	v10 =	vadd.f32 v10, v16;
	v14 =	vmul.f32 $6.283185480e+00, v24;
	[tilespmem:s18+$0xC130] =	vst v18  }
0xa2: {  	v13 =	vsub.f32 $7.998575460e-03, v13;
	v11 =	vcvt.s32.f32 v11;
	v16 =	vmul.f32 v28, v31  }
0xa3: {  	v10 =	vtrunc.f32 v10;
	v18 =	vsub.f32 v25, v14;
	v14 =	vmul.f32 v21, v4  }
0xa4: {  	v15 =	vcvt.s32.f32 v15;
	v21 =	vadd.f32 $-1.658384350e-01, v22;
	v22 =	vmul.f32 v26, v8;
	[tilespmem:s18+$0xC100] =	vst v16;
	s18 =	smov.u32 s10;
	s10 =	smov.u32 s31  }
0xa5: {  	v13 =	vmul.f32 v13, v3;
	v10 =	vcvt.f32.s32 v10;
	v14 =	vadd.f32 $-4.998376070e-01, v14  }
0xa6: {  	v11 =	vmul.f32 $6.283185480e+00, v11;
	v15 =	vmul.f32 $6.283185480e+00, v15;
	v16 =	vadd.f32 $4.152230550e-02, v22  }
0xa7: {  	v13 =	vadd.f32 $-1.658384350e-01, v13;
	v22 =	vcvt.s32.f32 v10;
	v24 =	vmul.f32 v14, v4  }
.Ltmp0:
0xa8: {  	v26 =	vmul.f32 $1.477404440e-04, v4;
	v10 =	vsub.f32 v17, v11;
	v17 =	vsub.f32 v20, v15;
	v14 =	vld [tilespmem:s18+$0x120];
	(pc) =	sbr.rel @p1 .LBB2_3-.Ltmp0, $4  }
0xa9: {  	v20 =	vmul.f32 v18, v18;
	v27 =	vmul.f32 $6.283185480e+00, v22;
	v25 =	vadd.f32 $9.999710910e-01, v24  }
0xaa: {  	v15 =	vmul.f32 v10, v10;
	v11 =	vmul.f32 v17, v17;
	v24 =	vsub.f32 $7.998575460e-03, v26  }
0xab: {  	v23 =	vadd.f32 $9.994501470e-01, v23;
	v22 =	vmul.f32 v13, v3;
	v26 =	vmul.f32 v16, v8  }
0xac: {  	s19 =	smov.u32 s29;
	s29 =	smov.u32 s30;
	v16 =	vsub.f32 v19, v27;
	v19 =	vmul.f32 $1.906521540e-05, v15;
	v13 =	vmul.f32 $1.477404440e-04, v11  }
0xad: {  	v26 =	vadd.f32 $-4.998376070e-01, v26;
	v27 =	vld [tilespmem:s18+$0x110]  }
0xae: {  	v25 =	vmul.f32 v25, v14;
	v7 =	vmul.f32 v23, v7  }
0xaf: {  	v23 =	vmul.f32 v24, v4;
	v8 =	vmul.f32 v26, v8  }
0xb0: {  	v12 =	vadd.f32 $-4.998376070e-01, v12;
	v21 =	vmul.f32 v21, v5;
	v26 =	vmul.f32 $1.477404440e-04, v20  }
0xb1: {  	[tilespmem:s18+$0xC120] =	vst v25;
	v25 =	vmul.f32 v16, v16;
	v23 =	vadd.f32 $-1.658384350e-01, v23;
	v8 =	vadd.f32 $9.999710910e-01, v8  }
0xb2: {  	v9 =	vadd.f32 $4.152230550e-02, v9;
	v5 =	vmul.f32 v12, v5;
	v7 =	vmul.f32 v7, v27  }
0xb3: {  	v24 =	vld [tilespmem:s18+$0x130];
	v21 =	vadd.f32 $9.994501470e-01, v21;
	v4 =	vmul.f32 v23, v4;
	v8 =	vmul.f32 v8, v27  }
0xb4: {  	v23 =	vmul.f32 $1.906521540e-05, v20;
	[tilespmem:s18+$0x10110] =	vst v7;
	v7 =	vmul.f32 v9, v3;
	v9 =	vadd.f32 $9.994501470e-01, v22  }
0xb5: {  	v6 =	vmul.f32 v21, v6;
	v4 =	vadd.f32 $9.994501470e-01, v4;
	v22 =	vld [tilespmem:s18+$0x100];
	[tilespmem:s18+$0xC110] =	vst v8;
	v8 =	vadd.f32 $-1.344106860e-03, v19  }
0xb6: {  	v19 =	vmul.f32 $1.906521540e-05, v11;
	v7 =	vadd.f32 $-4.998376070e-01, v7;
	v2 =	vmul.f32 v9, v2  }
0xb7: {  	v1 =	vmul.f32 v4, v1;
	v4 =	vadd.f32 $-1.344106860e-03, v23;
	v8 =	vmul.f32 v8, v15  }
0xb8: {  	v3 =	vmul.f32 v7, v3;
	v2 =	vmul.f32 v2, v24  }
0xb9: {  	v5 =	vadd.f32 $9.999710910e-01, v5;
	v1 =	vmul.f32 v1, v14;
	v4 =	vmul.f32 v4, v20  }
0xba: {  	v6 =	vmul.f32 v6, v22;
	v3 =	vadd.f32 $9.999710910e-01, v3;
	[tilespmem:s18+$0x10130] =	vst v2;
	v2 =	vadd.f32 $4.152230550e-02, v8  }
0xbb: {  	v9 =	vmul.f32 $1.477404440e-04, v15;
	[tilespmem:s18+$0x10120] =	vst v1;
	v1 =	vmul.f32 v5, v22;
	v8 =	vsub.f32 $7.998575460e-03, v26  }
0xbc: {  	v4 =	vadd.f32 $4.152230550e-02, v4;
	[tilespmem:s18+$0x10100] =	vst v6;
	v3 =	vmul.f32 v3, v24;
	v2 =	vmul.f32 v2, v15  }
0xbd: {  	v12 =	vadd.f32 $-1.344106860e-03, v19;
	v5 =	vmul.f32 $1.477404440e-04, v25;
	[tilespmem:s18+$0xC100] =	vst v1;
	v6 =	vmul.f32 v8, v20  }
0xbe: {  	v7 =	vmul.f32 $1.906521540e-05, v25;
	[tilespmem:s18+$0xC130] =	vst v3;
	v1 =	vadd.f32 $-4.998376070e-01, v2;
	v2 =	vmul.f32 v4, v20  }
0xbf: {  	v4 =	vsub.f32 $7.998575460e-03, v5;
	v5 =	vadd.f32 $-1.658384350e-01, v6;
	v6 =	vld [tilespmem:s10+$0x120]  }
0xc0: {  	v9 =	vsub.f32 $7.998575460e-03, v9;
	v1 =	vmul.f32 v1, v15;
	v2 =	vadd.f32 $-4.998376070e-01, v2  }
0xc1: {  	v3 =	vadd.f32 $-1.344106860e-03, v7;
	v7 =	vsub.f32 $7.998575460e-03, v13;
	v8 =	vld [tilespmem:s10+$0x110];
	v5 =	vmul.f32 v5, v20  }
0xc2: {  	v12 =	vmul.f32 v12, v11;
	v1 =	vadd.f32 $9.999710910e-01, v1;
	v2 =	vmul.f32 v2, v20  }
0xc3: {  	v3 =	vmul.f32 v3, v25;
	v7 =	vmul.f32 v7, v11;
	v5 =	vadd.f32 $9.994501470e-01, v5  }
0xc4: {  	v4 =	vmul.f32 v4, v25;
	v1 =	vmul.f32 v1, v6;
	v2 =	vadd.f32 $9.999710910e-01, v2  }
0xc5: {  	v9 =	vmul.f32 v9, v15;
	v7 =	vadd.f32 $-1.658384350e-01, v7;
	v5 =	vmul.f32 v5, v18  }
0xc6: {  	v4 =	vadd.f32 $-1.658384350e-01, v4;
	v3 =	vadd.f32 $4.152230550e-02, v3;
	[tilespmem:s10+$0xC120] =	vst v1;
	v1 =	vmul.f32 v2, v8  }
0xc7: {  	v2 =	vmul.f32 v7, v11;
	v5 =	vmul.f32 v5, v8;
	v8 =	vadd.f32 $4.152230550e-02, v12  }
0xc8: {  	v9 =	vadd.f32 $-1.658384350e-01, v9;
	v4 =	vmul.f32 v4, v25  }
0xc9: {  	v3 =	vmul.f32 v3, v25;
	v7 =	vld [tilespmem:s10+$0x130];
	[tilespmem:s10+$0xC110] =	vst v1;
	v1 =	vadd.f32 $9.994501470e-01, v2;
	v2 =	vmul.f32 v8, v11  }
0xca: {  	v4 =	vadd.f32 $9.994501470e-01, v4;
	[tilespmem:s10+$0x10110] =	vst v5;
	v5 =	vmul.f32 v9, v15;
	v8 =	vld [tilespmem:s10+$0x100]  }
0xcb: {  	v3 =	vadd.f32 $-4.998376070e-01, v3;
	v2 =	vadd.f32 $-4.998376070e-01, v2  }
0xcc: {  	v4 =	vmul.f32 v4, v16;
	v1 =	vmul.f32 v1, v17;
	v5 =	vadd.f32 $9.994501470e-01, v5  }
0xcd: {  	v3 =	vmul.f32 v3, v25;
	v2 =	vmul.f32 v2, v11  }
0xce: {  	v1 =	vmul.f32 v1, v7;
	v5 =	vmul.f32 v5, v10  }
0xcf: {  	v4 =	vmul.f32 v4, v8;
	v2 =	vadd.f32 $9.999710910e-01, v2  }
0xd0: {  	[tilespmem:s10+$0x10130] =	vst v1;
	v1 =	vadd.f32 $9.999710910e-01, v3;
	v3 =	vmul.f32 v5, v6  }
0xd1: {  	[tilespmem:s10+$0x10100] =	vst v4;
	v2 =	vmul.f32 v2, v7  }
0xd2: {  	[tilespmem:s10+$0x10120] =	vst v3;
	v1 =	vmul.f32 v1, v8  }
0xd3: {  	s13 =	sshll.u32 s17, $0x3;
	p1 =	seq.s32 s0, $0x18;
	[tilespmem:s10+$0xC130] =	vst v2  }
0xd4: {  	s29 =	sadd.s32 s1, s13;
	[tilespmem:s10+$0xC100] =	vst v1;
	s10 =	sadd.s32 @!p1 s16, s12  }
0xd5: {  	[hbm4b:s29+s4] =	stream.linear.scatter [tilespmem:s23], [sflag:$0x3], $0x2000, $0x38;
	[tilespmem:$0x14100] =	vst v63  }
0xd6: {  	s30 =	sadd.s32 s3, s13;
	s10 =	sshrl.u32 @!p1 s10, $0x3  }
0xd7: {  	[hbm4b:s30+s4] =	stream.linear.scatter [tilespmem:s24], [sflag:$0x3], $0x2000, $0x38;
	[tilespmem:$0x14100] =	vst v63  }
0xd8: {  	s13 =	simm.s32 @!p1 $0x0;
	s10 =	sadd.s32 @!p1 s5, s10  }
0xd9: {  	[tilespmem:s13], [sflag:$0x5] =	stream.linear.gather @!p1 [hbm4b:s10+s13], $0x80, $0x38;
	[tilespmem:$0x14100] =	vst v63  }
0xda: {  	s10 =	simm.s32 @!p1 $0x5  }
0xdb: {  	_ =	swait.ge @!p1 [sflag:s10], $0x80  }
0xdc: {  	[sflag:s10] =	ssyncset.done @!p1 $0x0  }
0xdd: {  	s16 =	simm.s32 @!p1 $0x100;
	[sflag:s10] =	ssyncadd.s32 @!p1 $0xFFFFFF80;
	s10 =	simm.s32 @!p1 $0x80  }
0xde: {  	[tilespmem:s16], [sflag:$0x1] =	stream.indirect.gather @!p1 [hbm4b:s7+s10], $0x40, s13, s10, $0xb8;
	[tilespmem:$0x14100] =	vst v63  }
0xdf: {  	s16 =	simm.s32 @!p1 $0x4100  }
0xe0: {  	[tilespmem:s16], [sflag:$0x1] =	stream.indirect.gather @!p1 [hbm4b:s8+s10], $0x40, s13, s10, $0xb8;
	[tilespmem:$0x14100] =	vst v63  }
0xe1: {  	s16 =	simm.s32 @!p1 $0x8100  }
0xe2: {  	[tilespmem:s16], [sflag:$0x1] =	stream.indirect.gather @!p1 [hbm4b:s9+s10], $0x40, s13, s10, $0xb8;
	[tilespmem:$0x14100] =	vst v63  }
0xe3: {  	_ =	swait.ge [sflag:s25], $0x2000  }
0xe4: {  	[sflag:s25] =	ssyncset.done $0x0  }
0xe5: {  	[sflag:s25] =	ssyncadd.s32 $0xFFFFE000  }
0xe6: {  	_ =	swait.ge [sflag:s25], $0x2000  }
0xe7: {  	[sflag:s25] =	ssyncset.done $0x0  }
0xe8: {  	[sflag:s25] =	ssyncadd.s32 $0xFFFFE000  }
0xe9: {  	_ =	swait.ge [sflag:s25], $0x2000  }
0xea: {  	[sflag:s25] =	ssyncset.done $0x0  }
0xeb: {  	s10 =	simm.s32 @!p0 $0x4;
	[sflag:s25] =	ssyncadd.s32 $0xFFFFE000  }
0xec: {  	_ =	swait.ge @!p0 [sflag:s10], $0x2000  }
0xed: {  	[sflag:s10] =	ssyncset.done @!p0 $0x0  }
0xee: {  	[sflag:s10] =	ssyncadd.s32 @!p0 $0xFFFFE000  }
0xef: {  	_ =	swait.ge @!p0 [sflag:s10], $0x2000  }
0xf0: {  	[sflag:s10] =	ssyncset.done @!p0 $0x0  }
0xf1: {  	s31 =	smulhi.u32 $0x51EB851F, s2;
	s16 =	simm.s32 $0x0;
	[sflag:s10] =	ssyncadd.s32 @!p0 $0xFFFFE000  }
0xf2: {  	v1 =	vld [tilespmem:s16+$0xA120]  }
0xf3: {  	s10 =	sshrl.u32 s31, $0x4;
	v2 =	vld [tilespmem:s16+$0xA130]  }
0xf4: {  	s10 =	smul.u32 $0x32, s10;
	v3 =	vld [tilespmem:s16+$0x6130]  }
0xf5: {  	v4 =	vld [tilespmem:s16+$0x6120]  }
0xf6: {  	v5 =	vld [tilespmem:s16+$0x6110];
	s10 =	ssub.s32 s2, s10  }
0xf7: {  	v6 =	vld [tilespmem:s16+$0x6100];
	s10 =	sor.u32 $0x1, s10  }
0xf8: {  	v7 =	vld [tilespmem:s16+$0xA110];
	s10 =	scvt.s32.f32 s10;
	_ =	sdelay $0x1  }
0xf9: {  	v3 =	vmul.f32 s10, v3;
	v4 =	vmul.f32 s10, v4  }
0xfa: {  	v8 =	vld [tilespmem:s16+$0xA100];
	v5 =	vmul.f32 s10, v5  }
0xfb: {  	v2 =	vadd.f32 v2, v3;
	v1 =	vadd.f32 v1, v4  }
0xfc: {  	v3 =	vmul.f32 s10, v6;
	v4 =	vadd.f32 v7, v5  }
0xfd: {  	v5 =	vmul.f32 $1.591549370e-01, v2;
	v6 =	vmul.f32 $1.591549370e-01, v1  }
0xfe: {  	v7 =	vmul.f32 $1.591549370e-01, v4  }
0xff: {  	v3 =	vadd.f32 v8, v3;
	v8 =	vand.u32 $0x80000000, v5;
	v9 =	vand.u32 $0x80000000, v6  }
0x100: {  	vm0 =	vlt.f32 v6, $0.0e+00;
	v10 =	vand.u32 $0x80000000, v7;
	vm1 =	vlt.f32 v7, $0.0e+00  }
0x101: {  	vm2 =	vgt.f32 v7, $0.0e+00;
	vm3 =	vgt.f32 v6, $0.0e+00;
	vm4 =	vgt.f32 v5, $0.0e+00  }
0x102: {  	vm15 =	vlt.f32 v5, $0.0e+00;
	v11 =	vmul.f32 $1.591549370e-01, v3;
	v10 =	vor.u32 v10, v0  }
0x103: {  	v9 =	vor.u32 v9, v0;
	v8 =	vor.u32 v8, v0;
	vm1 =	vmor vm2, vm1  }
0x104: {  	vm0 =	vmor vm3, vm0;
	vm5 =	vmor vm4, vm15;
	v10 =	vsel vm1, v10, v7  }
0x105: {  	v9 =	vsel vm0, v9, v6;
	v8 =	vsel vm5, v8, v5;
	v12 =	vand.u32 $0x80000000, v11  }
0x106: {  	vm6 =	vlt.f32 v11, $0.0e+00;
	vm7 =	vgt.f32 v11, $0.0e+00;
	v10 =	vmul.f32 $5.000000000e-01, v10  }
0x107: {  	v9 =	vmul.f32 $5.000000000e-01, v9;
	v12 =	vor.u32 v12, v0;
	vm0 =	vmor vm7, vm6  }
0x108: {  	v8 =	vmul.f32 $5.000000000e-01, v8;
	v7 =	vadd.f32 v10, v7;
	v10 =	vsel vm0, v12, v11  }
0x109: {  	v6 =	vadd.f32 v9, v6;
	v9 =	vmul.f32 $5.000000000e-01, v10  }
0x10a: {  	s17 =	simm.s32 $0x40;
	v5 =	vadd.f32 v8, v5  }
0x10b: {  	v14 =	vld [tilespmem:s17+$0x6130];
	v7 =	vtrunc.f32 v7;
	v6 =	vtrunc.f32 v6;
	v8 =	vadd.f32 v9, v11  }
0x10c: {  	v16 =	vld [tilespmem:s17+$0x6120];
	v5 =	vtrunc.f32 v5;
	v6 =	vcvt.f32.s32 v6  }
0x10d: {  	v18 =	vld [tilespmem:s17+$0x6110];
	v7 =	vcvt.f32.s32 v7;
	v8 =	vtrunc.f32 v8  }
0x10e: {  	s19 =	sadd.f32 $1.000000000e+00, s10;
	p0 =	sge.f32 s10, $5.000000000e+01;
	v11 =	vld [tilespmem:s17+$0xA130];
	v6 =	vcvt.s32.f32 v6;
	v8 =	vcvt.f32.s32 v8  }
0x10f: {  	v19 =	vld [tilespmem:s17+$0x6100];
	v5 =	vcvt.f32.s32 v5;
	v7 =	vcvt.s32.f32 v7  }
0x110: {  	s19 =	simm.s32 @p0 $0x3F800000;
	v9 =	vld [tilespmem:s17+$0xA120];
	v6 =	vmul.f32 $6.283185480e+00, v6;
	v8 =	vcvt.s32.f32 v8  }
0x111: {  	v14 =	vmul.f32 s19, v14;
	v5 =	vcvt.s32.f32 v5  }
0x112: {  	v21 =	vld [tilespmem:s17+$0xA110];
	v7 =	vmul.f32 $6.283185480e+00, v7;
	v1 =	vsub.f32 v1, v6;
	v6 =	vmul.f32 $6.283185480e+00, v8  }
0x113: {  	v16 =	vmul.f32 s19, v16;
	v18 =	vmul.f32 s19, v18;
	v11 =	vadd.f32 v11, v14  }
0x114: {  	v5 =	vmul.f32 $6.283185480e+00, v5;
	v7 =	vsub.f32 v4, v7;
	v6 =	vsub.f32 v3, v6  }
0x115: {  	v14 =	vadd.f32 v9, v16;
	v9 =	vmul.f32 s19, v19;
	v19 =	vmul.f32 $1.591549370e-01, v11  }
0x116: {  	v2 =	vsub.f32 v2, v5;
	v8 =	vmul.f32 v7, v7;
	v5 =	vmul.f32 v6, v6  }
0x117: {  	v16 =	vadd.f32 v21, v18;
	v21 =	vmul.f32 $1.591549370e-01, v14;
	v4 =	vmul.f32 v1, v1  }
0x118: {  	v12 =	vmul.f32 $1.477404440e-04, v8;
	v15 =	vmul.f32 $1.906521540e-05, v5  }
0x119: {  	v3 =	vmul.f32 v2, v2;
	vm8 =	vlt.f32 v21, $0.0e+00;
	v10 =	vmul.f32 $1.906521540e-05, v4  }
0x11a: {  	v12 =	vsub.f32 $7.998575460e-03, v12;
	v20 =	vmul.f32 $1.477404440e-04, v5;
	v15 =	vadd.f32 $-1.344106860e-03, v15  }
0x11b: {  	vm11 =	vgt.f32 v21, $0.0e+00;
	v13 =	vmul.f32 $1.477404440e-04, v3;
	v10 =	vadd.f32 $-1.344106860e-03, v10  }
0x11c: {  	v22 =	vmul.f32 v12, v8;
	v12 =	vmul.f32 v15, v5;
	v15 =	vsub.f32 $7.998575460e-03, v20;
	v20 =	vld [tilespmem:s17+$0xA100]  }
0x11d: {  	vm12 =	vgt.f32 v19, $0.0e+00;
	vm13 =	vlt.f32 v19, $0.0e+00;
	v23 =	vmul.f32 $1.906521540e-05, v8  }
0x11e: {  	vm0 =	vmor vm11, vm8;
	v13 =	vsub.f32 $7.998575460e-03, v13;
	v10 =	vmul.f32 v10, v4  }
0x11f: {  	v17 =	vmul.f32 $1.906521540e-05, v3;
	v18 =	vadd.f32 $-1.658384350e-01, v22;
	v22 =	vand.u32 $0x80000000, v21  }
0x120: {  	v13 =	vmul.f32 v13, v3;
	v10 =	vadd.f32 $4.152230550e-02, v10;
	v22 =	vor.u32 v22, v0  }
0x121: {  	v27 =	vadd.f32 v20, v9;
	v9 =	vadd.f32 $-1.344106860e-03, v17;
	v17 =	vmul.f32 $1.591549370e-01, v16  }
0x122: {  	v22 =	vsel vm0, v22, v21;
	v10 =	vmul.f32 v10, v4;
	v12 =	vadd.f32 $4.152230550e-02, v12  }
0x123: {  	v24 =	vand.u32 $0x80000000, v17;
	vm9 =	vlt.f32 v17, $0.0e+00;
	vm10 =	vgt.f32 v17, $0.0e+00  }
0x124: {  	v22 =	vmul.f32 $5.000000000e-01, v22;
	v24 =	vor.u32 v24, v0;
	vm1 =	vmor vm10, vm9  }
0x125: {  	v15 =	vmul.f32 v15, v5;
	v12 =	vmul.f32 v12, v5;
	v24 =	vsel vm1, v24, v17  }
0x126: {  	v21 =	vadd.f32 v22, v21;
	v20 =	vand.u32 $0x80000000, v19;
	v24 =	vmul.f32 $5.000000000e-01, v24  }
0x127: {  	v20 =	vor.u32 v20, v0;
	v25 =	vmul.f32 $1.591549370e-01, v27;
	vm1 =	vmor vm12, vm13  }
0x128: {  	v22 =	vadd.f32 $-1.344106860e-03, v23;
	v20 =	vsel vm1, v20, v19;
	v17 =	vadd.f32 v24, v17  }
0x129: {  	vm14 =	vlt.f32 v25, $0.0e+00;
	vm15 =	vgt.f32 v25, $0.0e+00;
	v20 =	vmul.f32 $5.000000000e-01, v20  }
0x12a: {  	vm0 =	vmor vm15, vm14;
	v24 =	vand.u32 $0x80000000, v25;
	v17 =	vtrunc.f32 v17  }
0x12b: {  	v19 =	vadd.f32 v20, v19;
	v20 =	vor.u32 v24, v0;
	v17 =	vcvt.f32.s32 v17  }
0x12c: {  	v23 =	vmul.f32 v18, v8;
	v21 =	vtrunc.f32 v21;
	v20 =	vsel vm0, v20, v25  }
0x12d: {  	v20 =	vmul.f32 $5.000000000e-01, v20;
	v17 =	vcvt.s32.f32 v17  }
0x12e: {  	v10 =	vadd.f32 $-4.998376070e-01, v10;
	v21 =	vcvt.f32.s32 v21;
	v19 =	vtrunc.f32 v19  }
0x12f: {  	v19 =	vcvt.f32.s32 v19;
	v18 =	vadd.f32 v20, v25;
	v17 =	vmul.f32 $6.283185480e+00, v17  }
0x130: {  	v20 =	vcvt.s32.f32 v21;
	v21 =	vadd.f32 $-1.658384350e-01, v15;
	v15 =	vmul.f32 v22, v8  }
0x131: {  	v24 =	vtrunc.f32 v18;
	v18 =	vsub.f32 v16, v17;
	v16 =	vcvt.s32.f32 v19  }
0x132: {  	v13 =	vadd.f32 $-1.658384350e-01, v13;
	v17 =	vcvt.f32.s32 v24;
	v19 =	vmul.f32 $6.283185480e+00, v20  }
0x133: {  	v22 =	vadd.f32 $4.152230550e-02, v15;
	v24 =	vmul.f32 v10, v4;
	v16 =	vmul.f32 $6.283185480e+00, v16  }
0x134: {  	v15 =	vcvt.s32.f32 v17;
	v10 =	vsub.f32 v14, v19;
	v14 =	vmul.f32 $1.477404440e-04, v4  }
0x135: {  	v9 =	vmul.f32 v9, v3;
	v25 =	vadd.f32 $9.999710910e-01, v24;
	v17 =	vsub.f32 v11, v16  }
0x136: {  	v26 =	vmul.f32 v22, v8;
	v16 =	vmul.f32 $6.283185480e+00, v15;
	v24 =	vsub.f32 $7.998575460e-03, v14;
	v14 =	vld [tilespmem:s16+$0x2120]  }
0x137: {  	v15 =	vmul.f32 v10, v10;
	v11 =	vmul.f32 v17, v17  }
0x138: {  	v23 =	vadd.f32 $9.994501470e-01, v23;
	v22 =	vmul.f32 v13, v3;
	v20 =	vmul.f32 v18, v18  }
0x139: {  	s10 =	simm.s32 $0x200;
	s13 =	sadd.f32 $1.000000000e+00, s19;
	v16 =	vsub.f32 v27, v16;
	v19 =	vmul.f32 $1.906521540e-05, v15;
	v13 =	vmul.f32 $1.477404440e-04, v11  }
.LBB2_5:
0x13a: {  	s29 =	sshra.s32 s10, $0x2;
	v27 =	vmul.f32 $1.477404440e-04, v20  }
0x13b: {  	p0 =	sne.s32 s10, $0x7F00;
	s10 =	sadd.s32 $0x100, s10;
	v28 =	vadd.f32 $-4.998376070e-01, v12;
	v29 =	vld [tilespmem:s16+$0x2110];
	v12 =	vmul.f32 v25, v14;
	p1 =	sge.f32 s19, $5.000000000e+01;
	v24 =	vmul.f32 v24, v4  }
0x13c: {  	v26 =	vadd.f32 $-4.998376070e-01, v26;
	v32 =	vmul.f32 $1.906521540e-05, v11;
	v25 =	vld [tilespmem:s29+$0xA120];
	v30 =	vmul.f32 v16, v16  }
0x13d: {  	v19 =	vadd.f32 $-1.344106860e-03, v19;
	v31 =	vld [tilespmem:s29+$0xA130];
	s13 =	simm.s32 @p1 $0x3F800000  }
0x13e: {  	v35 =	vmul.f32 v21, v5;
	v33 =	vld [tilespmem:s29+$0x6130];
	v34 =	vmul.f32 $1.906521540e-05, v30;
	[tilespmem:s16+$0xE120] =	vst v12;
	v12 =	vadd.f32 $9.994501470e-01, v22  }
0x13f: {  	v27 =	vsub.f32 $7.998575460e-03, v27;
	v22 =	vmul.f32 $1.477404440e-04, v30;
	v21 =	vmul.f32 v19, v15;
	v36 =	vld [tilespmem:s29+$0x6120]  }
0x140: {  	v23 =	vmul.f32 v23, v7;
	v7 =	vmovc v18;
	v26 =	vmul.f32 v26, v8;
	v8 =	vmovc v20;
	s18 =	sadd.f32 $1.000000000e+00, s13;
	v19 =	vld [tilespmem:s29+$0x6110];
	v34 =	vadd.f32 $-1.344106860e-03, v34  }
0x141: {  	v35 =	vadd.f32 $9.994501470e-01, v35;
	v27 =	vmul.f32 v27, v8;
	v20 =	vsub.f32 $7.998575460e-03, v22;
	v18 =	vld [tilespmem:s29+$0x6100]  }
0x142: {  	v38 =	vmul.f32 $1.906521540e-05, v8;
	v26 =	vadd.f32 $9.999710910e-01, v26;
	v37 =	vld [tilespmem:s29+$0xA110];
	v34 =	vmul.f32 v34, v30  }
0x143: {  	v27 =	vadd.f32 $-1.658384350e-01, v27;
	v22 =	vmul.f32 v20, v30;
	v39 =	vld [tilespmem:s29+$0xA100];
	v33 =	vmul.f32 s13, v33  }
0x144: {  	v24 =	vadd.f32 $-1.658384350e-01, v24;
	v36 =	vmul.f32 s13, v36;
	v34 =	vadd.f32 $4.152230550e-02, v34  }
0x145: {  	v19 =	vmul.f32 s13, v19;
	v20 =	vadd.f32 v31, v33;
	v31 =	vmul.f32 v12, v2;
	v2 =	vmovc v17  }
0x146: {  	v18 =	vmul.f32 s13, v18;
	v17 =	vadd.f32 v25, v36;
	v12 =	vmul.f32 v34, v30  }
0x147: {  	v26 =	vmul.f32 v26, v29;
	v25 =	vadd.f32 v37, v19;
	v33 =	vmul.f32 $1.591549370e-01, v20  }
0x148: {  	v32 =	vadd.f32 $-1.344106860e-03, v32;
	v19 =	vadd.f32 v39, v18;
	v18 =	vmul.f32 $1.591549370e-01, v17  }
0x149: {  	v23 =	vmul.f32 v23, v29;
	v34 =	vmul.f32 $1.591549370e-01, v25;
	v36 =	vand.u32 $0x80000000, v33;
	v29 =	vld [tilespmem:s16+$0x2130]  }
0x14a: {  	v32 =	vmul.f32 v32, v11;
	v37 =	vand.u32 $0x80000000, v18;
	vm0 =	vlt.f32 v18, $0.0e+00;
	[tilespmem:s16+$0xE110] =	vst v26  }
0x14b: {  	v26 =	vand.u32 $0x80000000, v34;
	vm1 =	vlt.f32 v34, $0.0e+00;
	[tilespmem:s16+$0x12110] =	vst v23;
	v23 =	vadd.f32 $4.152230550e-02, v9  }
0x14c: {  	v35 =	vmul.f32 v35, v6;
	v37 =	vor.u32 v37, v0;
	v9 =	vmovc v32;
	v26 =	vor.u32 v26, v0  }
0x14d: {  	v24 =	vmul.f32 v24, v4;
	v4 =	vmovc v15;
	v6 =	vmovc v16;
	vm3 =	vgt.f32 v18, $0.0e+00;
	vm2 =	vgt.f32 v34, $0.0e+00  }
0x14e: {  	vm4 =	vgt.f32 v33, $0.0e+00;
	v15 =	vor.u32 v36, v0;
	v16 =	vmul.f32 v31, v29  }
0x14f: {  	vm0 =	vmor vm3, vm0;
	vm1 =	vmor vm2, vm1;
	v23 =	vmul.f32 v23, v3;
	v31 =	vld [tilespmem:s16+$0x2100]  }
0x150: {  	v28 =	vmul.f32 v28, v5;
	v5 =	vmovc v30;
	v26 =	vsel vm1, v26, v34;
	vm1 =	vlt.f32 v33, $0.0e+00;
	[tilespmem:s16+$0x12130] =	vst v16  }
0x151: {  	v30 =	vsel vm0, v37, v18;
	vm0 =	vmor vm4, vm1;
	v16 =	vmul.f32 $1.591549370e-01, v19  }
0x152: {  	v26 =	vmul.f32 $5.000000000e-01, v26;
	v15 =	vsel vm0, v15, v33;
	v23 =	vadd.f32 $-4.998376070e-01, v23  }
0x153: {  	v30 =	vmul.f32 $5.000000000e-01, v30;
	v32 =	vand.u32 $0x80000000, v16;
	vm0 =	vlt.f32 v16, $0.0e+00  }
0x154: {  	v26 =	vadd.f32 v26, v34;
	vm1 =	vgt.f32 v16, $0.0e+00;
	v34 =	vmul.f32 v35, v31  }
0x155: {  	v28 =	vadd.f32 $9.999710910e-01, v28;
	v15 =	vmul.f32 $5.000000000e-01, v15;
	v32 =	vor.u32 v32, v0  }
0x156: {  	v24 =	vadd.f32 $9.994501470e-01, v24;
	v18 =	vadd.f32 v30, v18;
	v26 =	vtrunc.f32 v26;
	[tilespmem:s16+$0x12100] =	vst v34  }
0x157: {  	v23 =	vmul.f32 v23, v3;
	v3 =	vmovc v11;
	v15 =	vadd.f32 v15, v33;
	v26 =	vcvt.f32.s32 v26  }
0x158: {  	v11 =	vtrunc.f32 v18;
	v18 =	vmul.f32 v24, v1;
	v1 =	vmovc v10;
	vm0 =	vmor vm1, vm0  }
0x159: {  	v23 =	vadd.f32 $9.999710910e-01, v23;
	v10 =	vsel vm0, v32, v16;
	v15 =	vtrunc.f32 v15  }
0x15a: {  	v14 =	vmul.f32 v18, v14;
	v24 =	vcvt.s32.f32 v26  }
0x15b: {  	v10 =	vmul.f32 $5.000000000e-01, v10;
	v26 =	vadd.f32 $-1.344106860e-03, v38;
	v18 =	vmul.f32 v23, v29  }
0x15c: {  	v21 =	vadd.f32 $4.152230550e-02, v21;
	v11 =	vcvt.f32.s32 v11;
	v23 =	vmul.f32 v27, v8;
	[tilespmem:s16+$0x12120] =	vst v14  }
0x15d: {  	v15 =	vcvt.f32.s32 v15;
	v10 =	vadd.f32 v10, v16;
	v14 =	vmul.f32 $6.283185480e+00, v24;
	[tilespmem:s16+$0xE130] =	vst v18  }
0x15e: {  	v13 =	vsub.f32 $7.998575460e-03, v13;
	v11 =	vcvt.s32.f32 v11;
	v16 =	vmul.f32 v28, v31  }
0x15f: {  	v10 =	vtrunc.f32 v10;
	v18 =	vsub.f32 v25, v14;
	v14 =	vmul.f32 v21, v4  }
0x160: {  	v15 =	vcvt.s32.f32 v15;
	v21 =	vadd.f32 $-1.658384350e-01, v22;
	v22 =	vmul.f32 v26, v8;
	[tilespmem:s16+$0xE100] =	vst v16;
	s16 =	smov.u32 s17;
	s17 =	smov.u32 s29  }
0x161: {  	v13 =	vmul.f32 v13, v3;
	v10 =	vcvt.f32.s32 v10;
	v14 =	vadd.f32 $-4.998376070e-01, v14  }
0x162: {  	v11 =	vmul.f32 $6.283185480e+00, v11;
	v15 =	vmul.f32 $6.283185480e+00, v15;
	v16 =	vadd.f32 $4.152230550e-02, v22  }
0x163: {  	v13 =	vadd.f32 $-1.658384350e-01, v13;
	v22 =	vcvt.s32.f32 v10;
	v24 =	vmul.f32 v14, v4  }
.Ltmp1:
0x164: {  	v26 =	vmul.f32 $1.477404440e-04, v4;
	v10 =	vsub.f32 v17, v11;
	v17 =	vsub.f32 v20, v15;
	v14 =	vld [tilespmem:s16+$0x2120];
	(pc) =	sbr.rel @p0 .LBB2_5-.Ltmp1, $4  }
0x165: {  	v20 =	vmul.f32 v18, v18;
	v27 =	vmul.f32 $6.283185480e+00, v22;
	v25 =	vadd.f32 $9.999710910e-01, v24  }
0x166: {  	v15 =	vmul.f32 v10, v10;
	v11 =	vmul.f32 v17, v17;
	v24 =	vsub.f32 $7.998575460e-03, v26  }
0x167: {  	v23 =	vadd.f32 $9.994501470e-01, v23;
	v22 =	vmul.f32 v13, v3;
	v26 =	vmul.f32 v16, v8  }
0x168: {  	s19 =	smov.u32 s13;
	s13 =	smov.u32 s18;
	v16 =	vsub.f32 v19, v27;
	v19 =	vmul.f32 $1.906521540e-05, v15;
	v13 =	vmul.f32 $1.477404440e-04, v11  }
0x169: {  	v26 =	vadd.f32 $-4.998376070e-01, v26;
	v25 =	vmul.f32 v25, v14;
	v36 =	vmul.f32 $1.477404440e-04, v20  }
0x16a: {  	v27 =	vld [tilespmem:s16+$0x2110];
	v7 =	vmul.f32 v23, v7;
	v37 =	vmul.f32 v24, v4;
	v12 =	vadd.f32 $-4.998376070e-01, v12  }
0x16b: {  	v9 =	vadd.f32 $4.152230550e-02, v9;
	v21 =	vmul.f32 v21, v5;
	v41 =	vmul.f32 $1.906521540e-05, v11  }
0x16c: {  	v46 =	vmul.f32 $1.906521540e-05, v20;
	v58 =	vmul.f32 $1.477404440e-04, v15;
	v23 =	vadd.f32 $-1.658384350e-01, v37  }
0x16d: {  	v38 =	vld [tilespmem:s16+$0x2130];
	v43 =	vadd.f32 $9.994501470e-01, v22;
	v39 =	vmul.f32 v16, v16;
	v8 =	vmul.f32 v26, v8  }
0x16e: {  	v40 =	vadd.f32 $-1.344106860e-03, v19;
	v42 =	vmul.f32 v9, v3;
	v44 =	vmul.f32 v23, v4  }
0x16f: {  	v45 =	vld [tilespmem:s16+$0x2100];
	v21 =	vadd.f32 $9.994501470e-01, v21;
	v8 =	vadd.f32 $9.999710910e-01, v8;
	v7 =	vmul.f32 v7, v27  }
0x170: {  	v2 =	vmul.f32 v43, v2;
	v47 =	vmul.f32 v12, v5;
	v4 =	vadd.f32 $9.994501470e-01, v44  }
0x171: {  	v6 =	vmul.f32 v21, v6;
	v8 =	vmul.f32 v8, v27;
	[tilespmem:s16+$0x12110] =	vst v7;
	v7 =	vadd.f32 $-4.998376070e-01, v42  }
0x172: {  	v2 =	vmul.f32 v2, v38;
	v1 =	vmul.f32 v4, v1  }
0x173: {  	v48 =	vadd.f32 $-1.344106860e-03, v46;
	[tilespmem:s16+$0xE110] =	vst v8;
	v8 =	vmul.f32 v40, v15;
	v3 =	vmul.f32 v7, v3  }
0x174: {  	[tilespmem:s16+$0xE120] =	vst v25;
	v5 =	vadd.f32 $9.999710910e-01, v47;
	v6 =	vmul.f32 v6, v45;
	v1 =	vmul.f32 v1, v14  }
0x175: {  	[tilespmem:s16+$0x12130] =	vst v2;
	v4 =	vmul.f32 v48, v20;
	v2 =	vadd.f32 $4.152230550e-02, v8;
	v3 =	vadd.f32 $9.999710910e-01, v3  }
0x176: {  	v56 =	vsub.f32 $7.998575460e-03, v13;
	v50 =	vsub.f32 $7.998575460e-03, v36;
	[tilespmem:s16+$0x12120] =	vst v1;
	v1 =	vmul.f32 v5, v45  }
0x177: {  	[tilespmem:s16+$0x12100] =	vst v6;
	v4 =	vadd.f32 $4.152230550e-02, v4;
	v2 =	vmul.f32 v2, v15;
	v3 =	vmul.f32 v3, v38  }
0x178: {  	v59 =	vadd.f32 $-1.344106860e-03, v41;
	v49 =	vmul.f32 $1.906521540e-05, v39;
	[tilespmem:s16+$0xE100] =	vst v1  }
0x179: {  	v51 =	vmul.f32 $1.477404440e-04, v39;
	v1 =	vadd.f32 $-4.998376070e-01, v2;
	v2 =	vmul.f32 v4, v20;
	[tilespmem:s16+$0xE130] =	vst v3  }
0x17a: {  	v9 =	vsub.f32 $7.998575460e-03, v58;
	v52 =	vmul.f32 v50, v20;
	v12 =	vmul.f32 v59, v11;
	v55 =	vld [tilespmem:s17+$0x2120]  }
0x17b: {  	v53 =	vsub.f32 $7.998575460e-03, v51;
	v1 =	vmul.f32 v1, v15;
	v2 =	vadd.f32 $-4.998376070e-01, v2  }
0x17c: {  	v54 =	vadd.f32 $-1.658384350e-01, v52;
	v61 =	vadd.f32 $4.152230550e-02, v12;
	v7 =	vmul.f32 v56, v11;
	v57 =	vld [tilespmem:s17+$0x2110]  }
0x17d: {  	v3 =	vadd.f32 $-1.344106860e-03, v49;
	v1 =	vadd.f32 $9.999710910e-01, v1;
	v2 =	vmul.f32 v2, v20  }
0x17e: {  	v7 =	vadd.f32 $-1.658384350e-01, v7;
	v5 =	vmul.f32 v54, v20;
	v4 =	vmul.f32 v53, v39  }
0x17f: {  	v3 =	vmul.f32 v3, v39;
	v2 =	vadd.f32 $9.999710910e-01, v2;
	v1 =	vmul.f32 v1, v55  }
0x180: {  	v9 =	vmul.f32 v9, v15;
	v5 =	vadd.f32 $9.994501470e-01, v5;
	v4 =	vadd.f32 $-1.658384350e-01, v4  }
0x181: {  	v3 =	vadd.f32 $4.152230550e-02, v3;
	[tilespmem:s17+$0xE120] =	vst v1;
	v1 =	vmul.f32 v2, v57;
	v2 =	vmul.f32 v7, v11  }
0x182: {  	v9 =	vadd.f32 $-1.658384350e-01, v9;
	v5 =	vmul.f32 v5, v18;
	v4 =	vmul.f32 v4, v39  }
0x183: {  	v60 =	vld [tilespmem:s17+$0x2130];
	v3 =	vmul.f32 v3, v39;
	[tilespmem:s17+$0xE110] =	vst v1;
	v1 =	vadd.f32 $9.994501470e-01, v2;
	v2 =	vmul.f32 v61, v11  }
0x184: {  	v62 =	vmul.f32 v9, v15;
	v63 =	vld [tilespmem:s17+$0x2100];
	v4 =	vadd.f32 $9.994501470e-01, v4;
	v5 =	vmul.f32 v5, v57  }
0x185: {  	v3 =	vadd.f32 $-4.998376070e-01, v3;
	v2 =	vadd.f32 $-4.998376070e-01, v2  }
0x186: {  	v4 =	vmul.f32 v4, v16;
	[tilespmem:s17+$0x12110] =	vst v5;
	v5 =	vadd.f32 $9.994501470e-01, v62;
	v1 =	vmul.f32 v1, v17  }
0x187: {  	v3 =	vmul.f32 v3, v39;
	v2 =	vmul.f32 v2, v11  }
0x188: {  	v5 =	vmul.f32 v5, v10;
	v1 =	vmul.f32 v1, v60  }
0x189: {  	v4 =	vmul.f32 v4, v63;
	v2 =	vadd.f32 $9.999710910e-01, v2  }
0x18a: {  	[tilespmem:s17+$0x12130] =	vst v1;
	v1 =	vadd.f32 $9.999710910e-01, v3;
	v3 =	vmul.f32 v5, v55  }
0x18b: {  	s0 =	sadd.s32 $0x1, s0;
	[tilespmem:s17+$0x12100] =	vst v4;
	v2 =	vmul.f32 v2, v60  }
0x18c: {  	s2 =	sshll.u32 s2, $0x3;
	p0 =	sne.s32 s0, $0x19;
	[tilespmem:s17+$0x12120] =	vst v3;
	v1 =	vmul.f32 v1, v63  }
.Ltmp2:
0x18d: {  	s2 =	sand.u32 $0x1FFFFC00, s2;
	[tilespmem:s17+$0xE130] =	vst v2;
	(pc) =	sbr.rel @p0 .LBB2_2-.Ltmp2, $4  }
0x18e: {  	s10 =	sadd.s32 s1, s2;
	[tilespmem:s17+$0xE100] =	vst v1  }
0x18f: {  	[hbm4b:s10+s4] =	stream.linear.scatter [tilespmem:s26], [sflag:$0x4], $0x2000, $0x38;
	[tilespmem:$0x14100] =	vst v63  }
0x190: {  	s2 =	sadd.s32 s3, s2  }
0x191: {  	[hbm4b:s2+s4] =	stream.linear.scatter [tilespmem:s28], [sflag:$0x4], $0x2000, $0x38;
	[tilespmem:$0x14100] =	vst v63  }
0x192: {  	s0 =	simm.s32 $0x3  }
0x193: {  	_ =	swait.ge [sflag:s0], $0x2000  }
0x194: {  	[sflag:s0] =	ssyncset.done $0x0  }
0x195: {  	[sflag:s0] =	ssyncadd.s32 $0xFFFFE000  }
0x196: {  	_ =	swait.ge [sflag:s0], $0x2000  }
0x197: {  	[sflag:s0] =	ssyncset.done $0x0  }
0x198: {  	s2 =	simm.s32 $0x4;
	[sflag:s0] =	ssyncadd.s32 $0xFFFFE000  }
0x199: {  	_ =	swait.ge [sflag:s2], $0x2000  }
0x19a: {  	[sflag:s2] =	ssyncset.done $0x0  }
0x19b: {  	[sflag:s2] =	ssyncadd.s32 $0xFFFFE000  }
0x19c: {  	_ =	swait.ge [sflag:s2], $0x2000  }
0x19d: {  	s10 =	rddreg [dreg:$0x6]  }
0x19e: {  	s31 =	rddreg [dreg:$0x5];
	s10 =	sadd.s32 $0x1, s10  }
0x19f: {  	p0 =	sne.s32 s10, s31  }
.Ltmp3:
0x1a0: {  	_ = 	snop;
	(pc) =	sbr.rel @p0 .LBB2_1-.Ltmp3, $3  }
0x1a1: {  	_ =	sdelay $0x1  }
0x1a2: {  	[sflag:s2] =	ssyncset.done $0x0  }
0x1a3: {  	[sflag:s2] =	ssyncadd.s32 $0xFFFFE000  }
0x1a4: {  	_ =	sfence.sel $0x180000  }
0x1a5: {  	[bflag:$0x0] =	sbarrier.arrive $0xFFFF  }
0x1a6: {  	_ =	strace $0x90000047  }
0x1a7: {  	s0 =	stileid.u32;
	[bflag:$0x2] =	sbarrier.arrive $0xFFFF  }
0x1a8: {  	p0 =	sne.s32 s0, $0x0;
	s0 =	rddreg [dreg:$0x3]  }
0x1a9: {  	s0 =	sadd.s32 @!p0 $0x100000, s0  }
0x1aa: {  	[sflag:s0] =	ssyncadd.tile.s32 @!p0 $0x1;
	_ =	shalt  }
.Lfunc_end2:
_tile_overlayer_lowered:
.L_overlay_start_2:
0x1ab: {  	(tag) =	ssettag $0x2  }
0x1ac: {  	s0 =	rddreg [dreg:$0x0];
	s2 =	stileid.u32  }
0x1ad: {  	s1 =	rddreg [dreg:$0x1];
	p0 =	sne.s32 s2, $0x0  }
0x1ae: {  	s3 =	rddreg [dreg:$0x2];
	[bflag:$0x3] =	sbarrier.arrive $0xFFFF;
	s2 =	simm.s32 @!p0 $0x1C05  }
0x1af: {  	[timem:s3], [sflag:s2] =	dma.local @!p0 [hbm:s0], s1  }
0x1b0: {  	s0 =	simm.s32 @!p0 $0x5  }
0x1b1: {  	_ =	swait.ge @!p0 [sflag:s0], s1  }
0x1b2: {  	s1 =	ssub.s32 @!p0 $0x0, s1;
	[sflag:s0] =	ssyncset.done @!p0 $0x0  }
0x1b3: {  	[sflag:s0] =	ssyncadd.s32 @!p0 s1  }
0x1b4: {  	[bflag:$0x3] =	sbarrier.arrive $0xFFFF  }
0x1b5: {  	_ =	shalt  }

// kernel: sparse-core-data-format-call.1.cloned.1.call-start
scs
called_computation.1_lowered:
.L_overlay_start_0:
0x0: {  	s2 =	sld [smem:$0x3FD9]  }
0x1: {  	s3 =	sld [smem:$0x3FFE];
	_ =	sdelay $0x1  }
0x2: {  	s1 =	srdreg.scid  }
0x3: {  	s0 =	sand.u32 $0x1, s1  }
0x4: {  	s16 =	sshll.u32 s0, $0xA;
	s2 =	sadd.s32 s3, s2  }
0x5: {  	s2 =	sadd.s32 s2, s16  }
0x6: {  	[smem:$0x3FC4] =	sst s2  }
0x7: {  	_ = 	snop  }
0x8: {  	s2 =	sld [smem:$0x3FD0];
	_ =	sdelay $0x2  }
0x9: {  	s17 =	simm.s32 $0xB;
	s4 =	simm.s32 $0x10  }
0xa: {  	[smem:s4], [sflag:s17] =	dma.local [hbm:s2], $0x1  }
0xb: {  	_ =	swait.eq [sflag:s17], $0x1  }
0xc: {  	[sflag:s17] =	ssyncset.done $0x0  }
0xd: {  	[sflag:s17] =	ssyncadd.s32 $0xFFFFFFFF  }
0xe: {  	s18 =	sld [smem:$0x10];
	(tm) =	ssettm $0x1  }
0xf: {  	s19 =	sld [smem:$0x3FFB];
	_ =	sdelay $0x3  }
0x10: {  	_ =	strace s19  }
0x11: {  	s2 =	sld [smem:$0x3FFC];
	_ =	sdelay $0x3  }
0x12: {  	_ =	strace s2  }
0x13: {  	s2 =	sld [smem:$0x3FFD];
	_ =	sdelay $0x3  }
0x14: {  	_ =	strace s2  }
0x15: {  	_ =	strace $0x8FFFFFFF  }
0x16: {  	s20 =	sld [smem:$0x3FDB];
	_ =	sdelay $0x1  }
0x17: {  	s21 =	simm.s32 $_scs_section_size  }
0x18: {  	s5 =	simm.s32 $_size__tile_overlayer_lowered;
	s6 =	simm.s32 $_tile_overlayer_lowered  }
0x19: {  	s7 =	simm.s32 $0x1BFF;
	s22 =	sshll.u32 s6, $0x1;
	s4 =	sadd.s32 s21, s20  }
0x1a: {  	s23 =	simm.s32 $0x0;
	s5 =	sshll.u32 s5, $0x1;
	s6 =	sadd.s32 s22, s4  }
0x1b: {  	[timem:s23], [sflag:s7] =	dma.local [hbm:s6], s5  }
0x1c: {  	_ =	swait.ge [sflag:s7], s5  }
0x1d: {  	s5 =	ssub.s32 $0x0, s5;
	[sflag:s7] =	ssyncset.done $0x0  }
0x1e: {  	[sflag:s7] =	ssyncadd.s32 s5;
	_ =	sdelay $0x1  }
0x1f: {  	s24 =	simm.s32 $0x1B8B  }
0x20: {  	_ =	swait.ge [sflag:s24], $0x1  }
0x21: {  	[sflag:s24] =	ssyncset.done $0x0  }
0x22: {  	[sflag:s24] =	ssyncadd.s32 $0xFFFFFFFF  }
0x23: {  	s5 =	sld [smem:$0x0]  }
0x24: {  	s6 =	sand.u32 $0xFFFFFFFE, s1  }
0x25: {  	p0 =	sne.s32 s1, s6  }
0x26: {  	s6 =	sshll.u32 @p0 s6, $0xE  }
0x27: {  	s6 =	sadd.s32 @p0 $0x11B8D, s6;
	s7 =	sshll.u32 @p0 s5, $0x11  }
0x28: {  	s6 =	sor.u32 @p0 s7, s6  }
0x29: {  	[sflag:s6] =	ssyncadd.remote.s32 @p0 $0x1;
	_ =	sdelay $0x1  }
0x2a: {  	s6 =	simm.s32 @p0 $0x1B8D  }
0x2b: {  	_ =	swait.eq @p0 [sflag:s6], $0x1  }
0x2c: {  	[sflag:s6] =	ssyncadd.s32 @p0 $0xFFFFFFFF  }
0x2d: {  	s7 =	sshll.u32 @!p0 s1, $0xE  }
0x2e: {  	s7 =	sor.u32 @!p0 $0x4000, s7;
	s6 =	simm.s32 @!p0 $0x1B8D  }
0x2f: {  	s5 =	sshll.u32 @!p0 s5, $0x11;
	s7 =	sadd.s32 @!p0 $0x11B8D, s7;
	_ =	swait.eq @!p0 [sflag:s6], $0x1  }
0x30: {  	s5 =	sor.u32 @!p0 s5, s7;
	[sflag:s6] =	ssyncadd.s32 @!p0 $0xFFFFFFFF  }
0x31: {  	s26 =	simm.s32 $0x1B8E;
	s25 =	sld [smem:$0x3FFE];
	[sflag:s5] =	ssyncadd.remote.s32 @!p0 $0x1  }
0x32: {  	s27 =	simm.s32 $execute0_lowered;
	[smem:$0x3FD2] =	sst s26  }
0x33: {  	s6 =	sshll.u32 s27, $0x1;
	_ =	strace $0x8000004C;
	[dreg:$0x1] =	wrdreg $0xFFFFFFFF  }
0x34: {  	s28 =	simm.s32 $_size_execute0_lowered;
	s4 =	sadd.s32 s4, s6;
	[dreg:$0x0] =	wrdreg $0x0  }
0x35: {  	s6 =	sshll.u32 s28, $0x1;
	[dreg:$0x2] =	wrdreg s4  }
0x36: {  	[dreg:$0x3] =	wrdreg s6  }
0x37: {  	[dreg:$0x4] =	wrdreg $0xC0  }
0x38: {  	_ =	task [dreg:s23], $0x5FFFF  }
0x39: {  	[dreg:$0x1] =	wrdreg $0xFFFFFFFF  }
0x3a: {  	[dreg:$0x0] =	wrdreg $0x60  }
0x3b: {  	[dreg:$0x2] =	wrdreg s25  }
0x3c: {  	[dreg:$0x3] =	wrdreg s18  }
0x3d: {  	[dreg:$0x4] =	wrdreg $0xA  }
0x3e: {  	_ =	task.clear_ibuf [dreg:s23], $0x5FFFF;
	_ =	strace $0x9000004C  }
0x3f: {  	s29 =	simm.s32 $0xA;
	_ =	strace $0x8000004E  }
0x40: {  	_ =	swait.ge [sflag:s29], $0x1  }
0x41: {  	[sflag:s29] =	ssyncadd.s32 $0xFFFFFFFF  }
0x42: {  	_ =	strace $0x9000004E  }
0x43: {  	_ =	sfence  }
0x44: {  	s30 =	sld [smem:$0x0];
	_ =	sdelay $0x2  }
0x45: {  	s31 =	sshll.u32 s1, $0xD;
	s1 =	sshrl.u32 s1, $0x2  }
0x46: {  	s4 =	sand.u32 $0x4000, s31;
	s1 =	sadd.s32 s1, s30  }
0x47: {  	s0 =	sor.u32 s4, s0;
	s1 =	sshll.u32 s1, $0x11  }
0x48: {  	s0 =	sor.u32 s1, s0  }
0x49: {  	s0 =	sadd.s32 $0x8F2B, s0  }
0x4a: {  	[sflag:s0] =	ssyncadd.remote.s32 $0x1  }
0x4b: {  	_ =	sfence.sel $0xFFFF  }
0x4c: {  	[dreg:$0x0] =	wrdreg $0xFFFFFFFF;
	(pc) =	sbr.abs _section_cstart, $3  }
0x4d: {  	[dreg:$0x1] =	wrdreg $0xFFFFFFFF  }
0x4e: {  	_ =	task.clear_ibuf [dreg:s23], $0x2FFFF;
	_ =	strace $0x9FFFFFFF  }
0x4f: {  	(tm) =	ssettm $0x7FFFFFFF  }
tec
execute0_lowered:
.L_overlay_start_1:
0x0: {  	(tag) =	ssettag $0x1  }
0x1: {  	s0 =	srdreg.scid  }
0x2: {  	s1 =	sshll.u32 s0, $0x4  }
0x3: {  	s0 =	stileid.u32;
	s1 =	sand.u32 $0x10, s1  }
0x4: {  	s1 =	sor.u32 s0, s1  }
0x5: {  	s6 =	rddreg [dreg:$0x0];
	s4 =	simm.s32 $0x1;
	s2 =	sshll.u32 s1, $0x7  }
0x6: {  	s7 =	simm.s32 $0x2;
	s12 =	simm.s32 $0x0;
	s1 =	ssub.s32 $0x1000, s2  }
0x7: {  	s8 =	simm.s32 $0x8000;
	s13 =	simm.s32 $0x0;
	s3 =	sand.u32 $0xF80, s1  }
0x8: {  	s9 =	simm.s32 $0x0;
	s5 =	sshrl.u32 s1, $0xC;
	p0 =	sne.s32 s3, $0x0  }
.Ltmp0:
0x9: {  	s1 =	rddreg [dreg:$0x2];
	s4 =	simm.s32 @!p0 $0x0;
	(pc) =	sbr.rel .LBB1_1-.Ltmp0, $4  }
0xa: {  	s11 =	simm.s32 $0x0;
	s3 =	rddreg [dreg:$0x1];
	s5 =	sadd.s32 s4, s5  }
0xb: {  	_ =	strace $0x8000004D;
	s4 =	simm.s32 $0x1;
	s5 =	smul.u32 $0x32, s5  }
0xc: {  	s6 =	sadd.s32 $0x382C00, s6;
	s10 =	smov.u32 s2;
	[sflag:s4] =	ssyncpa.u1 $0x0  }
0xd: {  	p0 =	por $0x0, $0x0;
	[sflag:s7] =	ssyncpa.u1 $0x0;
	s7 =	sor.u32 $0x1, s5  }
.LBB1_4:
0xe: {  	s16 =	sshll.u32 s13, $0x3;
	s17 =	sand.u32 $0x78, s13  }
0xf: {  	s30 =	sand.u32 $0x7E00, s13;
	s12 =	sshll.u32 s12, $0xF;
	s16 =	sand.u32 $0xC00, s16  }
0x10: {  	[tilespmem:s15+$0x810 ss:$0x81] =	vst.msk $0xffff, v2;
	s31 =	sand.u32 $0x7, s13;
	s16 =	sor.u32 s17, s16;
	s17 =	sadd.s32 s3, s30  }
0x11: {  	[tilespmem:s15+$0x1020 ss:$0x81] =	vst.msk $0xffff, v0;
	s13 =	sshll.u32 s31, $0x12;
	s12 =	sadd.s32 s12, s17;
	s16 =	sshrl.u32 s16, $0x3  }
0x12: {  	[tilespmem:s15+$0x0 ss:$0x81] =	vst.msk $0xffff, v1;
	s13 =	sor.u32 $0x400, s13;
	s12 =	sadd.s32 s16, s12  }
0x13: {  	[hbm4b:s12+s13] =	stream.strided.scatter [tilespmem:s14], [sflag:$0x2], $0x2000, s8, s13, $0x20;
	[tilespmem:$0x8080] =	vst v63  }
.LBB1_5:
0x14: {  	s14 =	sadd.s32 $0x1, s9  }
0x15: {  	s12 =	sadd.s32 $0x1000, s10;
	s16 =	smov.u32 s10;
	p2 =	sgt.s32 s14, $0x31  }
0x16: {  	s16 =	smov.u32 @p2 s12  }
0x17: {  	s14 =	simm.s32 @p2 $0x0;
	p2 =	sgt.s32 s16, $0xFFF  }
0x18: {  	s16 =	smov.u32 @p2 s2;
	p2 =	sne.s32 s11, s7  }
.Ltmp1:
0x19: {  	p1 =	slt.u32 s11, $0x2;
	(pc) =	sbr.rel @!p2 .LBB1_6-.Ltmp1, $4  }
0x1a: {  	s15 =	simm.s32 @!p1 $0x2  }
0x1b: {  	s13 =	smov.u32 s10;
	p0 =	por !p0, !p0;
	_ =	swait.ge @!p1 [sflag:s15], $0x2000  }
0x1c: {  	s12 =	smov.u32 s9;
	[sflag:s15] =	ssyncset.done @!p1 $0x0;
	s9 =	smov.u32 s14  }
0x1d: {  	s11 =	sadd.s32 $0x1, s11;
	[sflag:s15] =	ssyncadd.s32 @!p1 $0xFFFFE000;
	s10 =	smov.u32 s16  }
.LBB1_1:
0x1e: {  	p1 =	sge.u32 s11, s5  }
0x1f: {  	s14 =	sand.u32 @!p1 $0x1FFFFFF, s9  }
0x20: {  	s15 =	smulhi.u32 @!p1 $0x4924925, s14;
	_ =	sdelay $0x1  }
0x21: {  	s15 =	smul.u32 @!p1 $0x38, s15  }
0x22: {  	s16 =	sxor.u32 @!p1 $0xFFFFFFFF, s11;
	s17 =	smul.u32 @!p1 $0x380, s10  }
0x23: {  	s31 =	sadd.s32 $0xFFFFFFFF, s11;
	s16 =	sshll.u32 @!p1 s16, $0xD;
	s14 =	ssub.s32 @!p1 s14, s15  }
0x24: {  	s15 =	sand.u32 @!p1 $0x2000, s16;
	s16 =	sadd.s32 @!p1 s6, s17;
	s14 =	sshll.u32 @!p1 s14, $0x4  }
0x25: {  	s17 =	simm.s32 @!p1 $0x1C00;
	s14 =	sadd.s32 @!p1 s14, s16;
	s16 =	simm.s32 @!p1 $0x40  }
0x26: {  	[tilespmem:s15], [sflag:$0x1] =	stream.strided.gather @!p1 [hbm4b:s14+s16], $0x2000, s17, s16, $0x38;
	[tilespmem:$0x8080] =	vst v63  }
0x27: {  	p1 =	sge.u32 s31, s5  }
.Ltmp2:
0x28: {  	_ = 	snop;
	(pc) =	sbr.rel @p1 .LBB1_5-.Ltmp2, $1  }
0x29: {  	_ =	sdelay $0x3  }
0x2a: {  	s14 =	simm.s32 $0x1  }
0x2b: {  	_ =	swait.ge [sflag:s4], $0x2000;
	s14 =	simm.s32 @!p0 $0x0  }
0x2c: {  	[sflag:s4] =	ssyncset.done $0x0;
	s15 =	sshll.u32 s14, $0xD  }
0x2d: {  	[sflag:s4] =	ssyncadd.s32 $0xFFFFE000;
	s18 =	sor.u32 $0x20, s15  }
0x2e: {  	s14 =	smul.u32 $0x8100, s14;
	v3 =	vld [tilespmem:s18+$0x10]  }
0x2f: {  	s30 =	sand.u32 $0x1, s11;
	v2 =	vld [tilespmem:s18+$0xFFFFFFF0]  }
0x30: {  	s15 =	smul.u32 $0x8100, s30;
	s14 =	sshrl.u32 s14, $0x2;
	v0 =	vld [tilespmem:s18+$0x0]  }
0x31: {  	v1 =	vld [tilespmem:s18+$0xFFFFFFE0];
	s16 =	sor.u32 $0x4000, s14  }
0x32: {  	s31 =	sshrl.u32 s15, $0x2;
	s15 =	sadd.s32 $0x0, s16  }
0x33: {  	s17 =	simm.s32 $0x4;
	s18 =	sadd.s32 $0x40, s18;
	s14 =	sor.u32 $0x4000, s31;
	[tilespmem:s15+$0x1830 ss:$0x81] =	vst.msk $0xffff, v3  }
.LBB1_3:
0x34: {  	v3 =	vld [tilespmem:s18+$0x10];
	p1 =	sne.s32 s17, $0x1FC;
	[tilespmem:s15+$0x810 ss:$0x81] =	vst.msk $0xffff, v2;
	s19 =	smov.u32 s17;
	s17 =	sadd.s32 $0x4, s17  }
.Ltmp3:
0x35: {  	v2 =	vld [tilespmem:s18+$0xFFFFFFF0];
	[tilespmem:s15+$0x1020 ss:$0x81] =	vst.msk $0xffff, v0;
	(pc) =	sbr.rel @p1 .LBB1_3-.Ltmp3, $4  }
0x36: {  	v0 =	vld [tilespmem:s18+$0x0];
	[tilespmem:s15+$0x0 ss:$0x81] =	vst.msk $0xffff, v1  }
0x37: {  	s15 =	sshra.s32 s19, $0x2;
	v1 =	vld [tilespmem:s18+$0xFFFFFFE0]  }
0x38: {  	s15 =	sadd.s32 s15, s16  }
0x39: {  	s18 =	sadd.s32 $0x40, s18;
	[tilespmem:s15+$0x1830 ss:$0x81] =	vst.msk $0xffff, v3  }
.Ltmp4:
0x3a: {  	_ = 	snop;
	(pc) =	sbr.rel .LBB1_4-.Ltmp4, $1  }
0x3b: {  	_ =	sdelay $0x3  }
.LBB1_6:
0x3c: {  	_ =	sfence.sel $0x180000  }
0x3d: {  	s2 =	simm.s32 $0x1;
	[bflag:$0x0] =	sbarrier.arrive $0xFFFF  }
0x3e: {  	s31 =	simm.s32 $0x2;
	[sflag:s2] =	ssyncpa.u1 $0x1  }
0x3f: {  	[sflag:s31] =	ssyncpa.u1 $0x1  }
0x40: {  	p0 =	sne.s32 s0, $0x0;
	_ =	strace $0x9000004D  }
0x41: {  	s0 =	sadd.s32 @!p0 $0x100000, s1;
	[bflag:$0x2] =	sbarrier.arrive $0xFFFF  }
0x42: {  	[sflag:s0] =	ssyncadd.tile.s32 @!p0 $0x1;
	_ =	shalt  }
.Lfunc_end1:
_tile_overlayer_lowered:
.L_overlay_start_2:
0x43: {  	(tag) =	ssettag $0x2  }
0x44: {  	s0 =	rddreg [dreg:$0x0];
	s2 =	stileid.u32  }
0x45: {  	s1 =	rddreg [dreg:$0x1];
	p0 =	sne.s32 s2, $0x0  }
0x46: {  	s3 =	rddreg [dreg:$0x2];
	[bflag:$0x3] =	sbarrier.arrive $0xFFFF;
	s2 =	simm.s32 @!p0 $0x1C01  }
0x47: {  	[timem:s3], [sflag:s2] =	dma.local @!p0 [hbm:s0], s1  }
0x48: {  	s0 =	simm.s32 @!p0 $0x1  }
0x49: {  	_ =	swait.ge @!p0 [sflag:s0], s1  }
0x4a: {  	s1 =	ssub.s32 @!p0 $0x0, s1;
	[sflag:s0] =	ssyncset.done @!p0 $0x0  }
0x4b: {  	[sflag:s0] =	ssyncadd.s32 @!p0 s1  }
0x4c: {  	[bflag:$0x3] =	sbarrier.arrive $0xFFFF  }
0x4d: {  	_ =	shalt  }

// kernel: sparse-core-data-format-call.cloned.1.call-start
scs
called_computation_lowered:
.L_overlay_start_0:
0x0: {  	s2 =	sld [smem:$0x3FD9]  }
0x1: {  	s3 =	sld [smem:$0x3FFE];
	_ =	sdelay $0x1  }
0x2: {  	s1 =	srdreg.scid  }
0x3: {  	s0 =	sand.u32 $0x1, s1  }
0x4: {  	s15 =	sshll.u32 s0, $0xA;
	s2 =	sadd.s32 s3, s2  }
0x5: {  	s2 =	sadd.s32 s2, s15  }
0x6: {  	[smem:$0x3FC4] =	sst s2  }
0x7: {  	_ = 	snop  }
0x8: {  	s2 =	sld [smem:$0x3FD0];
	_ =	sdelay $0x2  }
0x9: {  	s16 =	simm.s32 $0xB;
	s4 =	simm.s32 $0x10  }
0xa: {  	[smem:s4], [sflag:s16] =	dma.local [hbm:s2], $0x1  }
0xb: {  	_ =	swait.eq [sflag:s16], $0x1  }
0xc: {  	[sflag:s16] =	ssyncset.done $0x0  }
0xd: {  	[sflag:s16] =	ssyncadd.s32 $0xFFFFFFFF  }
0xe: {  	s17 =	sld [smem:$0x11];
	(tm) =	ssettm $0x1  }
0xf: {  	s18 =	sld [smem:$0x3FFB];
	_ =	sdelay $0x3  }
0x10: {  	_ =	strace s18  }
0x11: {  	s3 =	sld [smem:$0x3FFC];
	_ =	sdelay $0x3  }
0x12: {  	_ =	strace s3  }
0x13: {  	s3 =	sld [smem:$0x3FFD];
	_ =	sdelay $0x3  }
0x14: {  	_ =	strace s3  }
0x15: {  	_ =	strace $0x8FFFFFFF  }
0x16: {  	s19 =	sld [smem:$0x3FDB];
	_ =	sdelay $0x1  }
0x17: {  	s20 =	simm.s32 $_scs_section_size  }
0x18: {  	s5 =	simm.s32 $_size__tile_overlayer_lowered;
	s6 =	simm.s32 $_tile_overlayer_lowered  }
0x19: {  	s23 =	simm.s32 $0x1BFF;
	s22 =	sshll.u32 s6, $0x1;
	s3 =	sadd.s32 s20, s19  }
0x1a: {  	s7 =	simm.s32 $0x0;
	s21 =	sshll.u32 s5, $0x1;
	s5 =	sadd.s32 s22, s3  }
0x1b: {  	[timem:s7], [sflag:s23] =	dma.local [hbm:s5], s21  }
0x1c: {  	_ =	swait.ge [sflag:s23], s21  }
0x1d: {  	s4 =	ssub.s32 $0x0, s21;
	[sflag:s23] =	ssyncset.done $0x0  }
0x1e: {  	[sflag:s23] =	ssyncadd.s32 s4;
	_ =	sdelay $0x1  }
0x1f: {  	s24 =	simm.s32 $0x1B8B  }
0x20: {  	_ =	swait.ge [sflag:s24], $0x1  }
0x21: {  	[sflag:s24] =	ssyncset.done $0x0  }
0x22: {  	s26 =	simm.s32 $0x1B8E;
	s25 =	sld [smem:$0x3FFE];
	[sflag:s24] =	ssyncadd.s32 $0xFFFFFFFF  }
0x23: {  	s27 =	simm.s32 $execute0_lowered;
	[smem:$0x3FD2] =	sst s26  }
0x24: {  	s5 =	sshll.u32 s27, $0x1;
	_ =	strace $0x80000049;
	[dreg:$0x1] =	wrdreg $0xFFFFFFFF  }
0x25: {  	s28 =	simm.s32 $_size_execute0_lowered;
	s3 =	sadd.s32 s3, s5;
	[dreg:$0x0] =	wrdreg $0x0  }
0x26: {  	s5 =	sshll.u32 s28, $0x1;
	[dreg:$0x2] =	wrdreg s3  }
0x27: {  	[dreg:$0x3] =	wrdreg s5  }
0x28: {  	[dreg:$0x4] =	wrdreg $0xC0  }
0x29: {  	_ =	task [dreg:s7], $0x5FFFF  }
0x2a: {  	[dreg:$0x1] =	wrdreg $0xFFFFFFFF  }
0x2b: {  	[dreg:$0x0] =	wrdreg $0x60  }
0x2c: {  	[dreg:$0x2] =	wrdreg s25  }
0x2d: {  	[dreg:$0x3] =	wrdreg s17  }
0x2e: {  	[dreg:$0x4] =	wrdreg $0x9  }
0x2f: {  	_ =	task.clear_ibuf [dreg:s7], $0x5FFFF;
	_ =	strace $0x90000049  }
0x30: {  	s29 =	simm.s32 $0x9;
	_ =	strace $0x8000004B  }
0x31: {  	_ =	swait.ge [sflag:s29], $0x1  }
0x32: {  	[sflag:s29] =	ssyncadd.s32 $0xFFFFFFFF  }
0x33: {  	_ =	strace $0x9000004B  }
0x34: {  	_ =	sfence  }
0x35: {  	s30 =	sld [smem:$0x0];
	_ =	sdelay $0x2  }
0x36: {  	s31 =	sshll.u32 s1, $0xD;
	s1 =	sshrl.u32 s1, $0x2  }
0x37: {  	s3 =	sand.u32 $0x4000, s31;
	s1 =	sadd.s32 s1, s30  }
0x38: {  	s0 =	sor.u32 s3, s0;
	s1 =	sshll.u32 s1, $0x11  }
0x39: {  	s0 =	sor.u32 s1, s0  }
0x3a: {  	s0 =	sadd.s32 $0x8F2B, s0  }
0x3b: {  	[sflag:s0] =	ssyncadd.remote.s32 $0x1  }
0x3c: {  	_ =	sfence.sel $0xFFFF  }
0x3d: {  	[dreg:$0x0] =	wrdreg $0xFFFFFFFF;
	(pc) =	sbr.abs _section_cstart, $3  }
0x3e: {  	[dreg:$0x1] =	wrdreg $0xFFFFFFFF  }
0x3f: {  	_ =	task.clear_ibuf [dreg:s7], $0x2FFFF;
	_ =	strace $0x9FFFFFFF  }
0x40: {  	(tm) =	ssettm $0x7FFFFFFF  }
0x41: {  	_ =	shalt  }
tec
execute0_lowered:
.L_overlay_start_1:
0x0: {  	(tag) =	ssettag $0x1  }
0x1: {  	s0 =	srdreg.scid  }
0x2: {  	s1 =	sshll.u32 s0, $0x4  }
0x3: {  	s0 =	stileid.u32;
	s1 =	sand.u32 $0x10, s1  }
0x4: {  	s1 =	sor.u32 s0, s1  }
0x5: {  	s6 =	rddreg [dreg:$0x0];
	s4 =	simm.s32 $0x1;
	s2 =	sshll.u32 s1, $0x7  }
0x6: {  	s7 =	simm.s32 $0x2;
	s12 =	simm.s32 $0x0;
	s1 =	ssub.s32 $0x1000, s2  }
0x7: {  	s8 =	simm.s32 $0x8000;
	s13 =	simm.s32 $0x0;
	s3 =	sand.u32 $0xF80, s1  }
0x8: {  	s9 =	simm.s32 $0x0;
	s5 =	sshrl.u32 s1, $0xC;
	p0 =	sne.s32 s3, $0x0  }
.Ltmp0:
0x9: {  	s1 =	rddreg [dreg:$0x2];
	s4 =	simm.s32 @!p0 $0x0;
	(pc) =	sbr.rel .LBB1_1-.Ltmp0, $4  }
0xa: {  	s11 =	simm.s32 $0x0;
	s3 =	rddreg [dreg:$0x1];
	s5 =	sadd.s32 s4, s5  }
0xb: {  	_ =	strace $0x8000004A;
	s4 =	simm.s32 $0x1;
	s5 =	smul.u32 $0x32, s5  }
0xc: {  	s6 =	sadd.s32 $0x2C00, s6;
	s10 =	smov.u32 s2;
	[sflag:s4] =	ssyncpa.u1 $0x0  }
0xd: {  	p0 =	por $0x0, $0x0;
	[sflag:s7] =	ssyncpa.u1 $0x0;
	s7 =	sor.u32 $0x1, s5  }
.LBB1_4:
0xe: {  	s16 =	sshll.u32 s13, $0x3;
	s17 =	sand.u32 $0x78, s13  }
0xf: {  	s30 =	sand.u32 $0x7E00, s13;
	s12 =	sshll.u32 s12, $0xF;
	s16 =	sand.u32 $0xC00, s16  }
0x10: {  	[tilespmem:s15+$0x810 ss:$0x81] =	vst.msk $0xffff, v2;
	s31 =	sand.u32 $0x7, s13;
	s16 =	sor.u32 s17, s16;
	s17 =	sadd.s32 s3, s30  }
0x11: {  	[tilespmem:s15+$0x1020 ss:$0x81] =	vst.msk $0xffff, v0;
	s13 =	sshll.u32 s31, $0x12;
	s12 =	sadd.s32 s12, s17;
	s16 =	sshrl.u32 s16, $0x3  }
0x12: {  	[tilespmem:s15+$0x0 ss:$0x81] =	vst.msk $0xffff, v1;
	s13 =	sor.u32 $0x400, s13;
	s12 =	sadd.s32 s16, s12  }
0x13: {  	[hbm4b:s12+s13] =	stream.strided.scatter [tilespmem:s14], [sflag:$0x2], $0x2000, s8, s13, $0x20;
	[tilespmem:$0x8080] =	vst v63  }
.LBB1_5:
0x14: {  	s14 =	sadd.s32 $0x1, s9  }
0x15: {  	s12 =	sadd.s32 $0x1000, s10;
	s16 =	smov.u32 s10;
	p2 =	sgt.s32 s14, $0x31  }
0x16: {  	s16 =	smov.u32 @p2 s12  }
0x17: {  	s14 =	simm.s32 @p2 $0x0;
	p2 =	sgt.s32 s16, $0xFFF  }
0x18: {  	s16 =	smov.u32 @p2 s2;
	p2 =	sne.s32 s11, s7  }
.Ltmp1:
0x19: {  	p1 =	slt.u32 s11, $0x2;
	(pc) =	sbr.rel @!p2 .LBB1_6-.Ltmp1, $4  }
0x1a: {  	s15 =	simm.s32 @!p1 $0x2  }
0x1b: {  	s13 =	smov.u32 s10;
	p0 =	por !p0, !p0;
	_ =	swait.ge @!p1 [sflag:s15], $0x2000  }
0x1c: {  	s12 =	smov.u32 s9;
	[sflag:s15] =	ssyncset.done @!p1 $0x0;
	s9 =	smov.u32 s14  }
0x1d: {  	s11 =	sadd.s32 $0x1, s11;
	[sflag:s15] =	ssyncadd.s32 @!p1 $0xFFFFE000;
	s10 =	smov.u32 s16  }
.LBB1_1:
0x1e: {  	p1 =	sge.u32 s11, s5  }
0x1f: {  	s14 =	sand.u32 @!p1 $0x1FFFFFF, s9  }
0x20: {  	s15 =	smulhi.u32 @!p1 $0x4924925, s14;
	_ =	sdelay $0x1  }
0x21: {  	s15 =	smul.u32 @!p1 $0x38, s15  }
0x22: {  	s16 =	sxor.u32 @!p1 $0xFFFFFFFF, s11;
	s17 =	smul.u32 @!p1 $0x380, s10  }
0x23: {  	s31 =	sadd.s32 $0xFFFFFFFF, s11;
	s16 =	sshll.u32 @!p1 s16, $0xD;
	s14 =	ssub.s32 @!p1 s14, s15  }
0x24: {  	s15 =	sand.u32 @!p1 $0x2000, s16;
	s16 =	sadd.s32 @!p1 s6, s17;
	s14 =	sshll.u32 @!p1 s14, $0x4  }
0x25: {  	s17 =	simm.s32 @!p1 $0x1C00;
	s14 =	sadd.s32 @!p1 s14, s16;
	s16 =	simm.s32 @!p1 $0x40  }
0x26: {  	[tilespmem:s15], [sflag:$0x1] =	stream.strided.gather @!p1 [hbm4b:s14+s16], $0x2000, s17, s16, $0x38;
	[tilespmem:$0x8080] =	vst v63  }
0x27: {  	p1 =	sge.u32 s31, s5  }
.Ltmp2:
0x28: {  	_ = 	snop;
	(pc) =	sbr.rel @p1 .LBB1_5-.Ltmp2, $1  }
0x29: {  	_ =	sdelay $0x3  }
0x2a: {  	s14 =	simm.s32 $0x1  }
0x2b: {  	_ =	swait.ge [sflag:s4], $0x2000;
	s14 =	simm.s32 @!p0 $0x0  }
0x2c: {  	[sflag:s4] =	ssyncset.done $0x0;
	s15 =	sshll.u32 s14, $0xD  }
0x2d: {  	[sflag:s4] =	ssyncadd.s32 $0xFFFFE000;
	s18 =	sor.u32 $0x20, s15  }
0x2e: {  	s14 =	smul.u32 $0x8100, s14;
	v3 =	vld [tilespmem:s18+$0x10]  }
0x2f: {  	s30 =	sand.u32 $0x1, s11;
	v2 =	vld [tilespmem:s18+$0xFFFFFFF0]  }
0x30: {  	s15 =	smul.u32 $0x8100, s30;
	s14 =	sshrl.u32 s14, $0x2;
	v0 =	vld [tilespmem:s18+$0x0]  }
0x31: {  	v1 =	vld [tilespmem:s18+$0xFFFFFFE0];
	s16 =	sor.u32 $0x4000, s14  }
0x32: {  	s31 =	sshrl.u32 s15, $0x2;
	s15 =	sadd.s32 $0x0, s16  }
0x33: {  	s17 =	simm.s32 $0x4;
	s18 =	sadd.s32 $0x40, s18;
	s14 =	sor.u32 $0x4000, s31;
	[tilespmem:s15+$0x1830 ss:$0x81] =	vst.msk $0xffff, v3  }
.LBB1_3:
0x34: {  	v3 =	vld [tilespmem:s18+$0x10];
	p1 =	sne.s32 s17, $0x1FC;
	[tilespmem:s15+$0x810 ss:$0x81] =	vst.msk $0xffff, v2;
	s19 =	smov.u32 s17;
	s17 =	sadd.s32 $0x4, s17  }
.Ltmp3:
0x35: {  	v2 =	vld [tilespmem:s18+$0xFFFFFFF0];
	[tilespmem:s15+$0x1020 ss:$0x81] =	vst.msk $0xffff, v0;
	(pc) =	sbr.rel @p1 .LBB1_3-.Ltmp3, $4  }
0x36: {  	v0 =	vld [tilespmem:s18+$0x0];
	[tilespmem:s15+$0x0 ss:$0x81] =	vst.msk $0xffff, v1  }
0x37: {  	s15 =	sshra.s32 s19, $0x2;
	v1 =	vld [tilespmem:s18+$0xFFFFFFE0]  }
0x38: {  	s15 =	sadd.s32 s15, s16  }
0x39: {  	s18 =	sadd.s32 $0x40, s18;
	[tilespmem:s15+$0x1830 ss:$0x81] =	vst.msk $0xffff, v3  }
.Ltmp4:
0x3a: {  	_ = 	snop;
	(pc) =	sbr.rel .LBB1_4-.Ltmp4, $1  }
0x3b: {  	_ =	sdelay $0x3  }
.LBB1_6:
0x3c: {  	_ =	sfence.sel $0x180000  }
0x3d: {  	s2 =	simm.s32 $0x1;
	[bflag:$0x0] =	sbarrier.arrive $0xFFFF  }
0x3e: {  	s31 =	simm.s32 $0x2;
	[sflag:s2] =	ssyncpa.u1 $0x1  }
0x3f: {  	[sflag:s31] =	ssyncpa.u1 $0x1  }
0x40: {  	p0 =	sne.s32 s0, $0x0;
	_ =	strace $0x9000004A  }
0x41: {  	s0 =	sadd.s32 @!p0 $0x100000, s1;
	[bflag:$0x2] =	sbarrier.arrive $0xFFFF  }
0x42: {  	[sflag:s0] =	ssyncadd.tile.s32 @!p0 $0x1;
	_ =	shalt  }
.Lfunc_end1:
_tile_overlayer_lowered:
.L_overlay_start_2:
0x43: {  	(tag) =	ssettag $0x2  }
0x44: {  	s0 =	rddreg [dreg:$0x0];
	s2 =	stileid.u32  }
0x45: {  	s1 =	rddreg [dreg:$0x1];
	p0 =	sne.s32 s2, $0x0  }
0x46: {  	s3 =	rddreg [dreg:$0x2];
	[bflag:$0x3] =	sbarrier.arrive $0xFFFF;
	s2 =	simm.s32 @!p0 $0x1C01  }
0x47: {  	[timem:s3], [sflag:s2] =	dma.local @!p0 [hbm:s0], s1  }
0x48: {  	s0 =	simm.s32 @!p0 $0x1  }
0x49: {  	_ =	swait.ge @!p0 [sflag:s0], s1  }
0x4a: {  	s1 =	ssub.s32 @!p0 $0x0, s1;
	[sflag:s0] =	ssyncset.done @!p0 $0x0  }
0x4b: {  	[sflag:s0] =	ssyncadd.s32 @!p0 s1  }
0x4c: {  	[bflag:$0x3] =	sbarrier.arrive $0xFFFF  }
0x4d: {  	_ =	shalt  }

</sc_bundles>
